<compile_context>
chip_gen: v7x
topology: tpu7x:2x2x1
jax: 0.10.2.dev20260603
libtpu: 0.0.44.dev20260713+nightly
codegen_flags: <defaults>
</compile_context>

<pallas_src>
import functools

import jax
import jax.numpy as jnp
from jax import lax
from jax.experimental import pallas as pl
from jax.experimental.pallas import tpu as pltpu
from jax.experimental.pallas import tpu_sc as plsc

GRID_H = 90
GRID_W = 160
HW = GRID_H * GRID_W
HH = HW // 2
ACC = 7232
CHUNK = 256
NSUB = CHUNK // 128

_mesh = plsc.VectorSubcoreMesh(core_axis_name="c", subcore_axis_name="s")


def _make_sc_bin(B, N):
    nchunk = N // CHUNK

    @functools.partial(
        pl.kernel, mesh=_mesh,
        out_type=[jax.ShapeDtypeStruct((B, 2, 2, HH, 128), jnp.float32)],
        scratch_types=[pltpu.VMEM_SHARED((ACC, 128), jnp.float32),
                       pltpu.VMEM((CHUNK, 128), jnp.float32),
                       pltpu.VMEM((NSUB, 1, 128), jnp.int32)],
    )
    def sc_bin(ef_hbm, idx_hbm, zeros_hbm, sums_hbm, shared_v, slab_v, idxc_v):
        cid = lax.axis_index("c")
        sid = lax.axis_index("s")

        @pl.when(sid == 0)
        def _():
            for r in range(B):
                for h in range(2):

                    def zero_body(k, _):
                        pltpu.sync_copy(zeros_hbm,
                                        shared_v.at[pl.ds(k * 904, 904)])
                        return 0

                    lax.fori_loop(0, 8, zero_body, 0)

                    def chunk_body(c, _):
                        base = r * N + c * CHUNK
                        pltpu.sync_copy(ef_hbm.at[cid, pl.ds(base, CHUNK), :],
                                        slab_v)
                        pltpu.sync_copy(idx_hbm.at[h, pl.ds(base // 128, NSUB)],
                                        idxc_v)
                        for j in range(NSUB):
                            pltpu.sync_copy(slab_v.at[pl.ds(j * 128, 128), :],
                                            shared_v.at[idxc_v.at[j, 0]],
                                            add=True)
                        return 0

                    lax.fori_loop(0, nchunk, chunk_body, 0)

                    def wb_body(k, _):
                        pltpu.sync_copy(
                            shared_v.at[pl.ds(k * 1440, 1440)],
                            sums_hbm.at[r, cid, h, pl.ds(k * 1440, 1440)])
                        return 0

                    lax.fori_loop(0, 5, wb_body, 0)

    return sc_bin


def _div_kernel(feat_ref, cnt_ref, out_ref):
    out_ref[...] = feat_ref[...] / cnt_ref[...]


def kernel(event_features, positions, mask, conv1_w, conv1_b, conv2_w, conv2_b, top_k):
    B, N, D = event_features.shape
    gh, gw = GRID_H, GRID_W

    pos = lax.stop_gradient(positions)
    x_bins = jnp.clip((pos[:, :, 0] * (gw - 1)).astype(jnp.int32), 0, gw - 1)
    y_bins = jnp.clip((pos[:, :, 1] * (gh - 1)).astype(jnp.int32), 0, gh - 1)
    idx = y_bins * gw + x_bins
    g = idx.reshape(-1)
    idx_h = jnp.stack([jnp.where((g >= h * HH) & (g < (h + 1) * HH), g - h * HH, HH)
                       for h in range(2)]).reshape(2, -1, 1, 128)

    feat = (event_features * mask[:, :, None]).reshape(B * N, D)
    ef2 = feat.reshape(B * N, 2, 128).transpose(1, 0, 2)
    zeros = jnp.zeros((904, 128), jnp.float32)
    (sums5,) = _make_sc_bin(B, N)(ef2, idx_h, zeros)
    feature_sums = sums5.transpose(0, 2, 3, 1, 4).reshape(B * gh * gw, D)

    flat_idx = (idx + jnp.arange(B, dtype=jnp.int32)[:, None] * (gh * gw)).reshape(-1)
    count_grid = jnp.zeros((B * gh * gw,), jnp.float32).at[flat_idx].add(mask.reshape(-1))
    count_grid = jnp.clip(count_grid, 1.0, None)

    feature_grid = pl.pallas_call(
        _div_kernel,
        grid=(32,),
        in_specs=[
            pl.BlockSpec((1800, D), lambda i: (i, 0)),
            pl.BlockSpec((1800, D), lambda i: (i, 0)),
        ],
        out_specs=pl.BlockSpec((1800, D), lambda i: (i, 0)),
        out_shape=jax.ShapeDtypeStruct((B * gh * gw, D), jnp.float32),
    )(feature_sums, count_grid[:, None] * jnp.ones((1, D), jnp.float32))

    feature_grid = feature_grid.reshape(B, gh, gw, D).transpose(0, 3, 1, 2)

    def conv2d(x, w, b):
        out = lax.conv_general_dilated(
            x, w, window_strides=(1, 1), padding='SAME',
            dimension_numbers=('NCHW', 'OIHW', 'NCHW'))
        return out + b[None, :, None, None]

    x = jax.nn.relu(conv2d(feature_grid, conv1_w, conv1_b))
    x = conv2d(x, conv2_w, conv2_b)
    B2, C, H, W = x.shape
    heatmap = jax.nn.softmax(x[:, :64].reshape(B2, 8, 8, H, W), axis=1)
    heatmap = heatmap.transpose(0, 3, 1, 4, 2).reshape(B2, H * 8, W * 8)
    scores = heatmap.reshape(B2, -1)
    topk_scores, topk_indices = lax.top_k(scores, 500)
    topk_scores = topk_scores + (jnp.asarray(top_k) - jnp.asarray(top_k)).astype(topk_scores.dtype)
    keypoints_y = (topk_indices // (W * 8)).astype(jnp.float32) / (H * 8)
    keypoints_x = (topk_indices % (W * 8)).astype(jnp.float32) / (W * 8)
    keypoints = jnp.stack([keypoints_x, keypoints_y], axis=-1)
    return (keypoints, topk_scores, feature_grid)

# --- scband reference (transcript-rebuilt; emitter-appended) ---
"""Pipeline reference for scband-keypoint-detector-28991029248088 (READ-ONLY COPY).

The authoritative reference and input builder live on the scoring server;
editing this copy changes nothing except your own understanding.
"""

import jax, jax.numpy as jnp
import numpy as np

GRID_H = 90
GRID_W = 160


def conv2d(x, w, b):
    out = jax.lax.conv_general_dilated(x, w, window_strides=(1, 1), padding='SAME', dimension_numbers=('NCHW', 'OIHW', 'NCHW'))
    return out + b[None, :, None, None]


def setup_inputs(seed: int = 0):
    key = jax.random.key(seed)
    ks = jax.random.split(key, 6)
    B, N, D = 4, 8192, 256
    event_features = jax.random.normal(ks[0], (B, N, D), dtype=jnp.float32)
    positions = jax.random.uniform(ks[1], (B, N, 2), dtype=jnp.float32)
    mask = jnp.ones((B, N), dtype=jnp.float32)
    conv1_w = jax.random.normal(ks[2], (D, D, 3, 3), dtype=jnp.float32) * 0.02
    conv1_b = jnp.zeros((D,), dtype=jnp.float32)
    conv2_w = jax.random.normal(ks[3], (65, D, 3, 3), dtype=jnp.float32) * 0.02
    conv2_b = jnp.zeros((65,), dtype=jnp.float32)
    return {"event_features": event_features, "positions": positions, "mask": mask, "conv1_w": conv1_w, "conv1_b": conv1_b, "conv2_w": conv2_w, "conv2_b": conv2_b, "top_k": 500}


def spatial_binning(event_features, positions, mask):
    B, N, D = event_features.shape
    gh, gw = GRID_H, GRID_W
    pos = jax.lax.stop_gradient(positions)
    x_bins = jnp.clip((pos[:, :, 0] * (gw - 1)).astype(jnp.int32), 0, gw - 1)
    y_bins = jnp.clip((pos[:, :, 1] * (gh - 1)).astype(jnp.int32), 0, gh - 1)
    idx = y_bins * gw + x_bins
    flat_idx = (idx + jnp.arange(B, dtype=jnp.int32)[:, None] * (gh * gw)).reshape(-1)
    masked_features = event_features * mask[:, :, None]
    feat_flat = masked_features.reshape(B * N, D)
    feature_grid = jnp.zeros((B * gh * gw, D), dtype=jnp.float32).at[flat_idx].add(feat_flat)
    count_grid = jnp.zeros((B * gh * gw,), dtype=jnp.float32).at[flat_idx].add(mask.reshape(-1))
    count_grid = jnp.clip(count_grid, 1.0, None)
    feature_grid = feature_grid / count_grid[:, None]
    return feature_grid.reshape(B, gh, gw, D).transpose(0, 3, 1, 2)


def reference(event_features, positions, mask, conv1_w, conv1_b, conv2_w, conv2_b, top_k):
    feature_grid = spatial_binning(event_features, positions, mask)
    x = jax.nn.relu(conv2d(feature_grid, conv1_w, conv1_b))
    x = conv2d(x, conv2_w, conv2_b)
    B, C, H, W = x.shape
    heatmap = jax.nn.softmax(x[:, :64].reshape(B, 8, 8, H, W), axis=1)
    heatmap = heatmap.transpose(0, 3, 1, 4, 2).reshape(B, H * 8, W * 8)
    scores = heatmap.reshape(B, -1)
    top_k_static = 500
    topk_scores, topk_indices = jax.lax.top_k(scores, top_k_static)
    topk_scores = topk_scores + (jnp.asarray(top_k) - jnp.asarray(top_k)).astype(topk_scores.dtype)
    keypoints_y = (topk_indices // (W * 8)).astype(jnp.float32) / (H * 8)
    keypoints_x = (topk_indices % (W * 8)).astype(jnp.float32) / (W * 8)
    keypoints = jnp.stack([keypoints_x, keypoints_y], axis=-1)
    return (keypoints, topk_scores, feature_grid)

if __name__ == "__main__":
    import jax
    _d = setup_inputs()
    print(jax.jit(kernel)(*tuple(_d.values())))

</pallas_src>

<mosaic_0001>
#map = affine_map<(d0, d1) -> (0, 0, 0)>
#map1 = affine_map<(d0, d1) -> (0, 0, 0, 0)>
#map2 = affine_map<(d0, d1) -> (0, 0)>
#map3 = affine_map<(d0, d1) -> (0, 0, 0, 0, 0)>
module attributes {stable_mosaic.version = 14 : i64} {
  func.func @sc_bin(%arg0: i32, %arg1: i32, %arg2: memref<2x32768x128xf32, #tpu.memory_space<hbm>>, %arg3: memref<2x256x1x128xi32, #tpu.memory_space<hbm>>, %arg4: memref<904x128xf32, #tpu.memory_space<hbm>>, %arg5: memref<4x2x2x7200x128xf32, #tpu.memory_space<hbm>>, %arg6: memref<7232x128xf32, #tpu.memory_space<vmem_shared>>, %arg7: memref<256x128xf32, #tpu.memory_space<vmem>>, %arg8: memref<2x1x128xi32, #tpu.memory_space<vmem>>) attributes {dimension_semantics = [#tpu.dimension_semantics<core_parallel>, #tpu.dimension_semantics<subcore_parallel>], iteration_bounds = array<i64: 2, 16>, scalar_prefetch = 0 : i64, scratch_operands = 3 : i64, tpu.core_type = #tpu.core_type<sc_vector_subcore>, window_params = [{transform_indices = #map}, {transform_indices = #map1}, {transform_indices = #map2}, {transform_indices = #map3}]} {
    %eq3A = arith.constant 0 : i32
    %eq3A_0 = arith.cmpi eq, %arg1, %eq3A : i32
    %convert_element_type3A = arith.extui %eq3A_0 : i1 to i32
    %cond3A = arith.constant 0 : i32
    %cond3A_1 = arith.cmpi ne, %convert_element_type3A, %cond3A : i32
    scf.if %cond3A_1 {
      %scan3A = arith.constant 0 : i32
      %scan3A_2 = arith.constant 0 : i32
      %scan3A_3 = arith.constant 8 : i32
      %scan3A_4 = arith.addi %scan3A_2, %scan3A_3 : i32
      %scan3A_5 = arith.constant 1 : i32
      %scan3A_6 = scf.for %scan3A_169 = %scan3A_2 to %scan3A_4 step %scan3A_5 iter_args(%scan3A_170 = %scan3A) -> (i32)  : i32 {
        %mul3A = arith.constant 904 : i32
        %mul3A_171 = arith.muli %scan3A_169, %mul3A : i32
        "tpu.region"() ({
          %run_scoped3A = tpu.sem_alloc : memref<!tpu.dma_semaphore, #tpu.memory_space<semaphore_mem>>
          %dma_start3A = arith.constant 0 : i32
          %dma_start3A_173 = tpu.memref_slice %arg6[%mul3A_171, %dma_start3A] : memref<7232x128xf32, #tpu.memory_space<vmem_shared>> -> memref<904x128xf32, #tpu.memory_space<vmem_shared>>
          tpu.enqueue_dma source(%arg4 : memref<904x128xf32, #tpu.memory_space<hbm>>) target(%dma_start3A_173 : memref<904x128xf32, #tpu.memory_space<vmem_shared>>) target_semaphore(%run_scoped3A : memref<!tpu.dma_semaphore, #tpu.memory_space<semaphore_mem>>)
          %dma_wait3A = arith.constant 0 : i32
          %dma_wait3A_174 = tpu.memref_slice %arg6[%mul3A_171, %dma_wait3A] : memref<7232x128xf32, #tpu.memory_space<vmem_shared>> -> memref<904x128xf32, #tpu.memory_space<vmem_shared>>
          tpu.wait_dma2 semaphore(%run_scoped3A : memref<!tpu.dma_semaphore, #tpu.memory_space<semaphore_mem>>) src(%arg4 : memref<904x128xf32, #tpu.memory_space<hbm>>) dst(%dma_wait3A_174 : memref<904x128xf32, #tpu.memory_space<vmem_shared>>)
          tpu.yield
        }) : () -> ()
        %scan3A_172 = arith.constant 0 : i32
        scf.yield %scan3A_172 : i32
      }
      %scan3A_7 = arith.constant 8 : i32
      %scan3A_8 = arith.constant 0 : i32
      %scan3A_9 = arith.constant 0 : i32
      %scan3A_10 = arith.constant 32 : i32
      %scan3A_11 = arith.addi %scan3A_9, %scan3A_10 : i32
      %scan3A_12 = arith.constant 1 : i32
      %scan3A_13 = scf.for %scan3A_169 = %scan3A_9 to %scan3A_11 step %scan3A_12 iter_args(%scan3A_170 = %scan3A_8) -> (i32)  : i32 {
        %mul3A = arith.constant 256 : i32
        %mul3A_171 = arith.muli %scan3A_169, %mul3A : i32
        %add3A = arith.constant 0 : i32
        %add3A_172 = arith.addi %add3A, %mul3A_171 : i32
        "tpu.region"() ({
          %run_scoped3A_194 = tpu.sem_alloc : memref<!tpu.dma_semaphore, #tpu.memory_space<semaphore_mem>>
          %dma_start3A = arith.constant 0 : i32
          %dma_start3A_195 = tpu.memref_slice %arg2[%arg0, %add3A_172, %dma_start3A] : memref<2x32768x128xf32, #tpu.memory_space<hbm>> -> memref<1x256x128xf32, #tpu.memory_space<hbm>>
          %dma_start3A_196 = tpu.memref_squeeze %dma_start3A_195 : memref<1x256x128xf32, #tpu.memory_space<hbm>> -> memref<256x128xf32, #tpu.memory_space<hbm>>
          %dma_start3A_197 = arith.constant 0 : i32
          %dma_start3A_198 = tpu.memref_slice %arg2[%arg0, %add3A_172, %dma_start3A_197] : memref<2x32768x128xf32, #tpu.memory_space<hbm>> -> memref<1x256x128xf32, #tpu.memory_space<hbm>>
          %dma_start3A_199 = tpu.memref_squeeze %dma_start3A_198 : memref<1x256x128xf32, #tpu.memory_space<hbm>> -> memref<256x128xf32, #tpu.memory_space<hbm>>
          tpu.enqueue_dma source(%dma_start3A_199 : memref<256x128xf32, #tpu.memory_space<hbm>>) target(%arg7 : memref<256x128xf32, #tpu.memory_space<vmem>>) target_semaphore(%run_scoped3A_194 : memref<!tpu.dma_semaphore, #tpu.memory_space<semaphore_mem>>)
          %dma_wait3A = arith.constant 0 : i32
          %dma_wait3A_200 = tpu.memref_slice %arg2[%arg0, %add3A_172, %dma_wait3A] : memref<2x32768x128xf32, #tpu.memory_space<hbm>> -> memref<1x256x128xf32, #tpu.memory_space<hbm>>
          %dma_wait3A_201 = tpu.memref_squeeze %dma_wait3A_200 : memref<1x256x128xf32, #tpu.memory_space<hbm>> -> memref<256x128xf32, #tpu.memory_space<hbm>>
          %dma_wait3A_202 = arith.constant 0 : i32
          %dma_wait3A_203 = tpu.memref_slice %arg2[%arg0, %add3A_172, %dma_wait3A_202] : memref<2x32768x128xf32, #tpu.memory_space<hbm>> -> memref<1x256x128xf32, #tpu.memory_space<hbm>>
          %dma_wait3A_204 = tpu.memref_squeeze %dma_wait3A_203 : memref<1x256x128xf32, #tpu.memory_space<hbm>> -> memref<256x128xf32, #tpu.memory_space<hbm>>
          tpu.wait_dma2 semaphore(%run_scoped3A_194 : memref<!tpu.dma_semaphore, #tpu.memory_space<semaphore_mem>>) src(%dma_wait3A_204 : memref<256x128xf32, #tpu.memory_space<hbm>>) dst(%arg7 : memref<256x128xf32, #tpu.memory_space<vmem>>)
          tpu.yield
        }) : () -> ()
        %jit3A = arith.constant 128 : i32
        %div3A = arith.divsi %add3A_172, %jit3A : i32
        %sign3A = arith.constant 0 : i32
        %sign3A_173 = arith.cmpi sgt, %add3A_172, %sign3A : i32
        %sign3A_174 = arith.extui %sign3A_173 : i1 to i32
        %sign3A_175 = arith.constant 0 : i32
        %sign3A_176 = arith.cmpi slt, %add3A_172, %sign3A_175 : i32
        %sign3A_177 = arith.extui %sign3A_176 : i1 to i32
        %sign3A_178 = arith.subi %sign3A_174, %sign3A_177 : i32
        %sign3A_179 = arith.constant 0 : i32
        %sign3A_180 = arith.cmpi sgt, %jit3A, %sign3A_179 : i32
        %sign3A_181 = arith.extui %sign3A_180 : i1 to i32
        %sign3A_182 = arith.constant 0 : i32
        %sign3A_183 = arith.cmpi slt, %jit3A, %sign3A_182 : i32
        %sign3A_184 = arith.extui %sign3A_183 : i1 to i32
        %sign3A_185 = arith.subi %sign3A_181, %sign3A_184 : i32
        %ne3A = arith.cmpi ne, %sign3A_178, %sign3A_185 : i32
        %rem3A = arith.remsi %add3A_172, %jit3A : i32
        %ne3A_186 = arith.constant 0 : i32
        %ne3A_187 = arith.cmpi ne, %rem3A, %ne3A_186 : i32
        %and3A = arith.andi %ne3A, %ne3A_187 : i1
        %sub3A = arith.constant 1 : i32
        %sub3A_188 = arith.subi %div3A, %sub3A : i32
        %select_n3A = arith.select %and3A, %sub3A_188, %div3A : i32
        %run_scoped3A = arith.constant 0 : i32
        "tpu.region"() ({
          %run_scoped3A_194 = tpu.sem_alloc : memref<!tpu.dma_semaphore, #tpu.memory_space<semaphore_mem>>
          %dma_start3A = arith.constant 0 : i32
          %dma_start3A_195 = arith.constant 0 : i32
          %dma_start3A_196 = tpu.memref_slice %arg3[%run_scoped3A, %select_n3A, %dma_start3A, %dma_start3A_195] : memref<2x256x1x128xi32, #tpu.memory_space<hbm>> -> memref<1x2x1x128xi32, #tpu.memory_space<hbm>>
          %dma_start3A_197 = tpu.memref_squeeze %dma_start3A_196 : memref<1x2x1x128xi32, #tpu.memory_space<hbm>> -> memref<2x1x128xi32, #tpu.memory_space<hbm>>
          %dma_start3A_198 = arith.constant 0 : i32
          %dma_start3A_199 = arith.constant 0 : i32
          %dma_start3A_200 = tpu.memref_slice %arg3[%run_scoped3A, %select_n3A, %dma_start3A_198, %dma_start3A_199] : memref<2x256x1x128xi32, #tpu.memory_space<hbm>> -> memref<1x2x1x128xi32, #tpu.memory_space<hbm>>
          %dma_start3A_201 = tpu.memref_squeeze %dma_start3A_200 : memref<1x2x1x128xi32, #tpu.memory_space<hbm>> -> memref<2x1x128xi32, #tpu.memory_space<hbm>>
          tpu.enqueue_dma source(%dma_start3A_201 : memref<2x1x128xi32, #tpu.memory_space<hbm>>) target(%arg8 : memref<2x1x128xi32, #tpu.memory_space<vmem>>) target_semaphore(%run_scoped3A_194 : memref<!tpu.dma_semaphore, #tpu.memory_space<semaphore_mem>>)
          %dma_wait3A = arith.constant 0 : i32
          %dma_wait3A_202 = arith.constant 0 : i32
          %dma_wait3A_203 = tpu.memref_slice %arg3[%run_scoped3A, %select_n3A, %dma_wait3A, %dma_wait3A_202] : memref<2x256x1x128xi32, #tpu.memory_space<hbm>> -> memref<1x2x1x128xi32, #tpu.memory_space<hbm>>
          %dma_wait3A_204 = tpu.memref_squeeze %dma_wait3A_203 : memref<1x2x1x128xi32, #tpu.memory_space<hbm>> -> memref<2x1x128xi32, #tpu.memory_space<hbm>>
          %dma_wait3A_205 = arith.constant 0 : i32
          %dma_wait3A_206 = arith.constant 0 : i32
          %dma_wait3A_207 = tpu.memref_slice %arg3[%run_scoped3A, %select_n3A, %dma_wait3A_205, %dma_wait3A_206] : memref<2x256x1x128xi32, #tpu.memory_space<hbm>> -> memref<1x2x1x128xi32, #tpu.memory_space<hbm>>
          %dma_wait3A_208 = tpu.memref_squeeze %dma_wait3A_207 : memref<1x2x1x128xi32, #tpu.memory_space<hbm>> -> memref<2x1x128xi32, #tpu.memory_space<hbm>>
          tpu.wait_dma2 semaphore(%run_scoped3A_194 : memref<!tpu.dma_semaphore, #tpu.memory_space<semaphore_mem>>) src(%dma_wait3A_208 : memref<2x1x128xi32, #tpu.memory_space<hbm>>) dst(%arg8 : memref<2x1x128xi32, #tpu.memory_space<vmem>>)
          tpu.yield
        }) : () -> ()
        %run_scoped3A_189 = arith.constant 0 : i32
        %run_scoped3A_190 = arith.constant 0 : i32
        "tpu.region"() ({
          %run_scoped3A_194 = tpu.sem_alloc : memref<!tpu.dma_semaphore, #tpu.memory_space<semaphore_mem>>
          %dma_start3A = arith.constant 0 : i32
          %dma_start3A_195 = arith.constant 0 : i32
          %dma_start3A_196 = tpu.memref_slice %arg7[%dma_start3A, %dma_start3A_195] : memref<256x128xf32, #tpu.memory_space<vmem>> -> memref<128x128xf32, #tpu.memory_space<vmem>>
          %dma_start3A_197 = arith.constant 0 : i32
          %dma_start3A_198 = tpu.memref_slice %arg8[%run_scoped3A_189, %run_scoped3A_190, %dma_start3A_197] : memref<2x1x128xi32, #tpu.memory_space<vmem>> -> memref<1x1x128xi32, #tpu.memory_space<vmem>>
          %dma_start3A_199 = tpu.memref_squeeze %dma_start3A_198 : memref<1x1x128xi32, #tpu.memory_space<vmem>> -> memref<128xi32, #tpu.memory_space<vmem>>
          %dma_start3A_200 = arith.constant 0 : i32
          %dma_start3A_201 = arith.constant 0 : i32
          %dma_start3A_202 = tpu.memref_slice %arg6[%dma_start3A_200, %dma_start3A_201] : memref<7232x128xf32, #tpu.memory_space<vmem_shared>> -> memref<7232x128xf32, #tpu.memory_space<vmem_shared>>
          tpu.enqueue_indirect_dma source(%dma_start3A_196 : memref<128x128xf32, #tpu.memory_space<vmem>>) target(%dma_start3A_202 : memref<7232x128xf32, #tpu.memory_space<vmem_shared>>) offsets(%dma_start3A_199 : memref<128xi32, #tpu.memory_space<vmem>>) semaphore(%run_scoped3A_194 : memref<!tpu.dma_semaphore, #tpu.memory_space<semaphore_mem>>) {add = true}
          %dma_wait3A = arith.constant 0 : i32
          %dma_wait3A_203 = arith.constant 0 : i32
          %dma_wait3A_204 = tpu.memref_slice %arg7[%dma_wait3A, %dma_wait3A_203] : memref<256x128xf32, #tpu.memory_space<vmem>> -> memref<128x128xf32, #tpu.memory_space<vmem>>
          %dma_wait3A_205 = arith.constant 0 : i32
          %dma_wait3A_206 = tpu.memref_slice %arg8[%run_scoped3A_189, %run_scoped3A_190, %dma_wait3A_205] : memref<2x1x128xi32, #tpu.memory_space<vmem>> -> memref<1x1x128xi32, #tpu.memory_space<vmem>>
          %dma_wait3A_207 = tpu.memref_squeeze %dma_wait3A_206 : memref<1x1x128xi32, #tpu.memory_space<vmem>> -> memref<128xi32, #tpu.memory_space<vmem>>
          %dma_wait3A_208 = arith.constant 0 : i32
          %dma_wait3A_209 = arith.constant 0 : i32
          %dma_wait3A_210 = tpu.memref_slice %arg6[%dma_wait3A_208, %dma_wait3A_209] : memref<7232x128xf32, #tpu.memory_space<vmem_shared>> -> memref<7232x128xf32, #tpu.memory_space<vmem_shared>>
          tpu.wait_indirect_dma semaphore(%run_scoped3A_194 : memref<!tpu.dma_semaphore, #tpu.memory_space<semaphore_mem>>) src(%dma_wait3A_204 : memref<128x128xf32, #tpu.memory_space<vmem>>) dst(%dma_wait3A_210 : memref<7232x128xf32, #tpu.memory_space<vmem_shared>>)
          tpu.yield
        }) : () -> ()
        %run_scoped3A_191 = arith.constant 1 : i32
        %run_scoped3A_192 = arith.constant 0 : i32
        "tpu.region"() ({
          %run_scoped3A_194 = tpu.sem_alloc : memref<!tpu.dma_semaphore, #tpu.memory_space<semaphore_mem>>
          %dma_start3A = arith.constant 128 : i32
          %dma_start3A_195 = arith.constant 0 : i32
          %dma_start3A_196 = tpu.memref_slice %arg7[%dma_start3A, %dma_start3A_195] : memref<256x128xf32, #tpu.memory_space<vmem>> -> memref<128x128xf32, #tpu.memory_space<vmem>>
          %dma_start3A_197 = arith.constant 0 : i32
          %dma_start3A_198 = tpu.memref_slice %arg8[%run_scoped3A_191, %run_scoped3A_192, %dma_start3A_197] : memref<2x1x128xi32, #tpu.memory_space<vmem>> -> memref<1x1x128xi32, #tpu.memory_space<vmem>>
          %dma_start3A_199 = tpu.memref_squeeze %dma_start3A_198 : memref<1x1x128xi32, #tpu.memory_space<vmem>> -> memref<128xi32, #tpu.memory_space<vmem>>
          %dma_start3A_200 = arith.constant 0 : i32
          %dma_start3A_201 = arith.constant 0 : i32
          %dma_start3A_202 = tpu.memref_slice %arg6[%dma_start3A_200, %dma_start3A_201] : memref<7232x128xf32, #tpu.memory_space<vmem_shared>> -> memref<7232x128xf32, #tpu.memory_space<vmem_shared>>
          tpu.enqueue_indirect_dma source(%dma_start3A_196 : memref<128x128xf32, #tpu.memory_space<vmem>>) target(%dma_start3A_202 : memref<7232x128xf32, #tpu.memory_space<vmem_shared>>) offsets(%dma_start3A_199 : memref<128xi32, #tpu.memory_space<vmem>>) semaphore(%run_scoped3A_194 : memref<!tpu.dma_semaphore, #tpu.memory_space<semaphore_mem>>) {add = true}
          %dma_wait3A = arith.constant 128 : i32
          %dma_wait3A_203 = arith.constant 0 : i32
          %dma_wait3A_204 = tpu.memref_slice %arg7[%dma_wait3A, %dma_wait3A_203] : memref<256x128xf32, #tpu.memory_space<vmem>> -> memref<128x128xf32, #tpu.memory_space<vmem>>
          %dma_wait3A_205 = arith.constant 0 : i32
          %dma_wait3A_206 = tpu.memref_slice %arg8[%run_scoped3A_191, %run_scoped3A_192, %dma_wait3A_205] : memref<2x1x128xi32, #tpu.memory_space<vmem>> -> memref<1x1x128xi32, #tpu.memory_space<vmem>>
          %dma_wait3A_207 = tpu.memref_squeeze %dma_wait3A_206 : memref<1x1x128xi32, #tpu.memory_space<vmem>> -> memref<128xi32, #tpu.memory_space<vmem>>
          %dma_wait3A_208 = arith.constant 0 : i32
          %dma_wait3A_209 = arith.constant 0 : i32
          %dma_wait3A_210 = tpu.memref_slice %arg6[%dma_wait3A_208, %dma_wait3A_209] : memref<7232x128xf32, #tpu.memory_space<vmem_shared>> -> memref<7232x128xf32, #tpu.memory_space<vmem_shared>>
          tpu.wait_indirect_dma semaphore(%run_scoped3A_194 : memref<!tpu.dma_semaphore, #tpu.memory_space<semaphore_mem>>) src(%dma_wait3A_204 : memref<128x128xf32, #tpu.memory_space<vmem>>) dst(%dma_wait3A_210 : memref<7232x128xf32, #tpu.memory_space<vmem_shared>>)
          tpu.yield
        }) : () -> ()
        %scan3A_193 = arith.constant 0 : i32
        scf.yield %scan3A_193 : i32
      }
      %scan3A_14 = arith.constant 32 : i32
      %scan3A_15 = arith.constant 0 : i32
      %scan3A_16 = arith.constant 0 : i32
      %scan3A_17 = arith.constant 5 : i32
      %scan3A_18 = arith.addi %scan3A_16, %scan3A_17 : i32
      %scan3A_19 = arith.constant 1 : i32
      %scan3A_20 = scf.for %scan3A_169 = %scan3A_16 to %scan3A_18 step %scan3A_19 iter_args(%scan3A_170 = %scan3A_15) -> (i32)  : i32 {
        %mul3A = arith.constant 1440 : i32
        %mul3A_171 = arith.muli %scan3A_169, %mul3A : i32
        %mul3A_172 = arith.constant 1440 : i32
        %mul3A_173 = arith.muli %scan3A_169, %mul3A_172 : i32
        %run_scoped3A = arith.constant 0 : i32
        %run_scoped3A_174 = arith.constant 0 : i32
        "tpu.region"() ({
          %run_scoped3A_176 = tpu.sem_alloc : memref<!tpu.dma_semaphore, #tpu.memory_space<semaphore_mem>>
          %dma_start3A = arith.constant 0 : i32
          %dma_start3A_177 = tpu.memref_slice %arg5[%run_scoped3A, %arg0, %run_scoped3A_174, %mul3A_173, %dma_start3A] : memref<4x2x2x7200x128xf32, #tpu.memory_space<hbm>> -> memref<1x1x1x1440x128xf32, #tpu.memory_space<hbm>>
          %dma_start3A_178 = tpu.memref_squeeze %dma_start3A_177 : memref<1x1x1x1440x128xf32, #tpu.memory_space<hbm>> -> memref<1440x128xf32, #tpu.memory_space<hbm>>
          %dma_start3A_179 = arith.constant 0 : i32
          %dma_start3A_180 = tpu.memref_slice %arg6[%mul3A_171, %dma_start3A_179] : memref<7232x128xf32, #tpu.memory_space<vmem_shared>> -> memref<1440x128xf32, #tpu.memory_space<vmem_shared>>
          tpu.enqueue_dma source(%dma_start3A_180 : memref<1440x128xf32, #tpu.memory_space<vmem_shared>>) target(%dma_start3A_178 : memref<1440x128xf32, #tpu.memory_space<hbm>>) target_semaphore(%run_scoped3A_176 : memref<!tpu.dma_semaphore, #tpu.memory_space<semaphore_mem>>)
          %dma_wait3A = arith.constant 0 : i32
          %dma_wait3A_181 = tpu.memref_slice %arg5[%run_scoped3A, %arg0, %run_scoped3A_174, %mul3A_173, %dma_wait3A] : memref<4x2x2x7200x128xf32, #tpu.memory_space<hbm>> -> memref<1x1x1x1440x128xf32, #tpu.memory_space<hbm>>
          %dma_wait3A_182 = tpu.memref_squeeze %dma_wait3A_181 : memref<1x1x1x1440x128xf32, #tpu.memory_space<hbm>> -> memref<1440x128xf32, #tpu.memory_space<hbm>>
          %dma_wait3A_183 = arith.constant 0 : i32
          %dma_wait3A_184 = tpu.memref_slice %arg6[%mul3A_171, %dma_wait3A_183] : memref<7232x128xf32, #tpu.memory_space<vmem_shared>> -> memref<1440x128xf32, #tpu.memory_space<vmem_shared>>
          tpu.wait_dma2 semaphore(%run_scoped3A_176 : memref<!tpu.dma_semaphore, #tpu.memory_space<semaphore_mem>>) src(%dma_wait3A_184 : memref<1440x128xf32, #tpu.memory_space<vmem_shared>>) dst(%dma_wait3A_182 : memref<1440x128xf32, #tpu.memory_space<hbm>>)
          tpu.yield
        }) : () -> ()
        %scan3A_175 = arith.constant 0 : i32
        scf.yield %scan3A_175 : i32
      }
      %scan3A_21 = arith.constant 5 : i32
      %scan3A_22 = arith.constant 0 : i32
      %scan3A_23 = arith.constant 0 : i32
      %scan3A_24 = arith.constant 8 : i32
      %scan3A_25 = arith.addi %scan3A_23, %scan3A_24 : i32
      %scan3A_26 = arith.constant 1 : i32
      %scan3A_27 = scf.for %scan3A_169 = %scan3A_23 to %scan3A_25 step %scan3A_26 iter_args(%scan3A_170 = %scan3A_22) -> (i32)  : i32 {
        %mul3A = arith.constant 904 : i32
        %mul3A_171 = arith.muli %scan3A_169, %mul3A : i32
        "tpu.region"() ({
          %run_scoped3A = tpu.sem_alloc : memref<!tpu.dma_semaphore, #tpu.memory_space<semaphore_mem>>
          %dma_start3A = arith.constant 0 : i32
          %dma_start3A_173 = tpu.memref_slice %arg6[%mul3A_171, %dma_start3A] : memref<7232x128xf32, #tpu.memory_space<vmem_shared>> -> memref<904x128xf32, #tpu.memory_space<vmem_shared>>
          tpu.enqueue_dma source(%arg4 : memref<904x128xf32, #tpu.memory_space<hbm>>) target(%dma_start3A_173 : memref<904x128xf32, #tpu.memory_space<vmem_shared>>) target_semaphore(%run_scoped3A : memref<!tpu.dma_semaphore, #tpu.memory_space<semaphore_mem>>)
          %dma_wait3A = arith.constant 0 : i32
          %dma_wait3A_174 = tpu.memref_slice %arg6[%mul3A_171, %dma_wait3A] : memref<7232x128xf32, #tpu.memory_space<vmem_shared>> -> memref<904x128xf32, #tpu.memory_space<vmem_shared>>
          tpu.wait_dma2 semaphore(%run_scoped3A : memref<!tpu.dma_semaphore, #tpu.memory_space<semaphore_mem>>) src(%arg4 : memref<904x128xf32, #tpu.memory_space<hbm>>) dst(%dma_wait3A_174 : memref<904x128xf32, #tpu.memory_space<vmem_shared>>)
          tpu.yield
        }) : () -> ()
        %scan3A_172 = arith.constant 0 : i32
        scf.yield %scan3A_172 : i32
      }
      %scan3A_28 = arith.constant 8 : i32
      %scan3A_29 = arith.constant 0 : i32
      %scan3A_30 = arith.constant 0 : i32
      %scan3A_31 = arith.constant 32 : i32
      %scan3A_32 = arith.addi %scan3A_30, %scan3A_31 : i32
      %scan3A_33 = arith.constant 1 : i32
      %scan3A_34 = scf.for %scan3A_169 = %scan3A_30 to %scan3A_32 step %scan3A_33 iter_args(%scan3A_170 = %scan3A_29) -> (i32)  : i32 {
        %mul3A = arith.constant 256 : i32
        %mul3A_171 = arith.muli %scan3A_169, %mul3A : i32
        %add3A = arith.constant 0 : i32
        %add3A_172 = arith.addi %add3A, %mul3A_171 : i32
        "tpu.region"() ({
          %run_scoped3A_194 = tpu.sem_alloc : memref<!tpu.dma_semaphore, #tpu.memory_space<semaphore_mem>>
          %dma_start3A = arith.constant 0 : i32
          %dma_start3A_195 = tpu.memref_slice %arg2[%arg0, %add3A_172, %dma_start3A] : memref<2x32768x128xf32, #tpu.memory_space<hbm>> -> memref<1x256x128xf32, #tpu.memory_space<hbm>>
          %dma_start3A_196 = tpu.memref_squeeze %dma_start3A_195 : memref<1x256x128xf32, #tpu.memory_space<hbm>> -> memref<256x128xf32, #tpu.memory_space<hbm>>
          %dma_start3A_197 = arith.constant 0 : i32
          %dma_start3A_198 = tpu.memref_slice %arg2[%arg0, %add3A_172, %dma_start3A_197] : memref<2x32768x128xf32, #tpu.memory_space<hbm>> -> memref<1x256x128xf32, #tpu.memory_space<hbm>>
          %dma_start3A_199 = tpu.memref_squeeze %dma_start3A_198 : memref<1x256x128xf32, #tpu.memory_space<hbm>> -> memref<256x128xf32, #tpu.memory_space<hbm>>
          tpu.enqueue_dma source(%dma_start3A_199 : memref<256x128xf32, #tpu.memory_space<hbm>>) target(%arg7 : memref<256x128xf32, #tpu.memory_space<vmem>>) target_semaphore(%run_scoped3A_194 : memref<!tpu.dma_semaphore, #tpu.memory_space<semaphore_mem>>)
          %dma_wait3A = arith.constant 0 : i32
          %dma_wait3A_200 = tpu.memref_slice %arg2[%arg0, %add3A_172, %dma_wait3A] : memref<2x32768x128xf32, #tpu.memory_space<hbm>> -> memref<1x256x128xf32, #tpu.memory_space<hbm>>
          %dma_wait3A_201 = tpu.memref_squeeze %dma_wait3A_200 : memref<1x256x128xf32, #tpu.memory_space<hbm>> -> memref<256x128xf32, #tpu.memory_space<hbm>>
          %dma_wait3A_202 = arith.constant 0 : i32
          %dma_wait3A_203 = tpu.memref_slice %arg2[%arg0, %add3A_172, %dma_wait3A_202] : memref<2x32768x128xf32, #tpu.memory_space<hbm>> -> memref<1x256x128xf32, #tpu.memory_space<hbm>>
          %dma_wait3A_204 = tpu.memref_squeeze %dma_wait3A_203 : memref<1x256x128xf32, #tpu.memory_space<hbm>> -> memref<256x128xf32, #tpu.memory_space<hbm>>
          tpu.wait_dma2 semaphore(%run_scoped3A_194 : memref<!tpu.dma_semaphore, #tpu.memory_space<semaphore_mem>>) src(%dma_wait3A_204 : memref<256x128xf32, #tpu.memory_space<hbm>>) dst(%arg7 : memref<256x128xf32, #tpu.memory_space<vmem>>)
          tpu.yield
        }) : () -> ()
        %jit3A = arith.constant 128 : i32
        %div3A = arith.divsi %add3A_172, %jit3A : i32
        %sign3A = arith.constant 0 : i32
        %sign3A_173 = arith.cmpi sgt, %add3A_172, %sign3A : i32
        %sign3A_174 = arith.extui %sign3A_173 : i1 to i32
        %sign3A_175 = arith.constant 0 : i32
        %sign3A_176 = arith.cmpi slt, %add3A_172, %sign3A_175 : i32
        %sign3A_177 = arith.extui %sign3A_176 : i1 to i32
        %sign3A_178 = arith.subi %sign3A_174, %sign3A_177 : i32
        %sign3A_179 = arith.constant 0 : i32
        %sign3A_180 = arith.cmpi sgt, %jit3A, %sign3A_179 : i32
        %sign3A_181 = arith.extui %sign3A_180 : i1 to i32
        %sign3A_182 = arith.constant 0 : i32
        %sign3A_183 = arith.cmpi slt, %jit3A, %sign3A_182 : i32
        %sign3A_184 = arith.extui %sign3A_183 : i1 to i32
        %sign3A_185 = arith.subi %sign3A_181, %sign3A_184 : i32
        %ne3A = arith.cmpi ne, %sign3A_178, %sign3A_185 : i32
        %rem3A = arith.remsi %add3A_172, %jit3A : i32
        %ne3A_186 = arith.constant 0 : i32
        %ne3A_187 = arith.cmpi ne, %rem3A, %ne3A_186 : i32
        %and3A = arith.andi %ne3A, %ne3A_187 : i1
        %sub3A = arith.constant 1 : i32
        %sub3A_188 = arith.subi %div3A, %sub3A : i32
        %select_n3A = arith.select %and3A, %sub3A_188, %div3A : i32
        %run_scoped3A = arith.constant 1 : i32
        "tpu.region"() ({
          %run_scoped3A_194 = tpu.sem_alloc : memref<!tpu.dma_semaphore, #tpu.memory_space<semaphore_mem>>
          %dma_start3A = arith.constant 0 : i32
          %dma_start3A_195 = arith.constant 0 : i32
          %dma_start3A_196 = tpu.memref_slice %arg3[%run_scoped3A, %select_n3A, %dma_start3A, %dma_start3A_195] : memref<2x256x1x128xi32, #tpu.memory_space<hbm>> -> memref<1x2x1x128xi32, #tpu.memory_space<hbm>>
          %dma_start3A_197 = tpu.memref_squeeze %dma_start3A_196 : memref<1x2x1x128xi32, #tpu.memory_space<hbm>> -> memref<2x1x128xi32, #tpu.memory_space<hbm>>
          %dma_start3A_198 = arith.constant 0 : i32
          %dma_start3A_199 = arith.constant 0 : i32
          %dma_start3A_200 = tpu.memref_slice %arg3[%run_scoped3A, %select_n3A, %dma_start3A_198, %dma_start3A_199] : memref<2x256x1x128xi32, #tpu.memory_space<hbm>> -> memref<1x2x1x128xi32, #tpu.memory_space<hbm>>
          %dma_start3A_201 = tpu.memref_squeeze %dma_start3A_200 : memref<1x2x1x128xi32, #tpu.memory_space<hbm>> -> memref<2x1x128xi32, #tpu.memory_space<hbm>>
          tpu.enqueue_dma source(%dma_start3A_201 : memref<2x1x128xi32, #tpu.memory_space<hbm>>) target(%arg8 : memref<2x1x128xi32, #tpu.memory_space<vmem>>) target_semaphore(%run_scoped3A_194 : memref<!tpu.dma_semaphore, #tpu.memory_space<semaphore_mem>>)
          %dma_wait3A = arith.constant 0 : i32
          %dma_wait3A_202 = arith.constant 0 : i32
          %dma_wait3A_203 = tpu.memref_slice %arg3[%run_scoped3A, %select_n3A, %dma_wait3A, %dma_wait3A_202] : memref<2x256x1x128xi32, #tpu.memory_space<hbm>> -> memref<1x2x1x128xi32, #tpu.memory_space<hbm>>
          %dma_wait3A_204 = tpu.memref_squeeze %dma_wait3A_203 : memref<1x2x1x128xi32, #tpu.memory_space<hbm>> -> memref<2x1x128xi32, #tpu.memory_space<hbm>>
          %dma_wait3A_205 = arith.constant 0 : i32
          %dma_wait3A_206 = arith.constant 0 : i32
          %dma_wait3A_207 = tpu.memref_slice %arg3[%run_scoped3A, %select_n3A, %dma_wait3A_205, %dma_wait3A_206] : memref<2x256x1x128xi32, #tpu.memory_space<hbm>> -> memref<1x2x1x128xi32, #tpu.memory_space<hbm>>
          %dma_wait3A_208 = tpu.memref_squeeze %dma_wait3A_207 : memref<1x2x1x128xi32, #tpu.memory_space<hbm>> -> memref<2x1x128xi32, #tpu.memory_space<hbm>>
          tpu.wait_dma2 semaphore(%run_scoped3A_194 : memref<!tpu.dma_semaphore, #tpu.memory_space<semaphore_mem>>) src(%dma_wait3A_208 : memref<2x1x128xi32, #tpu.memory_space<hbm>>) dst(%arg8 : memref<2x1x128xi32, #tpu.memory_space<vmem>>)
          tpu.yield
        }) : () -> ()
        %run_scoped3A_189 = arith.constant 0 : i32
        %run_scoped3A_190 = arith.constant 0 : i32
        "tpu.region"() ({
          %run_scoped3A_194 = tpu.sem_alloc : memref<!tpu.dma_semaphore, #tpu.memory_space<semaphore_mem>>
          %dma_start3A = arith.constant 0 : i32
          %dma_start3A_195 = arith.constant 0 : i32
          %dma_start3A_196 = tpu.memref_slice %arg7[%dma_start3A, %dma_start3A_195] : memref<256x128xf32, #tpu.memory_space<vmem>> -> memref<128x128xf32, #tpu.memory_space<vmem>>
          %dma_start3A_197 = arith.constant 0 : i32
          %dma_start3A_198 = tpu.memref_slice %arg8[%run_scoped3A_189, %run_scoped3A_190, %dma_start3A_197] : memref<2x1x128xi32, #tpu.memory_space<vmem>> -> memref<1x1x128xi32, #tpu.memory_space<vmem>>
          %dma_start3A_199 = tpu.memref_squeeze %dma_start3A_198 : memref<1x1x128xi32, #tpu.memory_space<vmem>> -> memref<128xi32, #tpu.memory_space<vmem>>
          %dma_start3A_200 = arith.constant 0 : i32
          %dma_start3A_201 = arith.constant 0 : i32
          %dma_start3A_202 = tpu.memref_slice %arg6[%dma_start3A_200, %dma_start3A_201] : memref<7232x128xf32, #tpu.memory_space<vmem_shared>> -> memref<7232x128xf32, #tpu.memory_space<vmem_shared>>
          tpu.enqueue_indirect_dma source(%dma_start3A_196 : memref<128x128xf32, #tpu.memory_space<vmem>>) target(%dma_start3A_202 : memref<7232x128xf32, #tpu.memory_space<vmem_shared>>) offsets(%dma_start3A_199 : memref<128xi32, #tpu.memory_space<vmem>>) semaphore(%run_scoped3A_194 : memref<!tpu.dma_semaphore, #tpu.memory_space<semaphore_mem>>) {add = true}
          %dma_wait3A = arith.constant 0 : i32
          %dma_wait3A_203 = arith.constant 0 : i32
          %dma_wait3A_204 = tpu.memref_slice %arg7[%dma_wait3A, %dma_wait3A_203] : memref<256x128xf32, #tpu.memory_space<vmem>> -> memref<128x128xf32, #tpu.memory_space<vmem>>
          %dma_wait3A_205 = arith.constant 0 : i32
          %dma_wait3A_206 = tpu.memref_slice %arg8[%run_scoped3A_189, %run_scoped3A_190, %dma_wait3A_205] : memref<2x1x128xi32, #tpu.memory_space<vmem>> -> memref<1x1x128xi32, #tpu.memory_space<vmem>>
          %dma_wait3A_207 = tpu.memref_squeeze %dma_wait3A_206 : memref<1x1x128xi32, #tpu.memory_space<vmem>> -> memref<128xi32, #tpu.memory_space<vmem>>
          %dma_wait3A_208 = arith.constant 0 : i32
          %dma_wait3A_209 = arith.constant 0 : i32
          %dma_wait3A_210 = tpu.memref_slice %arg6[%dma_wait3A_208, %dma_wait3A_209] : memref<7232x128xf32, #tpu.memory_space<vmem_shared>> -> memref<7232x128xf32, #tpu.memory_space<vmem_shared>>
          tpu.wait_indirect_dma semaphore(%run_scoped3A_194 : memref<!tpu.dma_semaphore, #tpu.memory_space<semaphore_mem>>) src(%dma_wait3A_204 : memref<128x128xf32, #tpu.memory_space<vmem>>) dst(%dma_wait3A_210 : memref<7232x128xf32, #tpu.memory_space<vmem_shared>>)
          tpu.yield
        }) : () -> ()
        %run_scoped3A_191 = arith.constant 1 : i32
        %run_scoped3A_192 = arith.constant 0 : i32
        "tpu.region"() ({
          %run_scoped3A_194 = tpu.sem_alloc : memref<!tpu.dma_semaphore, #tpu.memory_space<semaphore_mem>>
          %dma_start3A = arith.constant 128 : i32
          %dma_start3A_195 = arith.constant 0 : i32
          %dma_start3A_196 = tpu.memref_slice %arg7[%dma_start3A, %dma_start3A_195] : memref<256x128xf32, #tpu.memory_space<vmem>> -> memref<128x128xf32, #tpu.memory_space<vmem>>
          %dma_start3A_197 = arith.constant 0 : i32
          %dma_start3A_198 = tpu.memref_slice %arg8[%run_scoped3A_191, %run_scoped3A_192, %dma_start3A_197] : memref<2x1x128xi32, #tpu.memory_space<vmem>> -> memref<1x1x128xi32, #tpu.memory_space<vmem>>
          %dma_start3A_199 = tpu.memref_squeeze %dma_start3A_198 : memref<1x1x128xi32, #tpu.memory_space<vmem>> -> memref<128xi32, #tpu.memory_space<vmem>>
          %dma_start3A_200 = arith.constant 0 : i32
          %dma_start3A_201 = arith.constant 0 : i32
          %dma_start3A_202 = tpu.memref_slice %arg6[%dma_start3A_200, %dma_start3A_201] : memref<7232x128xf32, #tpu.memory_space<vmem_shared>> -> memref<7232x128xf32, #tpu.memory_space<vmem_shared>>
          tpu.enqueue_indirect_dma source(%dma_start3A_196 : memref<128x128xf32, #tpu.memory_space<vmem>>) target(%dma_start3A_202 : memref<7232x128xf32, #tpu.memory_space<vmem_shared>>) offsets(%dma_start3A_199 : memref<128xi32, #tpu.memory_space<vmem>>) semaphore(%run_scoped3A_194 : memref<!tpu.dma_semaphore, #tpu.memory_space<semaphore_mem>>) {add = true}
          %dma_wait3A = arith.constant 128 : i32
          %dma_wait3A_203 = arith.constant 0 : i32
          %dma_wait3A_204 = tpu.memref_slice %arg7[%dma_wait3A, %dma_wait3A_203] : memref<256x128xf32, #tpu.memory_space<vmem>> -> memref<128x128xf32, #tpu.memory_space<vmem>>
          %dma_wait3A_205 = arith.constant 0 : i32
          %dma_wait3A_206 = tpu.memref_slice %arg8[%run_scoped3A_191, %run_scoped3A_192, %dma_wait3A_205] : memref<2x1x128xi32, #tpu.memory_space<vmem>> -> memref<1x1x128xi32, #tpu.memory_space<vmem>>
          %dma_wait3A_207 = tpu.memref_squeeze %dma_wait3A_206 : memref<1x1x128xi32, #tpu.memory_space<vmem>> -> memref<128xi32, #tpu.memory_space<vmem>>
          %dma_wait3A_208 = arith.constant 0 : i32
          %dma_wait3A_209 = arith.constant 0 : i32
          %dma_wait3A_210 = tpu.memref_slice %arg6[%dma_wait3A_208, %dma_wait3A_209] : memref<7232x128xf32, #tpu.memory_space<vmem_shared>> -> memref<7232x128xf32, #tpu.memory_space<vmem_shared>>
          tpu.wait_indirect_dma semaphore(%run_scoped3A_194 : memref<!tpu.dma_semaphore, #tpu.memory_space<semaphore_mem>>) src(%dma_wait3A_204 : memref<128x128xf32, #tpu.memory_space<vmem>>) dst(%dma_wait3A_210 : memref<7232x128xf32, #tpu.memory_space<vmem_shared>>)
          tpu.yield
        }) : () -> ()
        %scan3A_193 = arith.constant 0 : i32
        scf.yield %scan3A_193 : i32
      }
      %scan3A_35 = arith.constant 32 : i32
      %scan3A_36 = arith.constant 0 : i32
      %scan3A_37 = arith.constant 0 : i32
      %scan3A_38 = arith.constant 5 : i32
      %scan3A_39 = arith.addi %scan3A_37, %scan3A_38 : i32
      %scan3A_40 = arith.constant 1 : i32
      %scan3A_41 = scf.for %scan3A_169 = %scan3A_37 to %scan3A_39 step %scan3A_40 iter_args(%scan3A_170 = %scan3A_36) -> (i32)  : i32 {
        %mul3A = arith.constant 1440 : i32
        %mul3A_171 = arith.muli %scan3A_169, %mul3A : i32
        %mul3A_172 = arith.constant 1440 : i32
        %mul3A_173 = arith.muli %scan3A_169, %mul3A_172 : i32
        %run_scoped3A = arith.constant 0 : i32
        %run_scoped3A_174 = arith.constant 1 : i32
        "tpu.region"() ({
          %run_scoped3A_176 = tpu.sem_alloc : memref<!tpu.dma_semaphore, #tpu.memory_space<semaphore_mem>>
          %dma_start3A = arith.constant 0 : i32
          %dma_start3A_177 = tpu.memref_slice %arg5[%run_scoped3A, %arg0, %run_scoped3A_174, %mul3A_173, %dma_start3A] : memref<4x2x2x7200x128xf32, #tpu.memory_space<hbm>> -> memref<1x1x1x1440x128xf32, #tpu.memory_space<hbm>>
          %dma_start3A_178 = tpu.memref_squeeze %dma_start3A_177 : memref<1x1x1x1440x128xf32, #tpu.memory_space<hbm>> -> memref<1440x128xf32, #tpu.memory_space<hbm>>
          %dma_start3A_179 = arith.constant 0 : i32
          %dma_start3A_180 = tpu.memref_slice %arg6[%mul3A_171, %dma_start3A_179] : memref<7232x128xf32, #tpu.memory_space<vmem_shared>> -> memref<1440x128xf32, #tpu.memory_space<vmem_shared>>
          tpu.enqueue_dma source(%dma_start3A_180 : memref<1440x128xf32, #tpu.memory_space<vmem_shared>>) target(%dma_start3A_178 : memref<1440x128xf32, #tpu.memory_space<hbm>>) target_semaphore(%run_scoped3A_176 : memref<!tpu.dma_semaphore, #tpu.memory_space<semaphore_mem>>)
          %dma_wait3A = arith.constant 0 : i32
          %dma_wait3A_181 = tpu.memref_slice %arg5[%run_scoped3A, %arg0, %run_scoped3A_174, %mul3A_173, %dma_wait3A] : memref<4x2x2x7200x128xf32, #tpu.memory_space<hbm>> -> memref<1x1x1x1440x128xf32, #tpu.memory_space<hbm>>
          %dma_wait3A_182 = tpu.memref_squeeze %dma_wait3A_181 : memref<1x1x1x1440x128xf32, #tpu.memory_space<hbm>> -> memref<1440x128xf32, #tpu.memory_space<hbm>>
          %dma_wait3A_183 = arith.constant 0 : i32
          %dma_wait3A_184 = tpu.memref_slice %arg6[%mul3A_171, %dma_wait3A_183] : memref<7232x128xf32, #tpu.memory_space<vmem_shared>> -> memref<1440x128xf32, #tpu.memory_space<vmem_shared>>
          tpu.wait_dma2 semaphore(%run_scoped3A_176 : memref<!tpu.dma_semaphore, #tpu.memory_space<semaphore_mem>>) src(%dma_wait3A_184 : memref<1440x128xf32, #tpu.memory_space<vmem_shared>>) dst(%dma_wait3A_182 : memref<1440x128xf32, #tpu.memory_space<hbm>>)
          tpu.yield
        }) : () -> ()
        %scan3A_175 = arith.constant 0 : i32
        scf.yield %scan3A_175 : i32
      }
      %scan3A_42 = arith.constant 5 : i32
      %scan3A_43 = arith.constant 0 : i32
      %scan3A_44 = arith.constant 0 : i32
      %scan3A_45 = arith.constant 8 : i32
      %scan3A_46 = arith.addi %scan3A_44, %scan3A_45 : i32
      %scan3A_47 = arith.constant 1 : i32
      %scan3A_48 = scf.for %scan3A_169 = %scan3A_44 to %scan3A_46 step %scan3A_47 iter_args(%scan3A_170 = %scan3A_43) -> (i32)  : i32 {
        %mul3A = arith.constant 904 : i32
        %mul3A_171 = arith.muli %scan3A_169, %mul3A : i32
        "tpu.region"() ({
          %run_scoped3A = tpu.sem_alloc : memref<!tpu.dma_semaphore, #tpu.memory_space<semaphore_mem>>
          %dma_start3A = arith.constant 0 : i32
          %dma_start3A_173 = tpu.memref_slice %arg6[%mul3A_171, %dma_start3A] : memref<7232x128xf32, #tpu.memory_space<vmem_shared>> -> memref<904x128xf32, #tpu.memory_space<vmem_shared>>
          tpu.enqueue_dma source(%arg4 : memref<904x128xf32, #tpu.memory_space<hbm>>) target(%dma_start3A_173 : memref<904x128xf32, #tpu.memory_space<vmem_shared>>) target_semaphore(%run_scoped3A : memref<!tpu.dma_semaphore, #tpu.memory_space<semaphore_mem>>)
          %dma_wait3A = arith.constant 0 : i32
          %dma_wait3A_174 = tpu.memref_slice %arg6[%mul3A_171, %dma_wait3A] : memref<7232x128xf32, #tpu.memory_space<vmem_shared>> -> memref<904x128xf32, #tpu.memory_space<vmem_shared>>
          tpu.wait_dma2 semaphore(%run_scoped3A : memref<!tpu.dma_semaphore, #tpu.memory_space<semaphore_mem>>) src(%arg4 : memref<904x128xf32, #tpu.memory_space<hbm>>) dst(%dma_wait3A_174 : memref<904x128xf32, #tpu.memory_space<vmem_shared>>)
          tpu.yield
        }) : () -> ()
        %scan3A_172 = arith.constant 0 : i32
        scf.yield %scan3A_172 : i32
      }
      %scan3A_49 = arith.constant 8 : i32
      %scan3A_50 = arith.constant 0 : i32
      %scan3A_51 = arith.constant 0 : i32
      %scan3A_52 = arith.constant 32 : i32
      %scan3A_53 = arith.addi %scan3A_51, %scan3A_52 : i32
      %scan3A_54 = arith.constant 1 : i32
      %scan3A_55 = scf.for %scan3A_169 = %scan3A_51 to %scan3A_53 step %scan3A_54 iter_args(%scan3A_170 = %scan3A_50) -> (i32)  : i32 {
        %mul3A = arith.constant 256 : i32
        %mul3A_171 = arith.muli %scan3A_169, %mul3A : i32
        %add3A = arith.constant 8192 : i32
        %add3A_172 = arith.addi %add3A, %mul3A_171 : i32
        "tpu.region"() ({
          %run_scoped3A_194 = tpu.sem_alloc : memref<!tpu.dma_semaphore, #tpu.memory_space<semaphore_mem>>
          %dma_start3A = arith.constant 0 : i32
          %dma_start3A_195 = tpu.memref_slice %arg2[%arg0, %add3A_172, %dma_start3A] : memref<2x32768x128xf32, #tpu.memory_space<hbm>> -> memref<1x256x128xf32, #tpu.memory_space<hbm>>
          %dma_start3A_196 = tpu.memref_squeeze %dma_start3A_195 : memref<1x256x128xf32, #tpu.memory_space<hbm>> -> memref<256x128xf32, #tpu.memory_space<hbm>>
          %dma_start3A_197 = arith.constant 0 : i32
          %dma_start3A_198 = tpu.memref_slice %arg2[%arg0, %add3A_172, %dma_start3A_197] : memref<2x32768x128xf32, #tpu.memory_space<hbm>> -> memref<1x256x128xf32, #tpu.memory_space<hbm>>
          %dma_start3A_199 = tpu.memref_squeeze %dma_start3A_198 : memref<1x256x128xf32, #tpu.memory_space<hbm>> -> memref<256x128xf32, #tpu.memory_space<hbm>>
          tpu.enqueue_dma source(%dma_start3A_199 : memref<256x128xf32, #tpu.memory_space<hbm>>) target(%arg7 : memref<256x128xf32, #tpu.memory_space<vmem>>) target_semaphore(%run_scoped3A_194 : memref<!tpu.dma_semaphore, #tpu.memory_space<semaphore_mem>>)
          %dma_wait3A = arith.constant 0 : i32
          %dma_wait3A_200 = tpu.memref_slice %arg2[%arg0, %add3A_172, %dma_wait3A] : memref<2x32768x128xf32, #tpu.memory_space<hbm>> -> memref<1x256x128xf32, #tpu.memory_space<hbm>>
          %dma_wait3A_201 = tpu.memref_squeeze %dma_wait3A_200 : memref<1x256x128xf32, #tpu.memory_space<hbm>> -> memref<256x128xf32, #tpu.memory_space<hbm>>
          %dma_wait3A_202 = arith.constant 0 : i32
          %dma_wait3A_203 = tpu.memref_slice %arg2[%arg0, %add3A_172, %dma_wait3A_202] : memref<2x32768x128xf32, #tpu.memory_space<hbm>> -> memref<1x256x128xf32, #tpu.memory_space<hbm>>
          %dma_wait3A_204 = tpu.memref_squeeze %dma_wait3A_203 : memref<1x256x128xf32, #tpu.memory_space<hbm>> -> memref<256x128xf32, #tpu.memory_space<hbm>>
          tpu.wait_dma2 semaphore(%run_scoped3A_194 : memref<!tpu.dma_semaphore, #tpu.memory_space<semaphore_mem>>) src(%dma_wait3A_204 : memref<256x128xf32, #tpu.memory_space<hbm>>) dst(%arg7 : memref<256x128xf32, #tpu.memory_space<vmem>>)
          tpu.yield
        }) : () -> ()
        %jit3A = arith.constant 128 : i32
        %div3A = arith.divsi %add3A_172, %jit3A : i32
        %sign3A = arith.constant 0 : i32
        %sign3A_173 = arith.cmpi sgt, %add3A_172, %sign3A : i32
        %sign3A_174 = arith.extui %sign3A_173 : i1 to i32
        %sign3A_175 = arith.constant 0 : i32
        %sign3A_176 = arith.cmpi slt, %add3A_172, %sign3A_175 : i32
        %sign3A_177 = arith.extui %sign3A_176 : i1 to i32
        %sign3A_178 = arith.subi %sign3A_174, %sign3A_177 : i32
        %sign3A_179 = arith.constant 0 : i32
        %sign3A_180 = arith.cmpi sgt, %jit3A, %sign3A_179 : i32
        %sign3A_181 = arith.extui %sign3A_180 : i1 to i32
        %sign3A_182 = arith.constant 0 : i32
        %sign3A_183 = arith.cmpi slt, %jit3A, %sign3A_182 : i32
        %sign3A_184 = arith.extui %sign3A_183 : i1 to i32
        %sign3A_185 = arith.subi %sign3A_181, %sign3A_184 : i32
        %ne3A = arith.cmpi ne, %sign3A_178, %sign3A_185 : i32
        %rem3A = arith.remsi %add3A_172, %jit3A : i32
        %ne3A_186 = arith.constant 0 : i32
        %ne3A_187 = arith.cmpi ne, %rem3A, %ne3A_186 : i32
        %and3A = arith.andi %ne3A, %ne3A_187 : i1
        %sub3A = arith.constant 1 : i32
        %sub3A_188 = arith.subi %div3A, %sub3A : i32
        %select_n3A = arith.select %and3A, %sub3A_188, %div3A : i32
        %run_scoped3A = arith.constant 0 : i32
        "tpu.region"() ({
          %run_scoped3A_194 = tpu.sem_alloc : memref<!tpu.dma_semaphore, #tpu.memory_space<semaphore_mem>>
          %dma_start3A = arith.constant 0 : i32
          %dma_start3A_195 = arith.constant 0 : i32
          %dma_start3A_196 = tpu.memref_slice %arg3[%run_scoped3A, %select_n3A, %dma_start3A, %dma_start3A_195] : memref<2x256x1x128xi32, #tpu.memory_space<hbm>> -> memref<1x2x1x128xi32, #tpu.memory_space<hbm>>
          %dma_start3A_197 = tpu.memref_squeeze %dma_start3A_196 : memref<1x2x1x128xi32, #tpu.memory_space<hbm>> -> memref<2x1x128xi32, #tpu.memory_space<hbm>>
          %dma_start3A_198 = arith.constant 0 : i32
          %dma_start3A_199 = arith.constant 0 : i32
          %dma_start3A_200 = tpu.memref_slice %arg3[%run_scoped3A, %select_n3A, %dma_start3A_198, %dma_start3A_199] : memref<2x256x1x128xi32, #tpu.memory_space<hbm>> -> memref<1x2x1x128xi32, #tpu.memory_space<hbm>>
          %dma_start3A_201 = tpu.memref_squeeze %dma_start3A_200 : memref<1x2x1x128xi32, #tpu.memory_space<hbm>> -> memref<2x1x128xi32, #tpu.memory_space<hbm>>
          tpu.enqueue_dma source(%dma_start3A_201 : memref<2x1x128xi32, #tpu.memory_space<hbm>>) target(%arg8 : memref<2x1x128xi32, #tpu.memory_space<vmem>>) target_semaphore(%run_scoped3A_194 : memref<!tpu.dma_semaphore, #tpu.memory_space<semaphore_mem>>)
          %dma_wait3A = arith.constant 0 : i32
          %dma_wait3A_202 = arith.constant 0 : i32
          %dma_wait3A_203 = tpu.memref_slice %arg3[%run_scoped3A, %select_n3A, %dma_wait3A, %dma_wait3A_202] : memref<2x256x1x128xi32, #tpu.memory_space<hbm>> -> memref<1x2x1x128xi32, #tpu.memory_space<hbm>>
          %dma_wait3A_204 = tpu.memref_squeeze %dma_wait3A_203 : memref<1x2x1x128xi32, #tpu.memory_space<hbm>> -> memref<2x1x128xi32, #tpu.memory_space<hbm>>
          %dma_wait3A_205 = arith.constant 0 : i32
          %dma_wait3A_206 = arith.constant 0 : i32
          %dma_wait3A_207 = tpu.memref_slice %arg3[%run_scoped3A, %select_n3A, %dma_wait3A_205, %dma_wait3A_206] : memref<2x256x1x128xi32, #tpu.memory_space<hbm>> -> memref<1x2x1x128xi32, #tpu.memory_space<hbm>>
          %dma_wait3A_208 = tpu.memref_squeeze %dma_wait3A_207 : memref<1x2x1x128xi32, #tpu.memory_space<hbm>> -> memref<2x1x128xi32, #tpu.memory_space<hbm>>
          tpu.wait_dma2 semaphore(%run_scoped3A_194 : memref<!tpu.dma_semaphore, #tpu.memory_space<semaphore_mem>>) src(%dma_wait3A_208 : memref<2x1x128xi32, #tpu.memory_space<hbm>>) dst(%arg8 : memref<2x1x128xi32, #tpu.memory_space<vmem>>)
          tpu.yield
        }) : () -> ()
        %run_scoped3A_189 = arith.constant 0 : i32
        %run_scoped3A_190 = arith.constant 0 : i32
        "tpu.region"() ({
          %run_scoped3A_194 = tpu.sem_alloc : memref<!tpu.dma_semaphore, #tpu.memory_space<semaphore_mem>>
          %dma_start3A = arith.constant 0 : i32
          %dma_start3A_195 = arith.constant 0 : i32
          %dma_start3A_196 = tpu.memref_slice %arg7[%dma_start3A, %dma_start3A_195] : memref<256x128xf32, #tpu.memory_space<vmem>> -> memref<128x128xf32, #tpu.memory_space<vmem>>
          %dma_start3A_197 = arith.constant 0 : i32
          %dma_start3A_198 = tpu.memref_slice %arg8[%run_scoped3A_189, %run_scoped3A_190, %dma_start3A_197] : memref<2x1x128xi32, #tpu.memory_space<vmem>> -> memref<1x1x128xi32, #tpu.memory_space<vmem>>
          %dma_start3A_199 = tpu.memref_squeeze %dma_start3A_198 : memref<1x1x128xi32, #tpu.memory_space<vmem>> -> memref<128xi32, #tpu.memory_space<vmem>>
          %dma_start3A_200 = arith.constant 0 : i32
          %dma_start3A_201 = arith.constant 0 : i32
          %dma_start3A_202 = tpu.memref_slice %arg6[%dma_start3A_200, %dma_start3A_201] : memref<7232x128xf32, #tpu.memory_space<vmem_shared>> -> memref<7232x128xf32, #tpu.memory_space<vmem_shared>>
          tpu.enqueue_indirect_dma source(%dma_start3A_196 : memref<128x128xf32, #tpu.memory_space<vmem>>) target(%dma_start3A_202 : memref<7232x128xf32, #tpu.memory_space<vmem_shared>>) offsets(%dma_start3A_199 : memref<128xi32, #tpu.memory_space<vmem>>) semaphore(%run_scoped3A_194 : memref<!tpu.dma_semaphore, #tpu.memory_space<semaphore_mem>>) {add = true}
          %dma_wait3A = arith.constant 0 : i32
          %dma_wait3A_203 = arith.constant 0 : i32
          %dma_wait3A_204 = tpu.memref_slice %arg7[%dma_wait3A, %dma_wait3A_203] : memref<256x128xf32, #tpu.memory_space<vmem>> -> memref<128x128xf32, #tpu.memory_space<vmem>>
          %dma_wait3A_205 = arith.constant 0 : i32
          %dma_wait3A_206 = tpu.memref_slice %arg8[%run_scoped3A_189, %run_scoped3A_190, %dma_wait3A_205] : memref<2x1x128xi32, #tpu.memory_space<vmem>> -> memref<1x1x128xi32, #tpu.memory_space<vmem>>
          %dma_wait3A_207 = tpu.memref_squeeze %dma_wait3A_206 : memref<1x1x128xi32, #tpu.memory_space<vmem>> -> memref<128xi32, #tpu.memory_space<vmem>>
          %dma_wait3A_208 = arith.constant 0 : i32
          %dma_wait3A_209 = arith.constant 0 : i32
          %dma_wait3A_210 = tpu.memref_slice %arg6[%dma_wait3A_208, %dma_wait3A_209] : memref<7232x128xf32, #tpu.memory_space<vmem_shared>> -> memref<7232x128xf32, #tpu.memory_space<vmem_shared>>
          tpu.wait_indirect_dma semaphore(%run_scoped3A_194 : memref<!tpu.dma_semaphore, #tpu.memory_space<semaphore_mem>>) src(%dma_wait3A_204 : memref<128x128xf32, #tpu.memory_space<vmem>>) dst(%dma_wait3A_210 : memref<7232x128xf32, #tpu.memory_space<vmem_shared>>)
          tpu.yield
        }) : () -> ()
        %run_scoped3A_191 = arith.constant 1 : i32
        %run_scoped3A_192 = arith.constant 0 : i32
        "tpu.region"() ({
          %run_scoped3A_194 = tpu.sem_alloc : memref<!tpu.dma_semaphore, #tpu.memory_space<semaphore_mem>>
          %dma_start3A = arith.constant 128 : i32
          %dma_start3A_195 = arith.constant 0 : i32
          %dma_start3A_196 = tpu.memref_slice %arg7[%dma_start3A, %dma_start3A_195] : memref<256x128xf32, #tpu.memory_space<vmem>> -> memref<128x128xf32, #tpu.memory_space<vmem>>
          %dma_start3A_197 = arith.constant 0 : i32
          %dma_start3A_198 = tpu.memref_slice %arg8[%run_scoped3A_191, %run_scoped3A_192, %dma_start3A_197] : memref<2x1x128xi32, #tpu.memory_space<vmem>> -> memref<1x1x128xi32, #tpu.memory_space<vmem>>
          %dma_start3A_199 = tpu.memref_squeeze %dma_start3A_198 : memref<1x1x128xi32, #tpu.memory_space<vmem>> -> memref<128xi32, #tpu.memory_space<vmem>>
          %dma_start3A_200 = arith.constant 0 : i32
          %dma_start3A_201 = arith.constant 0 : i32
          %dma_start3A_202 = tpu.memref_slice %arg6[%dma_start3A_200, %dma_start3A_201] : memref<7232x128xf32, #tpu.memory_space<vmem_shared>> -> memref<7232x128xf32, #tpu.memory_space<vmem_shared>>
          tpu.enqueue_indirect_dma source(%dma_start3A_196 : memref<128x128xf32, #tpu.memory_space<vmem>>) target(%dma_start3A_202 : memref<7232x128xf32, #tpu.memory_space<vmem_shared>>) offsets(%dma_start3A_199 : memref<128xi32, #tpu.memory_space<vmem>>) semaphore(%run_scoped3A_194 : memref<!tpu.dma_semaphore, #tpu.memory_space<semaphore_mem>>) {add = true}
          %dma_wait3A = arith.constant 128 : i32
          %dma_wait3A_203 = arith.constant 0 : i32
          %dma_wait3A_204 = tpu.memref_slice %arg7[%dma_wait3A, %dma_wait3A_203] : memref<256x128xf32, #tpu.memory_space<vmem>> -> memref<128x128xf32, #tpu.memory_space<vmem>>
          %dma_wait3A_205 = arith.constant 0 : i32
          %dma_wait3A_206 = tpu.memref_slice %arg8[%run_scoped3A_191, %run_scoped3A_192, %dma_wait3A_205] : memref<2x1x128xi32, #tpu.memory_space<vmem>> -> memref<1x1x128xi32, #tpu.memory_space<vmem>>
          %dma_wait3A_207 = tpu.memref_squeeze %dma_wait3A_206 : memref<1x1x128xi32, #tpu.memory_space<vmem>> -> memref<128xi32, #tpu.memory_space<vmem>>
          %dma_wait3A_208 = arith.constant 0 : i32
          %dma_wait3A_209 = arith.constant 0 : i32
          %dma_wait3A_210 = tpu.memref_slice %arg6[%dma_wait3A_208, %dma_wait3A_209] : memref<7232x128xf32, #tpu.memory_space<vmem_shared>> -> memref<7232x128xf32, #tpu.memory_space<vmem_shared>>
          tpu.wait_indirect_dma semaphore(%run_scoped3A_194 : memref<!tpu.dma_semaphore, #tpu.memory_space<semaphore_mem>>) src(%dma_wait3A_204 : memref<128x128xf32, #tpu.memory_space<vmem>>) dst(%dma_wait3A_210 : memref<7232x128xf32, #tpu.memory_space<vmem_shared>>)
          tpu.yield
        }) : () -> ()
        %scan3A_193 = arith.constant 0 : i32
        scf.yield %scan3A_193 : i32
      }
      %scan3A_56 = arith.constant 32 : i32
      %scan3A_57 = arith.constant 0 : i32
      %scan3A_58 = arith.constant 0 : i32
      %scan3A_59 = arith.constant 5 : i32
      %scan3A_60 = arith.addi %scan3A_58, %scan3A_59 : i32
      %scan3A_61 = arith.constant 1 : i32
      %scan3A_62 = scf.for %scan3A_169 = %scan3A_58 to %scan3A_60 step %scan3A_61 iter_args(%scan3A_170 = %scan3A_57) -> (i32)  : i32 {
        %mul3A = arith.constant 1440 : i32
        %mul3A_171 = arith.muli %scan3A_169, %mul3A : i32
        %mul3A_172 = arith.constant 1440 : i32
        %mul3A_173 = arith.muli %scan3A_169, %mul3A_172 : i32
        %run_scoped3A = arith.constant 1 : i32
        %run_scoped3A_174 = arith.constant 0 : i32
        "tpu.region"() ({
          %run_scoped3A_176 = tpu.sem_alloc : memref<!tpu.dma_semaphore, #tpu.memory_space<semaphore_mem>>
          %dma_start3A = arith.constant 0 : i32
          %dma_start3A_177 = tpu.memref_slice %arg5[%run_scoped3A, %arg0, %run_scoped3A_174, %mul3A_173, %dma_start3A] : memref<4x2x2x7200x128xf32, #tpu.memory_space<hbm>> -> memref<1x1x1x1440x128xf32, #tpu.memory_space<hbm>>
          %dma_start3A_178 = tpu.memref_squeeze %dma_start3A_177 : memref<1x1x1x1440x128xf32, #tpu.memory_space<hbm>> -> memref<1440x128xf32, #tpu.memory_space<hbm>>
          %dma_start3A_179 = arith.constant 0 : i32
          %dma_start3A_180 = tpu.memref_slice %arg6[%mul3A_171, %dma_start3A_179] : memref<7232x128xf32, #tpu.memory_space<vmem_shared>> -> memref<1440x128xf32, #tpu.memory_space<vmem_shared>>
          tpu.enqueue_dma source(%dma_start3A_180 : memref<1440x128xf32, #tpu.memory_space<vmem_shared>>) target(%dma_start3A_178 : memref<1440x128xf32, #tpu.memory_space<hbm>>) target_semaphore(%run_scoped3A_176 : memref<!tpu.dma_semaphore, #tpu.memory_space<semaphore_mem>>)
          %dma_wait3A = arith.constant 0 : i32
          %dma_wait3A_181 = tpu.memref_slice %arg5[%run_scoped3A, %arg0, %run_scoped3A_174, %mul3A_173, %dma_wait3A] : memref<4x2x2x7200x128xf32, #tpu.memory_space<hbm>> -> memref<1x1x1x1440x128xf32, #tpu.memory_space<hbm>>
          %dma_wait3A_182 = tpu.memref_squeeze %dma_wait3A_181 : memref<1x1x1x1440x128xf32, #tpu.memory_space<hbm>> -> memref<1440x128xf32, #tpu.memory_space<hbm>>
          %dma_wait3A_183 = arith.constant 0 : i32
          %dma_wait3A_184 = tpu.memref_slice %arg6[%mul3A_171, %dma_wait3A_183] : memref<7232x128xf32, #tpu.memory_space<vmem_shared>> -> memref<1440x128xf32, #tpu.memory_space<vmem_shared>>
          tpu.wait_dma2 semaphore(%run_scoped3A_176 : memref<!tpu.dma_semaphore, #tpu.memory_space<semaphore_mem>>) src(%dma_wait3A_184 : memref<1440x128xf32, #tpu.memory_space<vmem_shared>>) dst(%dma_wait3A_182 : memref<1440x128xf32, #tpu.memory_space<hbm>>)
          tpu.yield
        }) : () -> ()
        %scan3A_175 = arith.constant 0 : i32
        scf.yield %scan3A_175 : i32
      }
      %scan3A_63 = arith.constant 5 : i32
      %scan3A_64 = arith.constant 0 : i32
      %scan3A_65 = arith.constant 0 : i32
      %scan3A_66 = arith.constant 8 : i32
      %scan3A_67 = arith.addi %scan3A_65, %scan3A_66 : i32
      %scan3A_68 = arith.constant 1 : i32
      %scan3A_69 = scf.for %scan3A_169 = %scan3A_65 to %scan3A_67 step %scan3A_68 iter_args(%scan3A_170 = %scan3A_64) -> (i32)  : i32 {
        %mul3A = arith.constant 904 : i32
        %mul3A_171 = arith.muli %scan3A_169, %mul3A : i32
        "tpu.region"() ({
          %run_scoped3A = tpu.sem_alloc : memref<!tpu.dma_semaphore, #tpu.memory_space<semaphore_mem>>
          %dma_start3A = arith.constant 0 : i32
          %dma_start3A_173 = tpu.memref_slice %arg6[%mul3A_171, %dma_start3A] : memref<7232x128xf32, #tpu.memory_space<vmem_shared>> -> memref<904x128xf32, #tpu.memory_space<vmem_shared>>
          tpu.enqueue_dma source(%arg4 : memref<904x128xf32, #tpu.memory_space<hbm>>) target(%dma_start3A_173 : memref<904x128xf32, #tpu.memory_space<vmem_shared>>) target_semaphore(%run_scoped3A : memref<!tpu.dma_semaphore, #tpu.memory_space<semaphore_mem>>)
          %dma_wait3A = arith.constant 0 : i32
          %dma_wait3A_174 = tpu.memref_slice %arg6[%mul3A_171, %dma_wait3A] : memref<7232x128xf32, #tpu.memory_space<vmem_shared>> -> memref<904x128xf32, #tpu.memory_space<vmem_shared>>
          tpu.wait_dma2 semaphore(%run_scoped3A : memref<!tpu.dma_semaphore, #tpu.memory_space<semaphore_mem>>) src(%arg4 : memref<904x128xf32, #tpu.memory_space<hbm>>) dst(%dma_wait3A_174 : memref<904x128xf32, #tpu.memory_space<vmem_shared>>)
          tpu.yield
        }) : () -> ()
        %scan3A_172 = arith.constant 0 : i32
        scf.yield %scan3A_172 : i32
      }
      %scan3A_70 = arith.constant 8 : i32
      %scan3A_71 = arith.constant 0 : i32
      %scan3A_72 = arith.constant 0 : i32
      %scan3A_73 = arith.constant 32 : i32
      %scan3A_74 = arith.addi %scan3A_72, %scan3A_73 : i32
      %scan3A_75 = arith.constant 1 : i32
      %scan3A_76 = scf.for %scan3A_169 = %scan3A_72 to %scan3A_74 step %scan3A_75 iter_args(%scan3A_170 = %scan3A_71) -> (i32)  : i32 {
        %mul3A = arith.constant 256 : i32
        %mul3A_171 = arith.muli %scan3A_169, %mul3A : i32
        %add3A = arith.constant 8192 : i32
        %add3A_172 = arith.addi %add3A, %mul3A_171 : i32
        "tpu.region"() ({
          %run_scoped3A_194 = tpu.sem_alloc : memref<!tpu.dma_semaphore, #tpu.memory_space<semaphore_mem>>
          %dma_start3A = arith.constant 0 : i32
          %dma_start3A_195 = tpu.memref_slice %arg2[%arg0, %add3A_172, %dma_start3A] : memref<2x32768x128xf32, #tpu.memory_space<hbm>> -> memref<1x256x128xf32, #tpu.memory_space<hbm>>
          %dma_start3A_196 = tpu.memref_squeeze %dma_start3A_195 : memref<1x256x128xf32, #tpu.memory_space<hbm>> -> memref<256x128xf32, #tpu.memory_space<hbm>>
          %dma_start3A_197 = arith.constant 0 : i32
          %dma_start3A_198 = tpu.memref_slice %arg2[%arg0, %add3A_172, %dma_start3A_197] : memref<2x32768x128xf32, #tpu.memory_space<hbm>> -> memref<1x256x128xf32, #tpu.memory_space<hbm>>
          %dma_start3A_199 = tpu.memref_squeeze %dma_start3A_198 : memref<1x256x128xf32, #tpu.memory_space<hbm>> -> memref<256x128xf32, #tpu.memory_space<hbm>>
          tpu.enqueue_dma source(%dma_start3A_199 : memref<256x128xf32, #tpu.memory_space<hbm>>) target(%arg7 : memref<256x128xf32, #tpu.memory_space<vmem>>) target_semaphore(%run_scoped3A_194 : memref<!tpu.dma_semaphore, #tpu.memory_space<semaphore_mem>>)
          %dma_wait3A = arith.constant 0 : i32
          %dma_wait3A_200 = tpu.memref_slice %arg2[%arg0, %add3A_172, %dma_wait3A] : memref<2x32768x128xf32, #tpu.memory_space<hbm>> -> memref<1x256x128xf32, #tpu.memory_space<hbm>>
          %dma_wait3A_201 = tpu.memref_squeeze %dma_wait3A_200 : memref<1x256x128xf32, #tpu.memory_space<hbm>> -> memref<256x128xf32, #tpu.memory_space<hbm>>
          %dma_wait3A_202 = arith.constant 0 : i32
          %dma_wait3A_203 = tpu.memref_slice %arg2[%arg0, %add3A_172, %dma_wait3A_202] : memref<2x32768x128xf32, #tpu.memory_space<hbm>> -> memref<1x256x128xf32, #tpu.memory_space<hbm>>
          %dma_wait3A_204 = tpu.memref_squeeze %dma_wait3A_203 : memref<1x256x128xf32, #tpu.memory_space<hbm>> -> memref<256x128xf32, #tpu.memory_space<hbm>>
          tpu.wait_dma2 semaphore(%run_scoped3A_194 : memref<!tpu.dma_semaphore, #tpu.memory_space<semaphore_mem>>) src(%dma_wait3A_204 : memref<256x128xf32, #tpu.memory_space<hbm>>) dst(%arg7 : memref<256x128xf32, #tpu.memory_space<vmem>>)
          tpu.yield
        }) : () -> ()
        %jit3A = arith.constant 128 : i32
        %div3A = arith.divsi %add3A_172, %jit3A : i32
        %sign3A = arith.constant 0 : i32
        %sign3A_173 = arith.cmpi sgt, %add3A_172, %sign3A : i32
        %sign3A_174 = arith.extui %sign3A_173 : i1 to i32
        %sign3A_175 = arith.constant 0 : i32
        %sign3A_176 = arith.cmpi slt, %add3A_172, %sign3A_175 : i32
        %sign3A_177 = arith.extui %sign3A_176 : i1 to i32
        %sign3A_178 = arith.subi %sign3A_174, %sign3A_177 : i32
        %sign3A_179 = arith.constant 0 : i32
        %sign3A_180 = arith.cmpi sgt, %jit3A, %sign3A_179 : i32
        %sign3A_181 = arith.extui %sign3A_180 : i1 to i32
        %sign3A_182 = arith.constant 0 : i32
        %sign3A_183 = arith.cmpi slt, %jit3A, %sign3A_182 : i32
        %sign3A_184 = arith.extui %sign3A_183 : i1 to i32
        %sign3A_185 = arith.subi %sign3A_181, %sign3A_184 : i32
        %ne3A = arith.cmpi ne, %sign3A_178, %sign3A_185 : i32
        %rem3A = arith.remsi %add3A_172, %jit3A : i32
        %ne3A_186 = arith.constant 0 : i32
        %ne3A_187 = arith.cmpi ne, %rem3A, %ne3A_186 : i32
        %and3A = arith.andi %ne3A, %ne3A_187 : i1
        %sub3A = arith.constant 1 : i32
        %sub3A_188 = arith.subi %div3A, %sub3A : i32
        %select_n3A = arith.select %and3A, %sub3A_188, %div3A : i32
        %run_scoped3A = arith.constant 1 : i32
        "tpu.region"() ({
          %run_scoped3A_194 = tpu.sem_alloc : memref<!tpu.dma_semaphore, #tpu.memory_space<semaphore_mem>>
          %dma_start3A = arith.constant 0 : i32
          %dma_start3A_195 = arith.constant 0 : i32
          %dma_start3A_196 = tpu.memref_slice %arg3[%run_scoped3A, %select_n3A, %dma_start3A, %dma_start3A_195] : memref<2x256x1x128xi32, #tpu.memory_space<hbm>> -> memref<1x2x1x128xi32, #tpu.memory_space<hbm>>
          %dma_start3A_197 = tpu.memref_squeeze %dma_start3A_196 : memref<1x2x1x128xi32, #tpu.memory_space<hbm>> -> memref<2x1x128xi32, #tpu.memory_space<hbm>>
          %dma_start3A_198 = arith.constant 0 : i32
          %dma_start3A_199 = arith.constant 0 : i32
          %dma_start3A_200 = tpu.memref_slice %arg3[%run_scoped3A, %select_n3A, %dma_start3A_198, %dma_start3A_199] : memref<2x256x1x128xi32, #tpu.memory_space<hbm>> -> memref<1x2x1x128xi32, #tpu.memory_space<hbm>>
          %dma_start3A_201 = tpu.memref_squeeze %dma_start3A_200 : memref<1x2x1x128xi32, #tpu.memory_space<hbm>> -> memref<2x1x128xi32, #tpu.memory_space<hbm>>
          tpu.enqueue_dma source(%dma_start3A_201 : memref<2x1x128xi32, #tpu.memory_space<hbm>>) target(%arg8 : memref<2x1x128xi32, #tpu.memory_space<vmem>>) target_semaphore(%run_scoped3A_194 : memref<!tpu.dma_semaphore, #tpu.memory_space<semaphore_mem>>)
          %dma_wait3A = arith.constant 0 : i32
          %dma_wait3A_202 = arith.constant 0 : i32
          %dma_wait3A_203 = tpu.memref_slice %arg3[%run_scoped3A, %select_n3A, %dma_wait3A, %dma_wait3A_202] : memref<2x256x1x128xi32, #tpu.memory_space<hbm>> -> memref<1x2x1x128xi32, #tpu.memory_space<hbm>>
          %dma_wait3A_204 = tpu.memref_squeeze %dma_wait3A_203 : memref<1x2x1x128xi32, #tpu.memory_space<hbm>> -> memref<2x1x128xi32, #tpu.memory_space<hbm>>
          %dma_wait3A_205 = arith.constant 0 : i32
          %dma_wait3A_206 = arith.constant 0 : i32
          %dma_wait3A_207 = tpu.memref_slice %arg3[%run_scoped3A, %select_n3A, %dma_wait3A_205, %dma_wait3A_206] : memref<2x256x1x128xi32, #tpu.memory_space<hbm>> -> memref<1x2x1x128xi32, #tpu.memory_space<hbm>>
          %dma_wait3A_208 = tpu.memref_squeeze %dma_wait3A_207 : memref<1x2x1x128xi32, #tpu.memory_space<hbm>> -> memref<2x1x128xi32, #tpu.memory_space<hbm>>
          tpu.wait_dma2 semaphore(%run_scoped3A_194 : memref<!tpu.dma_semaphore, #tpu.memory_space<semaphore_mem>>) src(%dma_wait3A_208 : memref<2x1x128xi32, #tpu.memory_space<hbm>>) dst(%arg8 : memref<2x1x128xi32, #tpu.memory_space<vmem>>)
          tpu.yield
        }) : () -> ()
        %run_scoped3A_189 = arith.constant 0 : i32
        %run_scoped3A_190 = arith.constant 0 : i32
        "tpu.region"() ({
          %run_scoped3A_194 = tpu.sem_alloc : memref<!tpu.dma_semaphore, #tpu.memory_space<semaphore_mem>>
          %dma_start3A = arith.constant 0 : i32
          %dma_start3A_195 = arith.constant 0 : i32
          %dma_start3A_196 = tpu.memref_slice %arg7[%dma_start3A, %dma_start3A_195] : memref<256x128xf32, #tpu.memory_space<vmem>> -> memref<128x128xf32, #tpu.memory_space<vmem>>
          %dma_start3A_197 = arith.constant 0 : i32
          %dma_start3A_198 = tpu.memref_slice %arg8[%run_scoped3A_189, %run_scoped3A_190, %dma_start3A_197] : memref<2x1x128xi32, #tpu.memory_space<vmem>> -> memref<1x1x128xi32, #tpu.memory_space<vmem>>
          %dma_start3A_199 = tpu.memref_squeeze %dma_start3A_198 : memref<1x1x128xi32, #tpu.memory_space<vmem>> -> memref<128xi32, #tpu.memory_space<vmem>>
          %dma_start3A_200 = arith.constant 0 : i32
          %dma_start3A_201 = arith.constant 0 : i32
          %dma_start3A_202 = tpu.memref_slice %arg6[%dma_start3A_200, %dma_start3A_201] : memref<7232x128xf32, #tpu.memory_space<vmem_shared>> -> memref<7232x128xf32, #tpu.memory_space<vmem_shared>>
          tpu.enqueue_indirect_dma source(%dma_start3A_196 : memref<128x128xf32, #tpu.memory_space<vmem>>) target(%dma_start3A_202 : memref<7232x128xf32, #tpu.memory_space<vmem_shared>>) offsets(%dma_start3A_199 : memref<128xi32, #tpu.memory_space<vmem>>) semaphore(%run_scoped3A_194 : memref<!tpu.dma_semaphore, #tpu.memory_space<semaphore_mem>>) {add = true}
          %dma_wait3A = arith.constant 0 : i32
          %dma_wait3A_203 = arith.constant 0 : i32
          %dma_wait3A_204 = tpu.memref_slice %arg7[%dma_wait3A, %dma_wait3A_203] : memref<256x128xf32, #tpu.memory_space<vmem>> -> memref<128x128xf32, #tpu.memory_space<vmem>>
          %dma_wait3A_205 = arith.constant 0 : i32
          %dma_wait3A_206 = tpu.memref_slice %arg8[%run_scoped3A_189, %run_scoped3A_190, %dma_wait3A_205] : memref<2x1x128xi32, #tpu.memory_space<vmem>> -> memref<1x1x128xi32, #tpu.memory_space<vmem>>
          %dma_wait3A_207 = tpu.memref_squeeze %dma_wait3A_206 : memref<1x1x128xi32, #tpu.memory_space<vmem>> -> memref<128xi32, #tpu.memory_space<vmem>>
          %dma_wait3A_208 = arith.constant 0 : i32
          %dma_wait3A_209 = arith.constant 0 : i32
          %dma_wait3A_210 = tpu.memref_slice %arg6[%dma_wait3A_208, %dma_wait3A_209] : memref<7232x128xf32, #tpu.memory_space<vmem_shared>> -> memref<7232x128xf32, #tpu.memory_space<vmem_shared>>
          tpu.wait_indirect_dma semaphore(%run_scoped3A_194 : memref<!tpu.dma_semaphore, #tpu.memory_space<semaphore_mem>>) src(%dma_wait3A_204 : memref<128x128xf32, #tpu.memory_space<vmem>>) dst(%dma_wait3A_210 : memref<7232x128xf32, #tpu.memory_space<vmem_shared>>)
          tpu.yield
        }) : () -> ()
        %run_scoped3A_191 = arith.constant 1 : i32
        %run_scoped3A_192 = arith.constant 0 : i32
        "tpu.region"() ({
          %run_scoped3A_194 = tpu.sem_alloc : memref<!tpu.dma_semaphore, #tpu.memory_space<semaphore_mem>>
          %dma_start3A = arith.constant 128 : i32
          %dma_start3A_195 = arith.constant 0 : i32
          %dma_start3A_196 = tpu.memref_slice %arg7[%dma_start3A, %dma_start3A_195] : memref<256x128xf32, #tpu.memory_space<vmem>> -> memref<128x128xf32, #tpu.memory_space<vmem>>
          %dma_start3A_197 = arith.constant 0 : i32
          %dma_start3A_198 = tpu.memref_slice %arg8[%run_scoped3A_191, %run_scoped3A_192, %dma_start3A_197] : memref<2x1x128xi32, #tpu.memory_space<vmem>> -> memref<1x1x128xi32, #tpu.memory_space<vmem>>
          %dma_start3A_199 = tpu.memref_squeeze %dma_start3A_198 : memref<1x1x128xi32, #tpu.memory_space<vmem>> -> memref<128xi32, #tpu.memory_space<vmem>>
          %dma_start3A_200 = arith.constant 0 : i32
          %dma_start3A_201 = arith.constant 0 : i32
          %dma_start3A_202 = tpu.memref_slice %arg6[%dma_start3A_200, %dma_start3A_201] : memref<7232x128xf32, #tpu.memory_space<vmem_shared>> -> memref<7232x128xf32, #tpu.memory_space<vmem_shared>>
          tpu.enqueue_indirect_dma source(%dma_start3A_196 : memref<128x128xf32, #tpu.memory_space<vmem>>) target(%dma_start3A_202 : memref<7232x128xf32, #tpu.memory_space<vmem_shared>>) offsets(%dma_start3A_199 : memref<128xi32, #tpu.memory_space<vmem>>) semaphore(%run_scoped3A_194 : memref<!tpu.dma_semaphore, #tpu.memory_space<semaphore_mem>>) {add = true}
          %dma_wait3A = arith.constant 128 : i32
          %dma_wait3A_203 = arith.constant 0 : i32
          %dma_wait3A_204 = tpu.memref_slice %arg7[%dma_wait3A, %dma_wait3A_203] : memref<256x128xf32, #tpu.memory_space<vmem>> -> memref<128x128xf32, #tpu.memory_space<vmem>>
          %dma_wait3A_205 = arith.constant 0 : i32
          %dma_wait3A_206 = tpu.memref_slice %arg8[%run_scoped3A_191, %run_scoped3A_192, %dma_wait3A_205] : memref<2x1x128xi32, #tpu.memory_space<vmem>> -> memref<1x1x128xi32, #tpu.memory_space<vmem>>
          %dma_wait3A_207 = tpu.memref_squeeze %dma_wait3A_206 : memref<1x1x128xi32, #tpu.memory_space<vmem>> -> memref<128xi32, #tpu.memory_space<vmem>>
          %dma_wait3A_208 = arith.constant 0 : i32
          %dma_wait3A_209 = arith.constant 0 : i32
          %dma_wait3A_210 = tpu.memref_slice %arg6[%dma_wait3A_208, %dma_wait3A_209] : memref<7232x128xf32, #tpu.memory_space<vmem_shared>> -> memref<7232x128xf32, #tpu.memory_space<vmem_shared>>
          tpu.wait_indirect_dma semaphore(%run_scoped3A_194 : memref<!tpu.dma_semaphore, #tpu.memory_space<semaphore_mem>>) src(%dma_wait3A_204 : memref<128x128xf32, #tpu.memory_space<vmem>>) dst(%dma_wait3A_210 : memref<7232x128xf32, #tpu.memory_space<vmem_shared>>)
          tpu.yield
        }) : () -> ()
        %scan3A_193 = arith.constant 0 : i32
        scf.yield %scan3A_193 : i32
      }
      %scan3A_77 = arith.constant 32 : i32
      %scan3A_78 = arith.constant 0 : i32
      %scan3A_79 = arith.constant 0 : i32
      %scan3A_80 = arith.constant 5 : i32
      %scan3A_81 = arith.addi %scan3A_79, %scan3A_80 : i32
      %scan3A_82 = arith.constant 1 : i32
      %scan3A_83 = scf.for %scan3A_169 = %scan3A_79 to %scan3A_81 step %scan3A_82 iter_args(%scan3A_170 = %scan3A_78) -> (i32)  : i32 {
        %mul3A = arith.constant 1440 : i32
        %mul3A_171 = arith.muli %scan3A_169, %mul3A : i32
        %mul3A_172 = arith.constant 1440 : i32
        %mul3A_173 = arith.muli %scan3A_169, %mul3A_172 : i32
        %run_scoped3A = arith.constant 1 : i32
        %run_scoped3A_174 = arith.constant 1 : i32
        "tpu.region"() ({
          %run_scoped3A_176 = tpu.sem_alloc : memref<!tpu.dma_semaphore, #tpu.memory_space<semaphore_mem>>
          %dma_start3A = arith.constant 0 : i32
          %dma_start3A_177 = tpu.memref_slice %arg5[%run_scoped3A, %arg0, %run_scoped3A_174, %mul3A_173, %dma_start3A] : memref<4x2x2x7200x128xf32, #tpu.memory_space<hbm>> -> memref<1x1x1x1440x128xf32, #tpu.memory_space<hbm>>
          %dma_start3A_178 = tpu.memref_squeeze %dma_start3A_177 : memref<1x1x1x1440x128xf32, #tpu.memory_space<hbm>> -> memref<1440x128xf32, #tpu.memory_space<hbm>>
          %dma_start3A_179 = arith.constant 0 : i32
          %dma_start3A_180 = tpu.memref_slice %arg6[%mul3A_171, %dma_start3A_179] : memref<7232x128xf32, #tpu.memory_space<vmem_shared>> -> memref<1440x128xf32, #tpu.memory_space<vmem_shared>>
          tpu.enqueue_dma source(%dma_start3A_180 : memref<1440x128xf32, #tpu.memory_space<vmem_shared>>) target(%dma_start3A_178 : memref<1440x128xf32, #tpu.memory_space<hbm>>) target_semaphore(%run_scoped3A_176 : memref<!tpu.dma_semaphore, #tpu.memory_space<semaphore_mem>>)
          %dma_wait3A = arith.constant 0 : i32
          %dma_wait3A_181 = tpu.memref_slice %arg5[%run_scoped3A, %arg0, %run_scoped3A_174, %mul3A_173, %dma_wait3A] : memref<4x2x2x7200x128xf32, #tpu.memory_space<hbm>> -> memref<1x1x1x1440x128xf32, #tpu.memory_space<hbm>>
          %dma_wait3A_182 = tpu.memref_squeeze %dma_wait3A_181 : memref<1x1x1x1440x128xf32, #tpu.memory_space<hbm>> -> memref<1440x128xf32, #tpu.memory_space<hbm>>
          %dma_wait3A_183 = arith.constant 0 : i32
          %dma_wait3A_184 = tpu.memref_slice %arg6[%mul3A_171, %dma_wait3A_183] : memref<7232x128xf32, #tpu.memory_space<vmem_shared>> -> memref<1440x128xf32, #tpu.memory_space<vmem_shared>>
          tpu.wait_dma2 semaphore(%run_scoped3A_176 : memref<!tpu.dma_semaphore, #tpu.memory_space<semaphore_mem>>) src(%dma_wait3A_184 : memref<1440x128xf32, #tpu.memory_space<vmem_shared>>) dst(%dma_wait3A_182 : memref<1440x128xf32, #tpu.memory_space<hbm>>)
          tpu.yield
        }) : () -> ()
        %scan3A_175 = arith.constant 0 : i32
        scf.yield %scan3A_175 : i32
      }
      %scan3A_84 = arith.constant 5 : i32
      %scan3A_85 = arith.constant 0 : i32
      %scan3A_86 = arith.constant 0 : i32
      %scan3A_87 = arith.constant 8 : i32
      %scan3A_88 = arith.addi %scan3A_86, %scan3A_87 : i32
      %scan3A_89 = arith.constant 1 : i32
      %scan3A_90 = scf.for %scan3A_169 = %scan3A_86 to %scan3A_88 step %scan3A_89 iter_args(%scan3A_170 = %scan3A_85) -> (i32)  : i32 {
        %mul3A = arith.constant 904 : i32
        %mul3A_171 = arith.muli %scan3A_169, %mul3A : i32
        "tpu.region"() ({
          %run_scoped3A = tpu.sem_alloc : memref<!tpu.dma_semaphore, #tpu.memory_space<semaphore_mem>>
          %dma_start3A = arith.constant 0 : i32
          %dma_start3A_173 = tpu.memref_slice %arg6[%mul3A_171, %dma_start3A] : memref<7232x128xf32, #tpu.memory_space<vmem_shared>> -> memref<904x128xf32, #tpu.memory_space<vmem_shared>>
          tpu.enqueue_dma source(%arg4 : memref<904x128xf32, #tpu.memory_space<hbm>>) target(%dma_start3A_173 : memref<904x128xf32, #tpu.memory_space<vmem_shared>>) target_semaphore(%run_scoped3A : memref<!tpu.dma_semaphore, #tpu.memory_space<semaphore_mem>>)
          %dma_wait3A = arith.constant 0 : i32
          %dma_wait3A_174 = tpu.memref_slice %arg6[%mul3A_171, %dma_wait3A] : memref<7232x128xf32, #tpu.memory_space<vmem_shared>> -> memref<904x128xf32, #tpu.memory_space<vmem_shared>>
          tpu.wait_dma2 semaphore(%run_scoped3A : memref<!tpu.dma_semaphore, #tpu.memory_space<semaphore_mem>>) src(%arg4 : memref<904x128xf32, #tpu.memory_space<hbm>>) dst(%dma_wait3A_174 : memref<904x128xf32, #tpu.memory_space<vmem_shared>>)
          tpu.yield
        }) : () -> ()
        %scan3A_172 = arith.constant 0 : i32
        scf.yield %scan3A_172 : i32
      }
      %scan3A_91 = arith.constant 8 : i32
      %scan3A_92 = arith.constant 0 : i32
      %scan3A_93 = arith.constant 0 : i32
      %scan3A_94 = arith.constant 32 : i32
      %scan3A_95 = arith.addi %scan3A_93, %scan3A_94 : i32
      %scan3A_96 = arith.constant 1 : i32
      %scan3A_97 = scf.for %scan3A_169 = %scan3A_93 to %scan3A_95 step %scan3A_96 iter_args(%scan3A_170 = %scan3A_92) -> (i32)  : i32 {
        %mul3A = arith.constant 256 : i32
        %mul3A_171 = arith.muli %scan3A_169, %mul3A : i32
        %add3A = arith.constant 16384 : i32
        %add3A_172 = arith.addi %add3A, %mul3A_171 : i32
        "tpu.region"() ({
          %run_scoped3A_194 = tpu.sem_alloc : memref<!tpu.dma_semaphore, #tpu.memory_space<semaphore_mem>>
          %dma_start3A = arith.constant 0 : i32
          %dma_start3A_195 = tpu.memref_slice %arg2[%arg0, %add3A_172, %dma_start3A] : memref<2x32768x128xf32, #tpu.memory_space<hbm>> -> memref<1x256x128xf32, #tpu.memory_space<hbm>>
          %dma_start3A_196 = tpu.memref_squeeze %dma_start3A_195 : memref<1x256x128xf32, #tpu.memory_space<hbm>> -> memref<256x128xf32, #tpu.memory_space<hbm>>
          %dma_start3A_197 = arith.constant 0 : i32
          %dma_start3A_198 = tpu.memref_slice %arg2[%arg0, %add3A_172, %dma_start3A_197] : memref<2x32768x128xf32, #tpu.memory_space<hbm>> -> memref<1x256x128xf32, #tpu.memory_space<hbm>>
          %dma_start3A_199 = tpu.memref_squeeze %dma_start3A_198 : memref<1x256x128xf32, #tpu.memory_space<hbm>> -> memref<256x128xf32, #tpu.memory_space<hbm>>
          tpu.enqueue_dma source(%dma_start3A_199 : memref<256x128xf32, #tpu.memory_space<hbm>>) target(%arg7 : memref<256x128xf32, #tpu.memory_space<vmem>>) target_semaphore(%run_scoped3A_194 : memref<!tpu.dma_semaphore, #tpu.memory_space<semaphore_mem>>)
          %dma_wait3A = arith.constant 0 : i32
          %dma_wait3A_200 = tpu.memref_slice %arg2[%arg0, %add3A_172, %dma_wait3A] : memref<2x32768x128xf32, #tpu.memory_space<hbm>> -> memref<1x256x128xf32, #tpu.memory_space<hbm>>
          %dma_wait3A_201 = tpu.memref_squeeze %dma_wait3A_200 : memref<1x256x128xf32, #tpu.memory_space<hbm>> -> memref<256x128xf32, #tpu.memory_space<hbm>>
          %dma_wait3A_202 = arith.constant 0 : i32
          %dma_wait3A_203 = tpu.memref_slice %arg2[%arg0, %add3A_172, %dma_wait3A_202] : memref<2x32768x128xf32, #tpu.memory_space<hbm>> -> memref<1x256x128xf32, #tpu.memory_space<hbm>>
          %dma_wait3A_204 = tpu.memref_squeeze %dma_wait3A_203 : memref<1x256x128xf32, #tpu.memory_space<hbm>> -> memref<256x128xf32, #tpu.memory_space<hbm>>
          tpu.wait_dma2 semaphore(%run_scoped3A_194 : memref<!tpu.dma_semaphore, #tpu.memory_space<semaphore_mem>>) src(%dma_wait3A_204 : memref<256x128xf32, #tpu.memory_space<hbm>>) dst(%arg7 : memref<256x128xf32, #tpu.memory_space<vmem>>)
          tpu.yield
        }) : () -> ()
        %jit3A = arith.constant 128 : i32
        %div3A = arith.divsi %add3A_172, %jit3A : i32
        %sign3A = arith.constant 0 : i32
        %sign3A_173 = arith.cmpi sgt, %add3A_172, %sign3A : i32
        %sign3A_174 = arith.extui %sign3A_173 : i1 to i32
        %sign3A_175 = arith.constant 0 : i32
        %sign3A_176 = arith.cmpi slt, %add3A_172, %sign3A_175 : i32
        %sign3A_177 = arith.extui %sign3A_176 : i1 to i32
        %sign3A_178 = arith.subi %sign3A_174, %sign3A_177 : i32
        %sign3A_179 = arith.constant 0 : i32
        %sign3A_180 = arith.cmpi sgt, %jit3A, %sign3A_179 : i32
        %sign3A_181 = arith.extui %sign3A_180 : i1 to i32
        %sign3A_182 = arith.constant 0 : i32
        %sign3A_183 = arith.cmpi slt, %jit3A, %sign3A_182 : i32
        %sign3A_184 = arith.extui %sign3A_183 : i1 to i32
        %sign3A_185 = arith.subi %sign3A_181, %sign3A_184 : i32
        %ne3A = arith.cmpi ne, %sign3A_178, %sign3A_185 : i32
        %rem3A = arith.remsi %add3A_172, %jit3A : i32
        %ne3A_186 = arith.constant 0 : i32
        %ne3A_187 = arith.cmpi ne, %rem3A, %ne3A_186 : i32
        %and3A = arith.andi %ne3A, %ne3A_187 : i1
        %sub3A = arith.constant 1 : i32
        %sub3A_188 = arith.subi %div3A, %sub3A : i32
        %select_n3A = arith.select %and3A, %sub3A_188, %div3A : i32
        %run_scoped3A = arith.constant 0 : i32
        "tpu.region"() ({
          %run_scoped3A_194 = tpu.sem_alloc : memref<!tpu.dma_semaphore, #tpu.memory_space<semaphore_mem>>
          %dma_start3A = arith.constant 0 : i32
          %dma_start3A_195 = arith.constant 0 : i32
          %dma_start3A_196 = tpu.memref_slice %arg3[%run_scoped3A, %select_n3A, %dma_start3A, %dma_start3A_195] : memref<2x256x1x128xi32, #tpu.memory_space<hbm>> -> memref<1x2x1x128xi32, #tpu.memory_space<hbm>>
          %dma_start3A_197 = tpu.memref_squeeze %dma_start3A_196 : memref<1x2x1x128xi32, #tpu.memory_space<hbm>> -> memref<2x1x128xi32, #tpu.memory_space<hbm>>
          %dma_start3A_198 = arith.constant 0 : i32
          %dma_start3A_199 = arith.constant 0 : i32
          %dma_start3A_200 = tpu.memref_slice %arg3[%run_scoped3A, %select_n3A, %dma_start3A_198, %dma_start3A_199] : memref<2x256x1x128xi32, #tpu.memory_space<hbm>> -> memref<1x2x1x128xi32, #tpu.memory_space<hbm>>
          %dma_start3A_201 = tpu.memref_squeeze %dma_start3A_200 : memref<1x2x1x128xi32, #tpu.memory_space<hbm>> -> memref<2x1x128xi32, #tpu.memory_space<hbm>>
          tpu.enqueue_dma source(%dma_start3A_201 : memref<2x1x128xi32, #tpu.memory_space<hbm>>) target(%arg8 : memref<2x1x128xi32, #tpu.memory_space<vmem>>) target_semaphore(%run_scoped3A_194 : memref<!tpu.dma_semaphore, #tpu.memory_space<semaphore_mem>>)
          %dma_wait3A = arith.constant 0 : i32
          %dma_wait3A_202 = arith.constant 0 : i32
          %dma_wait3A_203 = tpu.memref_slice %arg3[%run_scoped3A, %select_n3A, %dma_wait3A, %dma_wait3A_202] : memref<2x256x1x128xi32, #tpu.memory_space<hbm>> -> memref<1x2x1x128xi32, #tpu.memory_space<hbm>>
          %dma_wait3A_204 = tpu.memref_squeeze %dma_wait3A_203 : memref<1x2x1x128xi32, #tpu.memory_space<hbm>> -> memref<2x1x128xi32, #tpu.memory_space<hbm>>
          %dma_wait3A_205 = arith.constant 0 : i32
          %dma_wait3A_206 = arith.constant 0 : i32
          %dma_wait3A_207 = tpu.memref_slice %arg3[%run_scoped3A, %select_n3A, %dma_wait3A_205, %dma_wait3A_206] : memref<2x256x1x128xi32, #tpu.memory_space<hbm>> -> memref<1x2x1x128xi32, #tpu.memory_space<hbm>>
          %dma_wait3A_208 = tpu.memref_squeeze %dma_wait3A_207 : memref<1x2x1x128xi32, #tpu.memory_space<hbm>> -> memref<2x1x128xi32, #tpu.memory_space<hbm>>
          tpu.wait_dma2 semaphore(%run_scoped3A_194 : memref<!tpu.dma_semaphore, #tpu.memory_space<semaphore_mem>>) src(%dma_wait3A_208 : memref<2x1x128xi32, #tpu.memory_space<hbm>>) dst(%arg8 : memref<2x1x128xi32, #tpu.memory_space<vmem>>)
          tpu.yield
        }) : () -> ()
        %run_scoped3A_189 = arith.constant 0 : i32
        %run_scoped3A_190 = arith.constant 0 : i32
        "tpu.region"() ({
          %run_scoped3A_194 = tpu.sem_alloc : memref<!tpu.dma_semaphore, #tpu.memory_space<semaphore_mem>>
          %dma_start3A = arith.constant 0 : i32
          %dma_start3A_195 = arith.constant 0 : i32
          %dma_start3A_196 = tpu.memref_slice %arg7[%dma_start3A, %dma_start3A_195] : memref<256x128xf32, #tpu.memory_space<vmem>> -> memref<128x128xf32, #tpu.memory_space<vmem>>
          %dma_start3A_197 = arith.constant 0 : i32
          %dma_start3A_198 = tpu.memref_slice %arg8[%run_scoped3A_189, %run_scoped3A_190, %dma_start3A_197] : memref<2x1x128xi32, #tpu.memory_space<vmem>> -> memref<1x1x128xi32, #tpu.memory_space<vmem>>
          %dma_start3A_199 = tpu.memref_squeeze %dma_start3A_198 : memref<1x1x128xi32, #tpu.memory_space<vmem>> -> memref<128xi32, #tpu.memory_space<vmem>>
          %dma_start3A_200 = arith.constant 0 : i32
          %dma_start3A_201 = arith.constant 0 : i32
          %dma_start3A_202 = tpu.memref_slice %arg6[%dma_start3A_200, %dma_start3A_201] : memref<7232x128xf32, #tpu.memory_space<vmem_shared>> -> memref<7232x128xf32, #tpu.memory_space<vmem_shared>>
          tpu.enqueue_indirect_dma source(%dma_start3A_196 : memref<128x128xf32, #tpu.memory_space<vmem>>) target(%dma_start3A_202 : memref<7232x128xf32, #tpu.memory_space<vmem_shared>>) offsets(%dma_start3A_199 : memref<128xi32, #tpu.memory_space<vmem>>) semaphore(%run_scoped3A_194 : memref<!tpu.dma_semaphore, #tpu.memory_space<semaphore_mem>>) {add = true}
          %dma_wait3A = arith.constant 0 : i32
          %dma_wait3A_203 = arith.constant 0 : i32
          %dma_wait3A_204 = tpu.memref_slice %arg7[%dma_wait3A, %dma_wait3A_203] : memref<256x128xf32, #tpu.memory_space<vmem>> -> memref<128x128xf32, #tpu.memory_space<vmem>>
          %dma_wait3A_205 = arith.constant 0 : i32
          %dma_wait3A_206 = tpu.memref_slice %arg8[%run_scoped3A_189, %run_scoped3A_190, %dma_wait3A_205] : memref<2x1x128xi32, #tpu.memory_space<vmem>> -> memref<1x1x128xi32, #tpu.memory_space<vmem>>
          %dma_wait3A_207 = tpu.memref_squeeze %dma_wait3A_206 : memref<1x1x128xi32, #tpu.memory_space<vmem>> -> memref<128xi32, #tpu.memory_space<vmem>>
          %dma_wait3A_208 = arith.constant 0 : i32
          %dma_wait3A_209 = arith.constant 0 : i32
          %dma_wait3A_210 = tpu.memref_slice %arg6[%dma_wait3A_208, %dma_wait3A_209] : memref<7232x128xf32, #tpu.memory_space<vmem_shared>> -> memref<7232x128xf32, #tpu.memory_space<vmem_shared>>
          tpu.wait_indirect_dma semaphore(%run_scoped3A_194 : memref<!tpu.dma_semaphore, #tpu.memory_space<semaphore_mem>>) src(%dma_wait3A_204 : memref<128x128xf32, #tpu.memory_space<vmem>>) dst(%dma_wait3A_210 : memref<7232x128xf32, #tpu.memory_space<vmem_shared>>)
          tpu.yield
        }) : () -> ()
        %run_scoped3A_191 = arith.constant 1 : i32
        %run_scoped3A_192 = arith.constant 0 : i32
        "tpu.region"() ({
          %run_scoped3A_194 = tpu.sem_alloc : memref<!tpu.dma_semaphore, #tpu.memory_space<semaphore_mem>>
          %dma_start3A = arith.constant 128 : i32
          %dma_start3A_195 = arith.constant 0 : i32
          %dma_start3A_196 = tpu.memref_slice %arg7[%dma_start3A, %dma_start3A_195] : memref<256x128xf32, #tpu.memory_space<vmem>> -> memref<128x128xf32, #tpu.memory_space<vmem>>
          %dma_start3A_197 = arith.constant 0 : i32
          %dma_start3A_198 = tpu.memref_slice %arg8[%run_scoped3A_191, %run_scoped3A_192, %dma_start3A_197] : memref<2x1x128xi32, #tpu.memory_space<vmem>> -> memref<1x1x128xi32, #tpu.memory_space<vmem>>
          %dma_start3A_199 = tpu.memref_squeeze %dma_start3A_198 : memref<1x1x128xi32, #tpu.memory_space<vmem>> -> memref<128xi32, #tpu.memory_space<vmem>>
          %dma_start3A_200 = arith.constant 0 : i32
          %dma_start3A_201 = arith.constant 0 : i32
          %dma_start3A_202 = tpu.memref_slice %arg6[%dma_start3A_200, %dma_start3A_201] : memref<7232x128xf32, #tpu.memory_space<vmem_shared>> -> memref<7232x128xf32, #tpu.memory_space<vmem_shared>>
          tpu.enqueue_indirect_dma source(%dma_start3A_196 : memref<128x128xf32, #tpu.memory_space<vmem>>) target(%dma_start3A_202 : memref<7232x128xf32, #tpu.memory_space<vmem_shared>>) offsets(%dma_start3A_199 : memref<128xi32, #tpu.memory_space<vmem>>) semaphore(%run_scoped3A_194 : memref<!tpu.dma_semaphore, #tpu.memory_space<semaphore_mem>>) {add = true}
          %dma_wait3A = arith.constant 128 : i32
          %dma_wait3A_203 = arith.constant 0 : i32
          %dma_wait3A_204 = tpu.memref_slice %arg7[%dma_wait3A, %dma_wait3A_203] : memref<256x128xf32, #tpu.memory_space<vmem>> -> memref<128x128xf32, #tpu.memory_space<vmem>>
          %dma_wait3A_205 = arith.constant 0 : i32
          %dma_wait3A_206 = tpu.memref_slice %arg8[%run_scoped3A_191, %run_scoped3A_192, %dma_wait3A_205] : memref<2x1x128xi32, #tpu.memory_space<vmem>> -> memref<1x1x128xi32, #tpu.memory_space<vmem>>
          %dma_wait3A_207 = tpu.memref_squeeze %dma_wait3A_206 : memref<1x1x128xi32, #tpu.memory_space<vmem>> -> memref<128xi32, #tpu.memory_space<vmem>>
          %dma_wait3A_208 = arith.constant 0 : i32
          %dma_wait3A_209 = arith.constant 0 : i32
          %dma_wait3A_210 = tpu.memref_slice %arg6[%dma_wait3A_208, %dma_wait3A_209] : memref<7232x128xf32, #tpu.memory_space<vmem_shared>> -> memref<7232x128xf32, #tpu.memory_space<vmem_shared>>
          tpu.wait_indirect_dma semaphore(%run_scoped3A_194 : memref<!tpu.dma_semaphore, #tpu.memory_space<semaphore_mem>>) src(%dma_wait3A_204 : memref<128x128xf32, #tpu.memory_space<vmem>>) dst(%dma_wait3A_210 : memref<7232x128xf32, #tpu.memory_space<vmem_shared>>)
          tpu.yield
        }) : () -> ()
        %scan3A_193 = arith.constant 0 : i32
        scf.yield %scan3A_193 : i32
      }
      %scan3A_98 = arith.constant 32 : i32
      %scan3A_99 = arith.constant 0 : i32
      %scan3A_100 = arith.constant 0 : i32
      %scan3A_101 = arith.constant 5 : i32
      %scan3A_102 = arith.addi %scan3A_100, %scan3A_101 : i32
      %scan3A_103 = arith.constant 1 : i32
      %scan3A_104 = scf.for %scan3A_169 = %scan3A_100 to %scan3A_102 step %scan3A_103 iter_args(%scan3A_170 = %scan3A_99) -> (i32)  : i32 {
        %mul3A = arith.constant 1440 : i32
        %mul3A_171 = arith.muli %scan3A_169, %mul3A : i32
        %mul3A_172 = arith.constant 1440 : i32
        %mul3A_173 = arith.muli %scan3A_169, %mul3A_172 : i32
        %run_scoped3A = arith.constant 2 : i32
        %run_scoped3A_174 = arith.constant 0 : i32
        "tpu.region"() ({
          %run_scoped3A_176 = tpu.sem_alloc : memref<!tpu.dma_semaphore, #tpu.memory_space<semaphore_mem>>
          %dma_start3A = arith.constant 0 : i32
          %dma_start3A_177 = tpu.memref_slice %arg5[%run_scoped3A, %arg0, %run_scoped3A_174, %mul3A_173, %dma_start3A] : memref<4x2x2x7200x128xf32, #tpu.memory_space<hbm>> -> memref<1x1x1x1440x128xf32, #tpu.memory_space<hbm>>
          %dma_start3A_178 = tpu.memref_squeeze %dma_start3A_177 : memref<1x1x1x1440x128xf32, #tpu.memory_space<hbm>> -> memref<1440x128xf32, #tpu.memory_space<hbm>>
          %dma_start3A_179 = arith.constant 0 : i32
          %dma_start3A_180 = tpu.memref_slice %arg6[%mul3A_171, %dma_start3A_179] : memref<7232x128xf32, #tpu.memory_space<vmem_shared>> -> memref<1440x128xf32, #tpu.memory_space<vmem_shared>>
          tpu.enqueue_dma source(%dma_start3A_180 : memref<1440x128xf32, #tpu.memory_space<vmem_shared>>) target(%dma_start3A_178 : memref<1440x128xf32, #tpu.memory_space<hbm>>) target_semaphore(%run_scoped3A_176 : memref<!tpu.dma_semaphore, #tpu.memory_space<semaphore_mem>>)
          %dma_wait3A = arith.constant 0 : i32
          %dma_wait3A_181 = tpu.memref_slice %arg5[%run_scoped3A, %arg0, %run_scoped3A_174, %mul3A_173, %dma_wait3A] : memref<4x2x2x7200x128xf32, #tpu.memory_space<hbm>> -> memref<1x1x1x1440x128xf32, #tpu.memory_space<hbm>>
          %dma_wait3A_182 = tpu.memref_squeeze %dma_wait3A_181 : memref<1x1x1x1440x128xf32, #tpu.memory_space<hbm>> -> memref<1440x128xf32, #tpu.memory_space<hbm>>
          %dma_wait3A_183 = arith.constant 0 : i32
          %dma_wait3A_184 = tpu.memref_slice %arg6[%mul3A_171, %dma_wait3A_183] : memref<7232x128xf32, #tpu.memory_space<vmem_shared>> -> memref<1440x128xf32, #tpu.memory_space<vmem_shared>>
          tpu.wait_dma2 semaphore(%run_scoped3A_176 : memref<!tpu.dma_semaphore, #tpu.memory_space<semaphore_mem>>) src(%dma_wait3A_184 : memref<1440x128xf32, #tpu.memory_space<vmem_shared>>) dst(%dma_wait3A_182 : memref<1440x128xf32, #tpu.memory_space<hbm>>)
          tpu.yield
        }) : () -> ()
        %scan3A_175 = arith.constant 0 : i32
        scf.yield %scan3A_175 : i32
      }
      %scan3A_105 = arith.constant 5 : i32
      %scan3A_106 = arith.constant 0 : i32
      %scan3A_107 = arith.constant 0 : i32
      %scan3A_108 = arith.constant 8 : i32
      %scan3A_109 = arith.addi %scan3A_107, %scan3A_108 : i32
      %scan3A_110 = arith.constant 1 : i32
      %scan3A_111 = scf.for %scan3A_169 = %scan3A_107 to %scan3A_109 step %scan3A_110 iter_args(%scan3A_170 = %scan3A_106) -> (i32)  : i32 {
        %mul3A = arith.constant 904 : i32
        %mul3A_171 = arith.muli %scan3A_169, %mul3A : i32
        "tpu.region"() ({
          %run_scoped3A = tpu.sem_alloc : memref<!tpu.dma_semaphore, #tpu.memory_space<semaphore_mem>>
          %dma_start3A = arith.constant 0 : i32
          %dma_start3A_173 = tpu.memref_slice %arg6[%mul3A_171, %dma_start3A] : memref<7232x128xf32, #tpu.memory_space<vmem_shared>> -> memref<904x128xf32, #tpu.memory_space<vmem_shared>>
          tpu.enqueue_dma source(%arg4 : memref<904x128xf32, #tpu.memory_space<hbm>>) target(%dma_start3A_173 : memref<904x128xf32, #tpu.memory_space<vmem_shared>>) target_semaphore(%run_scoped3A : memref<!tpu.dma_semaphore, #tpu.memory_space<semaphore_mem>>)
          %dma_wait3A = arith.constant 0 : i32
          %dma_wait3A_174 = tpu.memref_slice %arg6[%mul3A_171, %dma_wait3A] : memref<7232x128xf32, #tpu.memory_space<vmem_shared>> -> memref<904x128xf32, #tpu.memory_space<vmem_shared>>
          tpu.wait_dma2 semaphore(%run_scoped3A : memref<!tpu.dma_semaphore, #tpu.memory_space<semaphore_mem>>) src(%arg4 : memref<904x128xf32, #tpu.memory_space<hbm>>) dst(%dma_wait3A_174 : memref<904x128xf32, #tpu.memory_space<vmem_shared>>)
          tpu.yield
        }) : () -> ()
        %scan3A_172 = arith.constant 0 : i32
        scf.yield %scan3A_172 : i32
      }
      %scan3A_112 = arith.constant 8 : i32
      %scan3A_113 = arith.constant 0 : i32
      %scan3A_114 = arith.constant 0 : i32
      %scan3A_115 = arith.constant 32 : i32
      %scan3A_116 = arith.addi %scan3A_114, %scan3A_115 : i32
      %scan3A_117 = arith.constant 1 : i32
      %scan3A_118 = scf.for %scan3A_169 = %scan3A_114 to %scan3A_116 step %scan3A_117 iter_args(%scan3A_170 = %scan3A_113) -> (i32)  : i32 {
        %mul3A = arith.constant 256 : i32
        %mul3A_171 = arith.muli %scan3A_169, %mul3A : i32
        %add3A = arith.constant 16384 : i32
        %add3A_172 = arith.addi %add3A, %mul3A_171 : i32
        "tpu.region"() ({
          %run_scoped3A_194 = tpu.sem_alloc : memref<!tpu.dma_semaphore, #tpu.memory_space<semaphore_mem>>
          %dma_start3A = arith.constant 0 : i32
          %dma_start3A_195 = tpu.memref_slice %arg2[%arg0, %add3A_172, %dma_start3A] : memref<2x32768x128xf32, #tpu.memory_space<hbm>> -> memref<1x256x128xf32, #tpu.memory_space<hbm>>
          %dma_start3A_196 = tpu.memref_squeeze %dma_start3A_195 : memref<1x256x128xf32, #tpu.memory_space<hbm>> -> memref<256x128xf32, #tpu.memory_space<hbm>>
          %dma_start3A_197 = arith.constant 0 : i32
          %dma_start3A_198 = tpu.memref_slice %arg2[%arg0, %add3A_172, %dma_start3A_197] : memref<2x32768x128xf32, #tpu.memory_space<hbm>> -> memref<1x256x128xf32, #tpu.memory_space<hbm>>
          %dma_start3A_199 = tpu.memref_squeeze %dma_start3A_198 : memref<1x256x128xf32, #tpu.memory_space<hbm>> -> memref<256x128xf32, #tpu.memory_space<hbm>>
          tpu.enqueue_dma source(%dma_start3A_199 : memref<256x128xf32, #tpu.memory_space<hbm>>) target(%arg7 : memref<256x128xf32, #tpu.memory_space<vmem>>) target_semaphore(%run_scoped3A_194 : memref<!tpu.dma_semaphore, #tpu.memory_space<semaphore_mem>>)
          %dma_wait3A = arith.constant 0 : i32
          %dma_wait3A_200 = tpu.memref_slice %arg2[%arg0, %add3A_172, %dma_wait3A] : memref<2x32768x128xf32, #tpu.memory_space<hbm>> -> memref<1x256x128xf32, #tpu.memory_space<hbm>>
          %dma_wait3A_201 = tpu.memref_squeeze %dma_wait3A_200 : memref<1x256x128xf32, #tpu.memory_space<hbm>> -> memref<256x128xf32, #tpu.memory_space<hbm>>
          %dma_wait3A_202 = arith.constant 0 : i32
          %dma_wait3A_203 = tpu.memref_slice %arg2[%arg0, %add3A_172, %dma_wait3A_202] : memref<2x32768x128xf32, #tpu.memory_space<hbm>> -> memref<1x256x128xf32, #tpu.memory_space<hbm>>
          %dma_wait3A_204 = tpu.memref_squeeze %dma_wait3A_203 : memref<1x256x128xf32, #tpu.memory_space<hbm>> -> memref<256x128xf32, #tpu.memory_space<hbm>>
          tpu.wait_dma2 semaphore(%run_scoped3A_194 : memref<!tpu.dma_semaphore, #tpu.memory_space<semaphore_mem>>) src(%dma_wait3A_204 : memref<256x128xf32, #tpu.memory_space<hbm>>) dst(%arg7 : memref<256x128xf32, #tpu.memory_space<vmem>>)
          tpu.yield
        }) : () -> ()
        %jit3A = arith.constant 128 : i32
        %div3A = arith.divsi %add3A_172, %jit3A : i32
        %sign3A = arith.constant 0 : i32
        %sign3A_173 = arith.cmpi sgt, %add3A_172, %sign3A : i32
        %sign3A_174 = arith.extui %sign3A_173 : i1 to i32
        %sign3A_175 = arith.constant 0 : i32
        %sign3A_176 = arith.cmpi slt, %add3A_172, %sign3A_175 : i32
        %sign3A_177 = arith.extui %sign3A_176 : i1 to i32
        %sign3A_178 = arith.subi %sign3A_174, %sign3A_177 : i32
        %sign3A_179 = arith.constant 0 : i32
        %sign3A_180 = arith.cmpi sgt, %jit3A, %sign3A_179 : i32
        %sign3A_181 = arith.extui %sign3A_180 : i1 to i32
        %sign3A_182 = arith.constant 0 : i32
        %sign3A_183 = arith.cmpi slt, %jit3A, %sign3A_182 : i32
        %sign3A_184 = arith.extui %sign3A_183 : i1 to i32
        %sign3A_185 = arith.subi %sign3A_181, %sign3A_184 : i32
        %ne3A = arith.cmpi ne, %sign3A_178, %sign3A_185 : i32
        %rem3A = arith.remsi %add3A_172, %jit3A : i32
        %ne3A_186 = arith.constant 0 : i32
        %ne3A_187 = arith.cmpi ne, %rem3A, %ne3A_186 : i32
        %and3A = arith.andi %ne3A, %ne3A_187 : i1
        %sub3A = arith.constant 1 : i32
        %sub3A_188 = arith.subi %div3A, %sub3A : i32
        %select_n3A = arith.select %and3A, %sub3A_188, %div3A : i32
        %run_scoped3A = arith.constant 1 : i32
        "tpu.region"() ({
          %run_scoped3A_194 = tpu.sem_alloc : memref<!tpu.dma_semaphore, #tpu.memory_space<semaphore_mem>>
          %dma_start3A = arith.constant 0 : i32
          %dma_start3A_195 = arith.constant 0 : i32
          %dma_start3A_196 = tpu.memref_slice %arg3[%run_scoped3A, %select_n3A, %dma_start3A, %dma_start3A_195] : memref<2x256x1x128xi32, #tpu.memory_space<hbm>> -> memref<1x2x1x128xi32, #tpu.memory_space<hbm>>
          %dma_start3A_197 = tpu.memref_squeeze %dma_start3A_196 : memref<1x2x1x128xi32, #tpu.memory_space<hbm>> -> memref<2x1x128xi32, #tpu.memory_space<hbm>>
          %dma_start3A_198 = arith.constant 0 : i32
          %dma_start3A_199 = arith.constant 0 : i32
          %dma_start3A_200 = tpu.memref_slice %arg3[%run_scoped3A, %select_n3A, %dma_start3A_198, %dma_start3A_199] : memref<2x256x1x128xi32, #tpu.memory_space<hbm>> -> memref<1x2x1x128xi32, #tpu.memory_space<hbm>>
          %dma_start3A_201 = tpu.memref_squeeze %dma_start3A_200 : memref<1x2x1x128xi32, #tpu.memory_space<hbm>> -> memref<2x1x128xi32, #tpu.memory_space<hbm>>
          tpu.enqueue_dma source(%dma_start3A_201 : memref<2x1x128xi32, #tpu.memory_space<hbm>>) target(%arg8 : memref<2x1x128xi32, #tpu.memory_space<vmem>>) target_semaphore(%run_scoped3A_194 : memref<!tpu.dma_semaphore, #tpu.memory_space<semaphore_mem>>)
          %dma_wait3A = arith.constant 0 : i32
          %dma_wait3A_202 = arith.constant 0 : i32
          %dma_wait3A_203 = tpu.memref_slice %arg3[%run_scoped3A, %select_n3A, %dma_wait3A, %dma_wait3A_202] : memref<2x256x1x128xi32, #tpu.memory_space<hbm>> -> memref<1x2x1x128xi32, #tpu.memory_space<hbm>>
          %dma_wait3A_204 = tpu.memref_squeeze %dma_wait3A_203 : memref<1x2x1x128xi32, #tpu.memory_space<hbm>> -> memref<2x1x128xi32, #tpu.memory_space<hbm>>
          %dma_wait3A_205 = arith.constant 0 : i32
          %dma_wait3A_206 = arith.constant 0 : i32
          %dma_wait3A_207 = tpu.memref_slice %arg3[%run_scoped3A, %select_n3A, %dma_wait3A_205, %dma_wait3A_206] : memref<2x256x1x128xi32, #tpu.memory_space<hbm>> -> memref<1x2x1x128xi32, #tpu.memory_space<hbm>>
          %dma_wait3A_208 = tpu.memref_squeeze %dma_wait3A_207 : memref<1x2x1x128xi32, #tpu.memory_space<hbm>> -> memref<2x1x128xi32, #tpu.memory_space<hbm>>
          tpu.wait_dma2 semaphore(%run_scoped3A_194 : memref<!tpu.dma_semaphore, #tpu.memory_space<semaphore_mem>>) src(%dma_wait3A_208 : memref<2x1x128xi32, #tpu.memory_space<hbm>>) dst(%arg8 : memref<2x1x128xi32, #tpu.memory_space<vmem>>)
          tpu.yield
        }) : () -> ()
        %run_scoped3A_189 = arith.constant 0 : i32
        %run_scoped3A_190 = arith.constant 0 : i32
        "tpu.region"() ({
          %run_scoped3A_194 = tpu.sem_alloc : memref<!tpu.dma_semaphore, #tpu.memory_space<semaphore_mem>>
          %dma_start3A = arith.constant 0 : i32
          %dma_start3A_195 = arith.constant 0 : i32
          %dma_start3A_196 = tpu.memref_slice %arg7[%dma_start3A, %dma_start3A_195] : memref<256x128xf32, #tpu.memory_space<vmem>> -> memref<128x128xf32, #tpu.memory_space<vmem>>
          %dma_start3A_197 = arith.constant 0 : i32
          %dma_start3A_198 = tpu.memref_slice %arg8[%run_scoped3A_189, %run_scoped3A_190, %dma_start3A_197] : memref<2x1x128xi32, #tpu.memory_space<vmem>> -> memref<1x1x128xi32, #tpu.memory_space<vmem>>
          %dma_start3A_199 = tpu.memref_squeeze %dma_start3A_198 : memref<1x1x128xi32, #tpu.memory_space<vmem>> -> memref<128xi32, #tpu.memory_space<vmem>>
          %dma_start3A_200 = arith.constant 0 : i32
          %dma_start3A_201 = arith.constant 0 : i32
          %dma_start3A_202 = tpu.memref_slice %arg6[%dma_start3A_200, %dma_start3A_201] : memref<7232x128xf32, #tpu.memory_space<vmem_shared>> -> memref<7232x128xf32, #tpu.memory_space<vmem_shared>>
          tpu.enqueue_indirect_dma source(%dma_start3A_196 : memref<128x128xf32, #tpu.memory_space<vmem>>) target(%dma_start3A_202 : memref<7232x128xf32, #tpu.memory_space<vmem_shared>>) offsets(%dma_start3A_199 : memref<128xi32, #tpu.memory_space<vmem>>) semaphore(%run_scoped3A_194 : memref<!tpu.dma_semaphore, #tpu.memory_space<semaphore_mem>>) {add = true}
          %dma_wait3A = arith.constant 0 : i32
          %dma_wait3A_203 = arith.constant 0 : i32
          %dma_wait3A_204 = tpu.memref_slice %arg7[%dma_wait3A, %dma_wait3A_203] : memref<256x128xf32, #tpu.memory_space<vmem>> -> memref<128x128xf32, #tpu.memory_space<vmem>>
          %dma_wait3A_205 = arith.constant 0 : i32
          %dma_wait3A_206 = tpu.memref_slice %arg8[%run_scoped3A_189, %run_scoped3A_190, %dma_wait3A_205] : memref<2x1x128xi32, #tpu.memory_space<vmem>> -> memref<1x1x128xi32, #tpu.memory_space<vmem>>
          %dma_wait3A_207 = tpu.memref_squeeze %dma_wait3A_206 : memref<1x1x128xi32, #tpu.memory_space<vmem>> -> memref<128xi32, #tpu.memory_space<vmem>>
          %dma_wait3A_208 = arith.constant 0 : i32
          %dma_wait3A_209 = arith.constant 0 : i32
          %dma_wait3A_210 = tpu.memref_slice %arg6[%dma_wait3A_208, %dma_wait3A_209] : memref<7232x128xf32, #tpu.memory_space<vmem_shared>> -> memref<7232x128xf32, #tpu.memory_space<vmem_shared>>
          tpu.wait_indirect_dma semaphore(%run_scoped3A_194 : memref<!tpu.dma_semaphore, #tpu.memory_space<semaphore_mem>>) src(%dma_wait3A_204 : memref<128x128xf32, #tpu.memory_space<vmem>>) dst(%dma_wait3A_210 : memref<7232x128xf32, #tpu.memory_space<vmem_shared>>)
          tpu.yield
        }) : () -> ()
        %run_scoped3A_191 = arith.constant 1 : i32
        %run_scoped3A_192 = arith.constant 0 : i32
        "tpu.region"() ({
          %run_scoped3A_194 = tpu.sem_alloc : memref<!tpu.dma_semaphore, #tpu.memory_space<semaphore_mem>>
          %dma_start3A = arith.constant 128 : i32
          %dma_start3A_195 = arith.constant 0 : i32
          %dma_start3A_196 = tpu.memref_slice %arg7[%dma_start3A, %dma_start3A_195] : memref<256x128xf32, #tpu.memory_space<vmem>> -> memref<128x128xf32, #tpu.memory_space<vmem>>
          %dma_start3A_197 = arith.constant 0 : i32
          %dma_start3A_198 = tpu.memref_slice %arg8[%run_scoped3A_191, %run_scoped3A_192, %dma_start3A_197] : memref<2x1x128xi32, #tpu.memory_space<vmem>> -> memref<1x1x128xi32, #tpu.memory_space<vmem>>
          %dma_start3A_199 = tpu.memref_squeeze %dma_start3A_198 : memref<1x1x128xi32, #tpu.memory_space<vmem>> -> memref<128xi32, #tpu.memory_space<vmem>>
          %dma_start3A_200 = arith.constant 0 : i32
          %dma_start3A_201 = arith.constant 0 : i32
          %dma_start3A_202 = tpu.memref_slice %arg6[%dma_start3A_200, %dma_start3A_201] : memref<7232x128xf32, #tpu.memory_space<vmem_shared>> -> memref<7232x128xf32, #tpu.memory_space<vmem_shared>>
          tpu.enqueue_indirect_dma source(%dma_start3A_196 : memref<128x128xf32, #tpu.memory_space<vmem>>) target(%dma_start3A_202 : memref<7232x128xf32, #tpu.memory_space<vmem_shared>>) offsets(%dma_start3A_199 : memref<128xi32, #tpu.memory_space<vmem>>) semaphore(%run_scoped3A_194 : memref<!tpu.dma_semaphore, #tpu.memory_space<semaphore_mem>>) {add = true}
          %dma_wait3A = arith.constant 128 : i32
          %dma_wait3A_203 = arith.constant 0 : i32
          %dma_wait3A_204 = tpu.memref_slice %arg7[%dma_wait3A, %dma_wait3A_203] : memref<256x128xf32, #tpu.memory_space<vmem>> -> memref<128x128xf32, #tpu.memory_space<vmem>>
          %dma_wait3A_205 = arith.constant 0 : i32
          %dma_wait3A_206 = tpu.memref_slice %arg8[%run_scoped3A_191, %run_scoped3A_192, %dma_wait3A_205] : memref<2x1x128xi32, #tpu.memory_space<vmem>> -> memref<1x1x128xi32, #tpu.memory_space<vmem>>
          %dma_wait3A_207 = tpu.memref_squeeze %dma_wait3A_206 : memref<1x1x128xi32, #tpu.memory_space<vmem>> -> memref<128xi32, #tpu.memory_space<vmem>>
          %dma_wait3A_208 = arith.constant 0 : i32
          %dma_wait3A_209 = arith.constant 0 : i32
          %dma_wait3A_210 = tpu.memref_slice %arg6[%dma_wait3A_208, %dma_wait3A_209] : memref<7232x128xf32, #tpu.memory_space<vmem_shared>> -> memref<7232x128xf32, #tpu.memory_space<vmem_shared>>
          tpu.wait_indirect_dma semaphore(%run_scoped3A_194 : memref<!tpu.dma_semaphore, #tpu.memory_space<semaphore_mem>>) src(%dma_wait3A_204 : memref<128x128xf32, #tpu.memory_space<vmem>>) dst(%dma_wait3A_210 : memref<7232x128xf32, #tpu.memory_space<vmem_shared>>)
          tpu.yield
        }) : () -> ()
        %scan3A_193 = arith.constant 0 : i32
        scf.yield %scan3A_193 : i32
      }
      %scan3A_119 = arith.constant 32 : i32
      %scan3A_120 = arith.constant 0 : i32
      %scan3A_121 = arith.constant 0 : i32
      %scan3A_122 = arith.constant 5 : i32
      %scan3A_123 = arith.addi %scan3A_121, %scan3A_122 : i32
      %scan3A_124 = arith.constant 1 : i32
      %scan3A_125 = scf.for %scan3A_169 = %scan3A_121 to %scan3A_123 step %scan3A_124 iter_args(%scan3A_170 = %scan3A_120) -> (i32)  : i32 {
        %mul3A = arith.constant 1440 : i32
        %mul3A_171 = arith.muli %scan3A_169, %mul3A : i32
        %mul3A_172 = arith.constant 1440 : i32
        %mul3A_173 = arith.muli %scan3A_169, %mul3A_172 : i32
        %run_scoped3A = arith.constant 2 : i32
        %run_scoped3A_174 = arith.constant 1 : i32
        "tpu.region"() ({
          %run_scoped3A_176 = tpu.sem_alloc : memref<!tpu.dma_semaphore, #tpu.memory_space<semaphore_mem>>
          %dma_start3A = arith.constant 0 : i32
          %dma_start3A_177 = tpu.memref_slice %arg5[%run_scoped3A, %arg0, %run_scoped3A_174, %mul3A_173, %dma_start3A] : memref<4x2x2x7200x128xf32, #tpu.memory_space<hbm>> -> memref<1x1x1x1440x128xf32, #tpu.memory_space<hbm>>
          %dma_start3A_178 = tpu.memref_squeeze %dma_start3A_177 : memref<1x1x1x1440x128xf32, #tpu.memory_space<hbm>> -> memref<1440x128xf32, #tpu.memory_space<hbm>>
          %dma_start3A_179 = arith.constant 0 : i32
          %dma_start3A_180 = tpu.memref_slice %arg6[%mul3A_171, %dma_start3A_179] : memref<7232x128xf32, #tpu.memory_space<vmem_shared>> -> memref<1440x128xf32, #tpu.memory_space<vmem_shared>>
          tpu.enqueue_dma source(%dma_start3A_180 : memref<1440x128xf32, #tpu.memory_space<vmem_shared>>) target(%dma_start3A_178 : memref<1440x128xf32, #tpu.memory_space<hbm>>) target_semaphore(%run_scoped3A_176 : memref<!tpu.dma_semaphore, #tpu.memory_space<semaphore_mem>>)
          %dma_wait3A = arith.constant 0 : i32
          %dma_wait3A_181 = tpu.memref_slice %arg5[%run_scoped3A, %arg0, %run_scoped3A_174, %mul3A_173, %dma_wait3A] : memref<4x2x2x7200x128xf32, #tpu.memory_space<hbm>> -> memref<1x1x1x1440x128xf32, #tpu.memory_space<hbm>>
          %dma_wait3A_182 = tpu.memref_squeeze %dma_wait3A_181 : memref<1x1x1x1440x128xf32, #tpu.memory_space<hbm>> -> memref<1440x128xf32, #tpu.memory_space<hbm>>
          %dma_wait3A_183 = arith.constant 0 : i32
          %dma_wait3A_184 = tpu.memref_slice %arg6[%mul3A_171, %dma_wait3A_183] : memref<7232x128xf32, #tpu.memory_space<vmem_shared>> -> memref<1440x128xf32, #tpu.memory_space<vmem_shared>>
          tpu.wait_dma2 semaphore(%run_scoped3A_176 : memref<!tpu.dma_semaphore, #tpu.memory_space<semaphore_mem>>) src(%dma_wait3A_184 : memref<1440x128xf32, #tpu.memory_space<vmem_shared>>) dst(%dma_wait3A_182 : memref<1440x128xf32, #tpu.memory_space<hbm>>)
          tpu.yield
        }) : () -> ()
        %scan3A_175 = arith.constant 0 : i32
        scf.yield %scan3A_175 : i32
      }
      %scan3A_126 = arith.constant 5 : i32
      %scan3A_127 = arith.constant 0 : i32
      %scan3A_128 = arith.constant 0 : i32
      %scan3A_129 = arith.constant 8 : i32
      %scan3A_130 = arith.addi %scan3A_128, %scan3A_129 : i32
      %scan3A_131 = arith.constant 1 : i32
      %scan3A_132 = scf.for %scan3A_169 = %scan3A_128 to %scan3A_130 step %scan3A_131 iter_args(%scan3A_170 = %scan3A_127) -> (i32)  : i32 {
        %mul3A = arith.constant 904 : i32
        %mul3A_171 = arith.muli %scan3A_169, %mul3A : i32
        "tpu.region"() ({
          %run_scoped3A = tpu.sem_alloc : memref<!tpu.dma_semaphore, #tpu.memory_space<semaphore_mem>>
          %dma_start3A = arith.constant 0 : i32
          %dma_start3A_173 = tpu.memref_slice %arg6[%mul3A_171, %dma_start3A] : memref<7232x128xf32, #tpu.memory_space<vmem_shared>> -> memref<904x128xf32, #tpu.memory_space<vmem_shared>>
          tpu.enqueue_dma source(%arg4 : memref<904x128xf32, #tpu.memory_space<hbm>>) target(%dma_start3A_173 : memref<904x128xf32, #tpu.memory_space<vmem_shared>>) target_semaphore(%run_scoped3A : memref<!tpu.dma_semaphore, #tpu.memory_space<semaphore_mem>>)
          %dma_wait3A = arith.constant 0 : i32
          %dma_wait3A_174 = tpu.memref_slice %arg6[%mul3A_171, %dma_wait3A] : memref<7232x128xf32, #tpu.memory_space<vmem_shared>> -> memref<904x128xf32, #tpu.memory_space<vmem_shared>>
          tpu.wait_dma2 semaphore(%run_scoped3A : memref<!tpu.dma_semaphore, #tpu.memory_space<semaphore_mem>>) src(%arg4 : memref<904x128xf32, #tpu.memory_space<hbm>>) dst(%dma_wait3A_174 : memref<904x128xf32, #tpu.memory_space<vmem_shared>>)
          tpu.yield
        }) : () -> ()
        %scan3A_172 = arith.constant 0 : i32
        scf.yield %scan3A_172 : i32
      }
      %scan3A_133 = arith.constant 8 : i32
      %scan3A_134 = arith.constant 0 : i32
      %scan3A_135 = arith.constant 0 : i32
      %scan3A_136 = arith.constant 32 : i32
      %scan3A_137 = arith.addi %scan3A_135, %scan3A_136 : i32
      %scan3A_138 = arith.constant 1 : i32
      %scan3A_139 = scf.for %scan3A_169 = %scan3A_135 to %scan3A_137 step %scan3A_138 iter_args(%scan3A_170 = %scan3A_134) -> (i32)  : i32 {
        %mul3A = arith.constant 256 : i32
        %mul3A_171 = arith.muli %scan3A_169, %mul3A : i32
        %add3A = arith.constant 24576 : i32
        %add3A_172 = arith.addi %add3A, %mul3A_171 : i32
        "tpu.region"() ({
          %run_scoped3A_194 = tpu.sem_alloc : memref<!tpu.dma_semaphore, #tpu.memory_space<semaphore_mem>>
          %dma_start3A = arith.constant 0 : i32
          %dma_start3A_195 = tpu.memref_slice %arg2[%arg0, %add3A_172, %dma_start3A] : memref<2x32768x128xf32, #tpu.memory_space<hbm>> -> memref<1x256x128xf32, #tpu.memory_space<hbm>>
          %dma_start3A_196 = tpu.memref_squeeze %dma_start3A_195 : memref<1x256x128xf32, #tpu.memory_space<hbm>> -> memref<256x128xf32, #tpu.memory_space<hbm>>
          %dma_start3A_197 = arith.constant 0 : i32
          %dma_start3A_198 = tpu.memref_slice %arg2[%arg0, %add3A_172, %dma_start3A_197] : memref<2x32768x128xf32, #tpu.memory_space<hbm>> -> memref<1x256x128xf32, #tpu.memory_space<hbm>>
          %dma_start3A_199 = tpu.memref_squeeze %dma_start3A_198 : memref<1x256x128xf32, #tpu.memory_space<hbm>> -> memref<256x128xf32, #tpu.memory_space<hbm>>
          tpu.enqueue_dma source(%dma_start3A_199 : memref<256x128xf32, #tpu.memory_space<hbm>>) target(%arg7 : memref<256x128xf32, #tpu.memory_space<vmem>>) target_semaphore(%run_scoped3A_194 : memref<!tpu.dma_semaphore, #tpu.memory_space<semaphore_mem>>)
          %dma_wait3A = arith.constant 0 : i32
          %dma_wait3A_200 = tpu.memref_slice %arg2[%arg0, %add3A_172, %dma_wait3A] : memref<2x32768x128xf32, #tpu.memory_space<hbm>> -> memref<1x256x128xf32, #tpu.memory_space<hbm>>
          %dma_wait3A_201 = tpu.memref_squeeze %dma_wait3A_200 : memref<1x256x128xf32, #tpu.memory_space<hbm>> -> memref<256x128xf32, #tpu.memory_space<hbm>>
          %dma_wait3A_202 = arith.constant 0 : i32
          %dma_wait3A_203 = tpu.memref_slice %arg2[%arg0, %add3A_172, %dma_wait3A_202] : memref<2x32768x128xf32, #tpu.memory_space<hbm>> -> memref<1x256x128xf32, #tpu.memory_space<hbm>>
          %dma_wait3A_204 = tpu.memref_squeeze %dma_wait3A_203 : memref<1x256x128xf32, #tpu.memory_space<hbm>> -> memref<256x128xf32, #tpu.memory_space<hbm>>
          tpu.wait_dma2 semaphore(%run_scoped3A_194 : memref<!tpu.dma_semaphore, #tpu.memory_space<semaphore_mem>>) src(%dma_wait3A_204 : memref<256x128xf32, #tpu.memory_space<hbm>>) dst(%arg7 : memref<256x128xf32, #tpu.memory_space<vmem>>)
          tpu.yield
        }) : () -> ()
        %jit3A = arith.constant 128 : i32
        %div3A = arith.divsi %add3A_172, %jit3A : i32
        %sign3A = arith.constant 0 : i32
        %sign3A_173 = arith.cmpi sgt, %add3A_172, %sign3A : i32
        %sign3A_174 = arith.extui %sign3A_173 : i1 to i32
        %sign3A_175 = arith.constant 0 : i32
        %sign3A_176 = arith.cmpi slt, %add3A_172, %sign3A_175 : i32
        %sign3A_177 = arith.extui %sign3A_176 : i1 to i32
        %sign3A_178 = arith.subi %sign3A_174, %sign3A_177 : i32
        %sign3A_179 = arith.constant 0 : i32
        %sign3A_180 = arith.cmpi sgt, %jit3A, %sign3A_179 : i32
        %sign3A_181 = arith.extui %sign3A_180 : i1 to i32
        %sign3A_182 = arith.constant 0 : i32
        %sign3A_183 = arith.cmpi slt, %jit3A, %sign3A_182 : i32
        %sign3A_184 = arith.extui %sign3A_183 : i1 to i32
        %sign3A_185 = arith.subi %sign3A_181, %sign3A_184 : i32
        %ne3A = arith.cmpi ne, %sign3A_178, %sign3A_185 : i32
        %rem3A = arith.remsi %add3A_172, %jit3A : i32
        %ne3A_186 = arith.constant 0 : i32
        %ne3A_187 = arith.cmpi ne, %rem3A, %ne3A_186 : i32
        %and3A = arith.andi %ne3A, %ne3A_187 : i1
        %sub3A = arith.constant 1 : i32
        %sub3A_188 = arith.subi %div3A, %sub3A : i32
        %select_n3A = arith.select %and3A, %sub3A_188, %div3A : i32
        %run_scoped3A = arith.constant 0 : i32
        "tpu.region"() ({
          %run_scoped3A_194 = tpu.sem_alloc : memref<!tpu.dma_semaphore, #tpu.memory_space<semaphore_mem>>
          %dma_start3A = arith.constant 0 : i32
          %dma_start3A_195 = arith.constant 0 : i32
          %dma_start3A_196 = tpu.memref_slice %arg3[%run_scoped3A, %select_n3A, %dma_start3A, %dma_start3A_195] : memref<2x256x1x128xi32, #tpu.memory_space<hbm>> -> memref<1x2x1x128xi32, #tpu.memory_space<hbm>>
          %dma_start3A_197 = tpu.memref_squeeze %dma_start3A_196 : memref<1x2x1x128xi32, #tpu.memory_space<hbm>> -> memref<2x1x128xi32, #tpu.memory_space<hbm>>
          %dma_start3A_198 = arith.constant 0 : i32
          %dma_start3A_199 = arith.constant 0 : i32
          %dma_start3A_200 = tpu.memref_slice %arg3[%run_scoped3A, %select_n3A, %dma_start3A_198, %dma_start3A_199] : memref<2x256x1x128xi32, #tpu.memory_space<hbm>> -> memref<1x2x1x128xi32, #tpu.memory_space<hbm>>
          %dma_start3A_201 = tpu.memref_squeeze %dma_start3A_200 : memref<1x2x1x128xi32, #tpu.memory_space<hbm>> -> memref<2x1x128xi32, #tpu.memory_space<hbm>>
          tpu.enqueue_dma source(%dma_start3A_201 : memref<2x1x128xi32, #tpu.memory_space<hbm>>) target(%arg8 : memref<2x1x128xi32, #tpu.memory_space<vmem>>) target_semaphore(%run_scoped3A_194 : memref<!tpu.dma_semaphore, #tpu.memory_space<semaphore_mem>>)
          %dma_wait3A = arith.constant 0 : i32
          %dma_wait3A_202 = arith.constant 0 : i32
          %dma_wait3A_203 = tpu.memref_slice %arg3[%run_scoped3A, %select_n3A, %dma_wait3A, %dma_wait3A_202] : memref<2x256x1x128xi32, #tpu.memory_space<hbm>> -> memref<1x2x1x128xi32, #tpu.memory_space<hbm>>
          %dma_wait3A_204 = tpu.memref_squeeze %dma_wait3A_203 : memref<1x2x1x128xi32, #tpu.memory_space<hbm>> -> memref<2x1x128xi32, #tpu.memory_space<hbm>>
          %dma_wait3A_205 = arith.constant 0 : i32
          %dma_wait3A_206 = arith.constant 0 : i32
          %dma_wait3A_207 = tpu.memref_slice %arg3[%run_scoped3A, %select_n3A, %dma_wait3A_205, %dma_wait3A_206] : memref<2x256x1x128xi32, #tpu.memory_space<hbm>> -> memref<1x2x1x128xi32, #tpu.memory_space<hbm>>
          %dma_wait3A_208 = tpu.memref_squeeze %dma_wait3A_207 : memref<1x2x1x128xi32, #tpu.memory_space<hbm>> -> memref<2x1x128xi32, #tpu.memory_space<hbm>>
          tpu.wait_dma2 semaphore(%run_scoped3A_194 : memref<!tpu.dma_semaphore, #tpu.memory_space<semaphore_mem>>) src(%dma_wait3A_208 : memref<2x1x128xi32, #tpu.memory_space<hbm>>) dst(%arg8 : memref<2x1x128xi32, #tpu.memory_space<vmem>>)
          tpu.yield
        }) : () -> ()
        %run_scoped3A_189 = arith.constant 0 : i32
        %run_scoped3A_190 = arith.constant 0 : i32
        "tpu.region"() ({
          %run_scoped3A_194 = tpu.sem_alloc : memref<!tpu.dma_semaphore, #tpu.memory_space<semaphore_mem>>
          %dma_start3A = arith.constant 0 : i32
          %dma_start3A_195 = arith.constant 0 : i32
          %dma_start3A_196 = tpu.memref_slice %arg7[%dma_start3A, %dma_start3A_195] : memref<256x128xf32, #tpu.memory_space<vmem>> -> memref<128x128xf32, #tpu.memory_space<vmem>>
          %dma_start3A_197 = arith.constant 0 : i32
          %dma_start3A_198 = tpu.memref_slice %arg8[%run_scoped3A_189, %run_scoped3A_190, %dma_start3A_197] : memref<2x1x128xi32, #tpu.memory_space<vmem>> -> memref<1x1x128xi32, #tpu.memory_space<vmem>>
          %dma_start3A_199 = tpu.memref_squeeze %dma_start3A_198 : memref<1x1x128xi32, #tpu.memory_space<vmem>> -> memref<128xi32, #tpu.memory_space<vmem>>
          %dma_start3A_200 = arith.constant 0 : i32
          %dma_start3A_201 = arith.constant 0 : i32
          %dma_start3A_202 = tpu.memref_slice %arg6[%dma_start3A_200, %dma_start3A_201] : memref<7232x128xf32, #tpu.memory_space<vmem_shared>> -> memref<7232x128xf32, #tpu.memory_space<vmem_shared>>
          tpu.enqueue_indirect_dma source(%dma_start3A_196 : memref<128x128xf32, #tpu.memory_space<vmem>>) target(%dma_start3A_202 : memref<7232x128xf32, #tpu.memory_space<vmem_shared>>) offsets(%dma_start3A_199 : memref<128xi32, #tpu.memory_space<vmem>>) semaphore(%run_scoped3A_194 : memref<!tpu.dma_semaphore, #tpu.memory_space<semaphore_mem>>) {add = true}
          %dma_wait3A = arith.constant 0 : i32
          %dma_wait3A_203 = arith.constant 0 : i32
          %dma_wait3A_204 = tpu.memref_slice %arg7[%dma_wait3A, %dma_wait3A_203] : memref<256x128xf32, #tpu.memory_space<vmem>> -> memref<128x128xf32, #tpu.memory_space<vmem>>
          %dma_wait3A_205 = arith.constant 0 : i32
          %dma_wait3A_206 = tpu.memref_slice %arg8[%run_scoped3A_189, %run_scoped3A_190, %dma_wait3A_205] : memref<2x1x128xi32, #tpu.memory_space<vmem>> -> memref<1x1x128xi32, #tpu.memory_space<vmem>>
          %dma_wait3A_207 = tpu.memref_squeeze %dma_wait3A_206 : memref<1x1x128xi32, #tpu.memory_space<vmem>> -> memref<128xi32, #tpu.memory_space<vmem>>
          %dma_wait3A_208 = arith.constant 0 : i32
          %dma_wait3A_209 = arith.constant 0 : i32
          %dma_wait3A_210 = tpu.memref_slice %arg6[%dma_wait3A_208, %dma_wait3A_209] : memref<7232x128xf32, #tpu.memory_space<vmem_shared>> -> memref<7232x128xf32, #tpu.memory_space<vmem_shared>>
          tpu.wait_indirect_dma semaphore(%run_scoped3A_194 : memref<!tpu.dma_semaphore, #tpu.memory_space<semaphore_mem>>) src(%dma_wait3A_204 : memref<128x128xf32, #tpu.memory_space<vmem>>) dst(%dma_wait3A_210 : memref<7232x128xf32, #tpu.memory_space<vmem_shared>>)
          tpu.yield
        }) : () -> ()
        %run_scoped3A_191 = arith.constant 1 : i32
        %run_scoped3A_192 = arith.constant 0 : i32
        "tpu.region"() ({
          %run_scoped3A_194 = tpu.sem_alloc : memref<!tpu.dma_semaphore, #tpu.memory_space<semaphore_mem>>
          %dma_start3A = arith.constant 128 : i32
          %dma_start3A_195 = arith.constant 0 : i32
          %dma_start3A_196 = tpu.memref_slice %arg7[%dma_start3A, %dma_start3A_195] : memref<256x128xf32, #tpu.memory_space<vmem>> -> memref<128x128xf32, #tpu.memory_space<vmem>>
          %dma_start3A_197 = arith.constant 0 : i32
          %dma_start3A_198 = tpu.memref_slice %arg8[%run_scoped3A_191, %run_scoped3A_192, %dma_start3A_197] : memref<2x1x128xi32, #tpu.memory_space<vmem>> -> memref<1x1x128xi32, #tpu.memory_space<vmem>>
          %dma_start3A_199 = tpu.memref_squeeze %dma_start3A_198 : memref<1x1x128xi32, #tpu.memory_space<vmem>> -> memref<128xi32, #tpu.memory_space<vmem>>
          %dma_start3A_200 = arith.constant 0 : i32
          %dma_start3A_201 = arith.constant 0 : i32
          %dma_start3A_202 = tpu.memref_slice %arg6[%dma_start3A_200, %dma_start3A_201] : memref<7232x128xf32, #tpu.memory_space<vmem_shared>> -> memref<7232x128xf32, #tpu.memory_space<vmem_shared>>
          tpu.enqueue_indirect_dma source(%dma_start3A_196 : memref<128x128xf32, #tpu.memory_space<vmem>>) target(%dma_start3A_202 : memref<7232x128xf32, #tpu.memory_space<vmem_shared>>) offsets(%dma_start3A_199 : memref<128xi32, #tpu.memory_space<vmem>>) semaphore(%run_scoped3A_194 : memref<!tpu.dma_semaphore, #tpu.memory_space<semaphore_mem>>) {add = true}
          %dma_wait3A = arith.constant 128 : i32
          %dma_wait3A_203 = arith.constant 0 : i32
          %dma_wait3A_204 = tpu.memref_slice %arg7[%dma_wait3A, %dma_wait3A_203] : memref<256x128xf32, #tpu.memory_space<vmem>> -> memref<128x128xf32, #tpu.memory_space<vmem>>
          %dma_wait3A_205 = arith.constant 0 : i32
          %dma_wait3A_206 = tpu.memref_slice %arg8[%run_scoped3A_191, %run_scoped3A_192, %dma_wait3A_205] : memref<2x1x128xi32, #tpu.memory_space<vmem>> -> memref<1x1x128xi32, #tpu.memory_space<vmem>>
          %dma_wait3A_207 = tpu.memref_squeeze %dma_wait3A_206 : memref<1x1x128xi32, #tpu.memory_space<vmem>> -> memref<128xi32, #tpu.memory_space<vmem>>
          %dma_wait3A_208 = arith.constant 0 : i32
          %dma_wait3A_209 = arith.constant 0 : i32
          %dma_wait3A_210 = tpu.memref_slice %arg6[%dma_wait3A_208, %dma_wait3A_209] : memref<7232x128xf32, #tpu.memory_space<vmem_shared>> -> memref<7232x128xf32, #tpu.memory_space<vmem_shared>>
          tpu.wait_indirect_dma semaphore(%run_scoped3A_194 : memref<!tpu.dma_semaphore, #tpu.memory_space<semaphore_mem>>) src(%dma_wait3A_204 : memref<128x128xf32, #tpu.memory_space<vmem>>) dst(%dma_wait3A_210 : memref<7232x128xf32, #tpu.memory_space<vmem_shared>>)
          tpu.yield
        }) : () -> ()
        %scan3A_193 = arith.constant 0 : i32
        scf.yield %scan3A_193 : i32
      }
      %scan3A_140 = arith.constant 32 : i32
      %scan3A_141 = arith.constant 0 : i32
      %scan3A_142 = arith.constant 0 : i32
      %scan3A_143 = arith.constant 5 : i32
      %scan3A_144 = arith.addi %scan3A_142, %scan3A_143 : i32
      %scan3A_145 = arith.constant 1 : i32
      %scan3A_146 = scf.for %scan3A_169 = %scan3A_142 to %scan3A_144 step %scan3A_145 iter_args(%scan3A_170 = %scan3A_141) -> (i32)  : i32 {
        %mul3A = arith.constant 1440 : i32
        %mul3A_171 = arith.muli %scan3A_169, %mul3A : i32
        %mul3A_172 = arith.constant 1440 : i32
        %mul3A_173 = arith.muli %scan3A_169, %mul3A_172 : i32
        %run_scoped3A = arith.constant 3 : i32
        %run_scoped3A_174 = arith.constant 0 : i32
        "tpu.region"() ({
          %run_scoped3A_176 = tpu.sem_alloc : memref<!tpu.dma_semaphore, #tpu.memory_space<semaphore_mem>>
          %dma_start3A = arith.constant 0 : i32
          %dma_start3A_177 = tpu.memref_slice %arg5[%run_scoped3A, %arg0, %run_scoped3A_174, %mul3A_173, %dma_start3A] : memref<4x2x2x7200x128xf32, #tpu.memory_space<hbm>> -> memref<1x1x1x1440x128xf32, #tpu.memory_space<hbm>>
          %dma_start3A_178 = tpu.memref_squeeze %dma_start3A_177 : memref<1x1x1x1440x128xf32, #tpu.memory_space<hbm>> -> memref<1440x128xf32, #tpu.memory_space<hbm>>
          %dma_start3A_179 = arith.constant 0 : i32
          %dma_start3A_180 = tpu.memref_slice %arg6[%mul3A_171, %dma_start3A_179] : memref<7232x128xf32, #tpu.memory_space<vmem_shared>> -> memref<1440x128xf32, #tpu.memory_space<vmem_shared>>
          tpu.enqueue_dma source(%dma_start3A_180 : memref<1440x128xf32, #tpu.memory_space<vmem_shared>>) target(%dma_start3A_178 : memref<1440x128xf32, #tpu.memory_space<hbm>>) target_semaphore(%run_scoped3A_176 : memref<!tpu.dma_semaphore, #tpu.memory_space<semaphore_mem>>)
          %dma_wait3A = arith.constant 0 : i32
          %dma_wait3A_181 = tpu.memref_slice %arg5[%run_scoped3A, %arg0, %run_scoped3A_174, %mul3A_173, %dma_wait3A] : memref<4x2x2x7200x128xf32, #tpu.memory_space<hbm>> -> memref<1x1x1x1440x128xf32, #tpu.memory_space<hbm>>
          %dma_wait3A_182 = tpu.memref_squeeze %dma_wait3A_181 : memref<1x1x1x1440x128xf32, #tpu.memory_space<hbm>> -> memref<1440x128xf32, #tpu.memory_space<hbm>>
          %dma_wait3A_183 = arith.constant 0 : i32
          %dma_wait3A_184 = tpu.memref_slice %arg6[%mul3A_171, %dma_wait3A_183] : memref<7232x128xf32, #tpu.memory_space<vmem_shared>> -> memref<1440x128xf32, #tpu.memory_space<vmem_shared>>
          tpu.wait_dma2 semaphore(%run_scoped3A_176 : memref<!tpu.dma_semaphore, #tpu.memory_space<semaphore_mem>>) src(%dma_wait3A_184 : memref<1440x128xf32, #tpu.memory_space<vmem_shared>>) dst(%dma_wait3A_182 : memref<1440x128xf32, #tpu.memory_space<hbm>>)
          tpu.yield
        }) : () -> ()
        %scan3A_175 = arith.constant 0 : i32
        scf.yield %scan3A_175 : i32
      }
      %scan3A_147 = arith.constant 5 : i32
      %scan3A_148 = arith.constant 0 : i32
      %scan3A_149 = arith.constant 0 : i32
      %scan3A_150 = arith.constant 8 : i32
      %scan3A_151 = arith.addi %scan3A_149, %scan3A_150 : i32
      %scan3A_152 = arith.constant 1 : i32
      %scan3A_153 = scf.for %scan3A_169 = %scan3A_149 to %scan3A_151 step %scan3A_152 iter_args(%scan3A_170 = %scan3A_148) -> (i32)  : i32 {
        %mul3A = arith.constant 904 : i32
        %mul3A_171 = arith.muli %scan3A_169, %mul3A : i32
        "tpu.region"() ({
          %run_scoped3A = tpu.sem_alloc : memref<!tpu.dma_semaphore, #tpu.memory_space<semaphore_mem>>
          %dma_start3A = arith.constant 0 : i32
          %dma_start3A_173 = tpu.memref_slice %arg6[%mul3A_171, %dma_start3A] : memref<7232x128xf32, #tpu.memory_space<vmem_shared>> -> memref<904x128xf32, #tpu.memory_space<vmem_shared>>
          tpu.enqueue_dma source(%arg4 : memref<904x128xf32, #tpu.memory_space<hbm>>) target(%dma_start3A_173 : memref<904x128xf32, #tpu.memory_space<vmem_shared>>) target_semaphore(%run_scoped3A : memref<!tpu.dma_semaphore, #tpu.memory_space<semaphore_mem>>)
          %dma_wait3A = arith.constant 0 : i32
          %dma_wait3A_174 = tpu.memref_slice %arg6[%mul3A_171, %dma_wait3A] : memref<7232x128xf32, #tpu.memory_space<vmem_shared>> -> memref<904x128xf32, #tpu.memory_space<vmem_shared>>
          tpu.wait_dma2 semaphore(%run_scoped3A : memref<!tpu.dma_semaphore, #tpu.memory_space<semaphore_mem>>) src(%arg4 : memref<904x128xf32, #tpu.memory_space<hbm>>) dst(%dma_wait3A_174 : memref<904x128xf32, #tpu.memory_space<vmem_shared>>)
          tpu.yield
        }) : () -> ()
        %scan3A_172 = arith.constant 0 : i32
        scf.yield %scan3A_172 : i32
      }
      %scan3A_154 = arith.constant 8 : i32
      %scan3A_155 = arith.constant 0 : i32
      %scan3A_156 = arith.constant 0 : i32
      %scan3A_157 = arith.constant 32 : i32
      %scan3A_158 = arith.addi %scan3A_156, %scan3A_157 : i32
      %scan3A_159 = arith.constant 1 : i32
      %scan3A_160 = scf.for %scan3A_169 = %scan3A_156 to %scan3A_158 step %scan3A_159 iter_args(%scan3A_170 = %scan3A_155) -> (i32)  : i32 {
        %mul3A = arith.constant 256 : i32
        %mul3A_171 = arith.muli %scan3A_169, %mul3A : i32
        %add3A = arith.constant 24576 : i32
        %add3A_172 = arith.addi %add3A, %mul3A_171 : i32
        "tpu.region"() ({
          %run_scoped3A_194 = tpu.sem_alloc : memref<!tpu.dma_semaphore, #tpu.memory_space<semaphore_mem>>
          %dma_start3A = arith.constant 0 : i32
          %dma_start3A_195 = tpu.memref_slice %arg2[%arg0, %add3A_172, %dma_start3A] : memref<2x32768x128xf32, #tpu.memory_space<hbm>> -> memref<1x256x128xf32, #tpu.memory_space<hbm>>
          %dma_start3A_196 = tpu.memref_squeeze %dma_start3A_195 : memref<1x256x128xf32, #tpu.memory_space<hbm>> -> memref<256x128xf32, #tpu.memory_space<hbm>>
          %dma_start3A_197 = arith.constant 0 : i32
          %dma_start3A_198 = tpu.memref_slice %arg2[%arg0, %add3A_172, %dma_start3A_197] : memref<2x32768x128xf32, #tpu.memory_space<hbm>> -> memref<1x256x128xf32, #tpu.memory_space<hbm>>
          %dma_start3A_199 = tpu.memref_squeeze %dma_start3A_198 : memref<1x256x128xf32, #tpu.memory_space<hbm>> -> memref<256x128xf32, #tpu.memory_space<hbm>>
          tpu.enqueue_dma source(%dma_start3A_199 : memref<256x128xf32, #tpu.memory_space<hbm>>) target(%arg7 : memref<256x128xf32, #tpu.memory_space<vmem>>) target_semaphore(%run_scoped3A_194 : memref<!tpu.dma_semaphore, #tpu.memory_space<semaphore_mem>>)
          %dma_wait3A = arith.constant 0 : i32
          %dma_wait3A_200 = tpu.memref_slice %arg2[%arg0, %add3A_172, %dma_wait3A] : memref<2x32768x128xf32, #tpu.memory_space<hbm>> -> memref<1x256x128xf32, #tpu.memory_space<hbm>>
          %dma_wait3A_201 = tpu.memref_squeeze %dma_wait3A_200 : memref<1x256x128xf32, #tpu.memory_space<hbm>> -> memref<256x128xf32, #tpu.memory_space<hbm>>
          %dma_wait3A_202 = arith.constant 0 : i32
          %dma_wait3A_203 = tpu.memref_slice %arg2[%arg0, %add3A_172, %dma_wait3A_202] : memref<2x32768x128xf32, #tpu.memory_space<hbm>> -> memref<1x256x128xf32, #tpu.memory_space<hbm>>
          %dma_wait3A_204 = tpu.memref_squeeze %dma_wait3A_203 : memref<1x256x128xf32, #tpu.memory_space<hbm>> -> memref<256x128xf32, #tpu.memory_space<hbm>>
          tpu.wait_dma2 semaphore(%run_scoped3A_194 : memref<!tpu.dma_semaphore, #tpu.memory_space<semaphore_mem>>) src(%dma_wait3A_204 : memref<256x128xf32, #tpu.memory_space<hbm>>) dst(%arg7 : memref<256x128xf32, #tpu.memory_space<vmem>>)
          tpu.yield
        }) : () -> ()
        %jit3A = arith.constant 128 : i32
        %div3A = arith.divsi %add3A_172, %jit3A : i32
        %sign3A = arith.constant 0 : i32
        %sign3A_173 = arith.cmpi sgt, %add3A_172, %sign3A : i32
        %sign3A_174 = arith.extui %sign3A_173 : i1 to i32
        %sign3A_175 = arith.constant 0 : i32
        %sign3A_176 = arith.cmpi slt, %add3A_172, %sign3A_175 : i32
        %sign3A_177 = arith.extui %sign3A_176 : i1 to i32
        %sign3A_178 = arith.subi %sign3A_174, %sign3A_177 : i32
        %sign3A_179 = arith.constant 0 : i32
        %sign3A_180 = arith.cmpi sgt, %jit3A, %sign3A_179 : i32
        %sign3A_181 = arith.extui %sign3A_180 : i1 to i32
        %sign3A_182 = arith.constant 0 : i32
        %sign3A_183 = arith.cmpi slt, %jit3A, %sign3A_182 : i32
        %sign3A_184 = arith.extui %sign3A_183 : i1 to i32
        %sign3A_185 = arith.subi %sign3A_181, %sign3A_184 : i32
        %ne3A = arith.cmpi ne, %sign3A_178, %sign3A_185 : i32
        %rem3A = arith.remsi %add3A_172, %jit3A : i32
        %ne3A_186 = arith.constant 0 : i32
        %ne3A_187 = arith.cmpi ne, %rem3A, %ne3A_186 : i32
        %and3A = arith.andi %ne3A, %ne3A_187 : i1
        %sub3A = arith.constant 1 : i32
        %sub3A_188 = arith.subi %div3A, %sub3A : i32
        %select_n3A = arith.select %and3A, %sub3A_188, %div3A : i32
        %run_scoped3A = arith.constant 1 : i32
        "tpu.region"() ({
          %run_scoped3A_194 = tpu.sem_alloc : memref<!tpu.dma_semaphore, #tpu.memory_space<semaphore_mem>>
          %dma_start3A = arith.constant 0 : i32
          %dma_start3A_195 = arith.constant 0 : i32
          %dma_start3A_196 = tpu.memref_slice %arg3[%run_scoped3A, %select_n3A, %dma_start3A, %dma_start3A_195] : memref<2x256x1x128xi32, #tpu.memory_space<hbm>> -> memref<1x2x1x128xi32, #tpu.memory_space<hbm>>
          %dma_start3A_197 = tpu.memref_squeeze %dma_start3A_196 : memref<1x2x1x128xi32, #tpu.memory_space<hbm>> -> memref<2x1x128xi32, #tpu.memory_space<hbm>>
          %dma_start3A_198 = arith.constant 0 : i32
          %dma_start3A_199 = arith.constant 0 : i32
          %dma_start3A_200 = tpu.memref_slice %arg3[%run_scoped3A, %select_n3A, %dma_start3A_198, %dma_start3A_199] : memref<2x256x1x128xi32, #tpu.memory_space<hbm>> -> memref<1x2x1x128xi32, #tpu.memory_space<hbm>>
          %dma_start3A_201 = tpu.memref_squeeze %dma_start3A_200 : memref<1x2x1x128xi32, #tpu.memory_space<hbm>> -> memref<2x1x128xi32, #tpu.memory_space<hbm>>
          tpu.enqueue_dma source(%dma_start3A_201 : memref<2x1x128xi32, #tpu.memory_space<hbm>>) target(%arg8 : memref<2x1x128xi32, #tpu.memory_space<vmem>>) target_semaphore(%run_scoped3A_194 : memref<!tpu.dma_semaphore, #tpu.memory_space<semaphore_mem>>)
          %dma_wait3A = arith.constant 0 : i32
          %dma_wait3A_202 = arith.constant 0 : i32
          %dma_wait3A_203 = tpu.memref_slice %arg3[%run_scoped3A, %select_n3A, %dma_wait3A, %dma_wait3A_202] : memref<2x256x1x128xi32, #tpu.memory_space<hbm>> -> memref<1x2x1x128xi32, #tpu.memory_space<hbm>>
          %dma_wait3A_204 = tpu.memref_squeeze %dma_wait3A_203 : memref<1x2x1x128xi32, #tpu.memory_space<hbm>> -> memref<2x1x128xi32, #tpu.memory_space<hbm>>
          %dma_wait3A_205 = arith.constant 0 : i32
          %dma_wait3A_206 = arith.constant 0 : i32
          %dma_wait3A_207 = tpu.memref_slice %arg3[%run_scoped3A, %select_n3A, %dma_wait3A_205, %dma_wait3A_206] : memref<2x256x1x128xi32, #tpu.memory_space<hbm>> -> memref<1x2x1x128xi32, #tpu.memory_space<hbm>>
          %dma_wait3A_208 = tpu.memref_squeeze %dma_wait3A_207 : memref<1x2x1x128xi32, #tpu.memory_space<hbm>> -> memref<2x1x128xi32, #tpu.memory_space<hbm>>
          tpu.wait_dma2 semaphore(%run_scoped3A_194 : memref<!tpu.dma_semaphore, #tpu.memory_space<semaphore_mem>>) src(%dma_wait3A_208 : memref<2x1x128xi32, #tpu.memory_space<hbm>>) dst(%arg8 : memref<2x1x128xi32, #tpu.memory_space<vmem>>)
          tpu.yield
        }) : () -> ()
        %run_scoped3A_189 = arith.constant 0 : i32
        %run_scoped3A_190 = arith.constant 0 : i32
        "tpu.region"() ({
          %run_scoped3A_194 = tpu.sem_alloc : memref<!tpu.dma_semaphore, #tpu.memory_space<semaphore_mem>>
          %dma_start3A = arith.constant 0 : i32
          %dma_start3A_195 = arith.constant 0 : i32
          %dma_start3A_196 = tpu.memref_slice %arg7[%dma_start3A, %dma_start3A_195] : memref<256x128xf32, #tpu.memory_space<vmem>> -> memref<128x128xf32, #tpu.memory_space<vmem>>
          %dma_start3A_197 = arith.constant 0 : i32
          %dma_start3A_198 = tpu.memref_slice %arg8[%run_scoped3A_189, %run_scoped3A_190, %dma_start3A_197] : memref<2x1x128xi32, #tpu.memory_space<vmem>> -> memref<1x1x128xi32, #tpu.memory_space<vmem>>
          %dma_start3A_199 = tpu.memref_squeeze %dma_start3A_198 : memref<1x1x128xi32, #tpu.memory_space<vmem>> -> memref<128xi32, #tpu.memory_space<vmem>>
          %dma_start3A_200 = arith.constant 0 : i32
          %dma_start3A_201 = arith.constant 0 : i32
          %dma_start3A_202 = tpu.memref_slice %arg6[%dma_start3A_200, %dma_start3A_201] : memref<7232x128xf32, #tpu.memory_space<vmem_shared>> -> memref<7232x128xf32, #tpu.memory_space<vmem_shared>>
          tpu.enqueue_indirect_dma source(%dma_start3A_196 : memref<128x128xf32, #tpu.memory_space<vmem>>) target(%dma_start3A_202 : memref<7232x128xf32, #tpu.memory_space<vmem_shared>>) offsets(%dma_start3A_199 : memref<128xi32, #tpu.memory_space<vmem>>) semaphore(%run_scoped3A_194 : memref<!tpu.dma_semaphore, #tpu.memory_space<semaphore_mem>>) {add = true}
          %dma_wait3A = arith.constant 0 : i32
          %dma_wait3A_203 = arith.constant 0 : i32
          %dma_wait3A_204 = tpu.memref_slice %arg7[%dma_wait3A, %dma_wait3A_203] : memref<256x128xf32, #tpu.memory_space<vmem>> -> memref<128x128xf32, #tpu.memory_space<vmem>>
          %dma_wait3A_205 = arith.constant 0 : i32
          %dma_wait3A_206 = tpu.memref_slice %arg8[%run_scoped3A_189, %run_scoped3A_190, %dma_wait3A_205] : memref<2x1x128xi32, #tpu.memory_space<vmem>> -> memref<1x1x128xi32, #tpu.memory_space<vmem>>
          %dma_wait3A_207 = tpu.memref_squeeze %dma_wait3A_206 : memref<1x1x128xi32, #tpu.memory_space<vmem>> -> memref<128xi32, #tpu.memory_space<vmem>>
          %dma_wait3A_208 = arith.constant 0 : i32
          %dma_wait3A_209 = arith.constant 0 : i32
          %dma_wait3A_210 = tpu.memref_slice %arg6[%dma_wait3A_208, %dma_wait3A_209] : memref<7232x128xf32, #tpu.memory_space<vmem_shared>> -> memref<7232x128xf32, #tpu.memory_space<vmem_shared>>
          tpu.wait_indirect_dma semaphore(%run_scoped3A_194 : memref<!tpu.dma_semaphore, #tpu.memory_space<semaphore_mem>>) src(%dma_wait3A_204 : memref<128x128xf32, #tpu.memory_space<vmem>>) dst(%dma_wait3A_210 : memref<7232x128xf32, #tpu.memory_space<vmem_shared>>)
          tpu.yield
        }) : () -> ()
        %run_scoped3A_191 = arith.constant 1 : i32
        %run_scoped3A_192 = arith.constant 0 : i32
        "tpu.region"() ({
          %run_scoped3A_194 = tpu.sem_alloc : memref<!tpu.dma_semaphore, #tpu.memory_space<semaphore_mem>>
          %dma_start3A = arith.constant 128 : i32
          %dma_start3A_195 = arith.constant 0 : i32
          %dma_start3A_196 = tpu.memref_slice %arg7[%dma_start3A, %dma_start3A_195] : memref<256x128xf32, #tpu.memory_space<vmem>> -> memref<128x128xf32, #tpu.memory_space<vmem>>
          %dma_start3A_197 = arith.constant 0 : i32
          %dma_start3A_198 = tpu.memref_slice %arg8[%run_scoped3A_191, %run_scoped3A_192, %dma_start3A_197] : memref<2x1x128xi32, #tpu.memory_space<vmem>> -> memref<1x1x128xi32, #tpu.memory_space<vmem>>
          %dma_start3A_199 = tpu.memref_squeeze %dma_start3A_198 : memref<1x1x128xi32, #tpu.memory_space<vmem>> -> memref<128xi32, #tpu.memory_space<vmem>>
          %dma_start3A_200 = arith.constant 0 : i32
          %dma_start3A_201 = arith.constant 0 : i32
          %dma_start3A_202 = tpu.memref_slice %arg6[%dma_start3A_200, %dma_start3A_201] : memref<7232x128xf32, #tpu.memory_space<vmem_shared>> -> memref<7232x128xf32, #tpu.memory_space<vmem_shared>>
          tpu.enqueue_indirect_dma source(%dma_start3A_196 : memref<128x128xf32, #tpu.memory_space<vmem>>) target(%dma_start3A_202 : memref<7232x128xf32, #tpu.memory_space<vmem_shared>>) offsets(%dma_start3A_199 : memref<128xi32, #tpu.memory_space<vmem>>) semaphore(%run_scoped3A_194 : memref<!tpu.dma_semaphore, #tpu.memory_space<semaphore_mem>>) {add = true}
          %dma_wait3A = arith.constant 128 : i32
          %dma_wait3A_203 = arith.constant 0 : i32
          %dma_wait3A_204 = tpu.memref_slice %arg7[%dma_wait3A, %dma_wait3A_203] : memref<256x128xf32, #tpu.memory_space<vmem>> -> memref<128x128xf32, #tpu.memory_space<vmem>>
          %dma_wait3A_205 = arith.constant 0 : i32
          %dma_wait3A_206 = tpu.memref_slice %arg8[%run_scoped3A_191, %run_scoped3A_192, %dma_wait3A_205] : memref<2x1x128xi32, #tpu.memory_space<vmem>> -> memref<1x1x128xi32, #tpu.memory_space<vmem>>
          %dma_wait3A_207 = tpu.memref_squeeze %dma_wait3A_206 : memref<1x1x128xi32, #tpu.memory_space<vmem>> -> memref<128xi32, #tpu.memory_space<vmem>>
          %dma_wait3A_208 = arith.constant 0 : i32
          %dma_wait3A_209 = arith.constant 0 : i32
          %dma_wait3A_210 = tpu.memref_slice %arg6[%dma_wait3A_208, %dma_wait3A_209] : memref<7232x128xf32, #tpu.memory_space<vmem_shared>> -> memref<7232x128xf32, #tpu.memory_space<vmem_shared>>
          tpu.wait_indirect_dma semaphore(%run_scoped3A_194 : memref<!tpu.dma_semaphore, #tpu.memory_space<semaphore_mem>>) src(%dma_wait3A_204 : memref<128x128xf32, #tpu.memory_space<vmem>>) dst(%dma_wait3A_210 : memref<7232x128xf32, #tpu.memory_space<vmem_shared>>)
          tpu.yield
        }) : () -> ()
        %scan3A_193 = arith.constant 0 : i32
        scf.yield %scan3A_193 : i32
      }
      %scan3A_161 = arith.constant 32 : i32
      %scan3A_162 = arith.constant 0 : i32
      %scan3A_163 = arith.constant 0 : i32
      %scan3A_164 = arith.constant 5 : i32
      %scan3A_165 = arith.addi %scan3A_163, %scan3A_164 : i32
      %scan3A_166 = arith.constant 1 : i32
      %scan3A_167 = scf.for %scan3A_169 = %scan3A_163 to %scan3A_165 step %scan3A_166 iter_args(%scan3A_170 = %scan3A_162) -> (i32)  : i32 {
        %mul3A = arith.constant 1440 : i32
        %mul3A_171 = arith.muli %scan3A_169, %mul3A : i32
        %mul3A_172 = arith.constant 1440 : i32
        %mul3A_173 = arith.muli %scan3A_169, %mul3A_172 : i32
        %run_scoped3A = arith.constant 3 : i32
        %run_scoped3A_174 = arith.constant 1 : i32
        "tpu.region"() ({
          %run_scoped3A_176 = tpu.sem_alloc : memref<!tpu.dma_semaphore, #tpu.memory_space<semaphore_mem>>
          %dma_start3A = arith.constant 0 : i32
          %dma_start3A_177 = tpu.memref_slice %arg5[%run_scoped3A, %arg0, %run_scoped3A_174, %mul3A_173, %dma_start3A] : memref<4x2x2x7200x128xf32, #tpu.memory_space<hbm>> -> memref<1x1x1x1440x128xf32, #tpu.memory_space<hbm>>
          %dma_start3A_178 = tpu.memref_squeeze %dma_start3A_177 : memref<1x1x1x1440x128xf32, #tpu.memory_space<hbm>> -> memref<1440x128xf32, #tpu.memory_space<hbm>>
          %dma_start3A_179 = arith.constant 0 : i32
          %dma_start3A_180 = tpu.memref_slice %arg6[%mul3A_171, %dma_start3A_179] : memref<7232x128xf32, #tpu.memory_space<vmem_shared>> -> memref<1440x128xf32, #tpu.memory_space<vmem_shared>>
          tpu.enqueue_dma source(%dma_start3A_180 : memref<1440x128xf32, #tpu.memory_space<vmem_shared>>) target(%dma_start3A_178 : memref<1440x128xf32, #tpu.memory_space<hbm>>) target_semaphore(%run_scoped3A_176 : memref<!tpu.dma_semaphore, #tpu.memory_space<semaphore_mem>>)
          %dma_wait3A = arith.constant 0 : i32
          %dma_wait3A_181 = tpu.memref_slice %arg5[%run_scoped3A, %arg0, %run_scoped3A_174, %mul3A_173, %dma_wait3A] : memref<4x2x2x7200x128xf32, #tpu.memory_space<hbm>> -> memref<1x1x1x1440x128xf32, #tpu.memory_space<hbm>>
          %dma_wait3A_182 = tpu.memref_squeeze %dma_wait3A_181 : memref<1x1x1x1440x128xf32, #tpu.memory_space<hbm>> -> memref<1440x128xf32, #tpu.memory_space<hbm>>
          %dma_wait3A_183 = arith.constant 0 : i32
          %dma_wait3A_184 = tpu.memref_slice %arg6[%mul3A_171, %dma_wait3A_183] : memref<7232x128xf32, #tpu.memory_space<vmem_shared>> -> memref<1440x128xf32, #tpu.memory_space<vmem_shared>>
          tpu.wait_dma2 semaphore(%run_scoped3A_176 : memref<!tpu.dma_semaphore, #tpu.memory_space<semaphore_mem>>) src(%dma_wait3A_184 : memref<1440x128xf32, #tpu.memory_space<vmem_shared>>) dst(%dma_wait3A_182 : memref<1440x128xf32, #tpu.memory_space<hbm>>)
          tpu.yield
        }) : () -> ()
        %scan3A_175 = arith.constant 0 : i32
        scf.yield %scan3A_175 : i32
      }
      %scan3A_168 = arith.constant 5 : i32
    } else {
    }
    return
  }
}

module attributes {stable_mosaic.version = 14 : i64} {
  func.func @_div_kernel(%arg0: i32, %arg1: memref<1800x256xf32, #tpu.memory_space<vmem>>, %arg2: memref<1800x256xf32, #tpu.memory_space<vmem>>, %arg3: memref<1800x256xf32, #tpu.memory_space<vmem>>) attributes {dimension_semantics = [#tpu.dimension_semantics<arbitrary>], iteration_bounds = array<i64: 32>, scalar_prefetch = 0 : i64, scratch_operands = 0 : i64, tpu.core_type = #tpu.core_type<tc>, window_params = [{transform_indices = @transform_0, window_bounds = array<i64: 1800, 256>}, {transform_indices = @transform_1, window_bounds = array<i64: 1800, 256>}, {transform_indices = @transform_2, window_bounds = array<i64: 1800, 256>}]} {
    %get3A = arith.constant 0 : index
    %get3A_0 = arith.constant 0 : index
    %get3A_1 = vector.load %arg1[%get3A, %get3A_0] : memref<1800x256xf32, #tpu.memory_space<vmem>>, vector<1800x256xf32>
    %get3A_2 = arith.constant 0 : index
    %get3A_3 = arith.constant 0 : index
    %get3A_4 = vector.load %arg2[%get3A_2, %get3A_3] : memref<1800x256xf32, #tpu.memory_space<vmem>>, vector<1800x256xf32>
    %div3A = arith.divf %get3A_1, %get3A_4 : vector<1800x256xf32>
    %swap3A = arith.constant 0 : index
    %swap3A_5 = arith.constant 0 : index
    %swap3A_6 = vector.load %arg3[%swap3A, %swap3A_5] : memref<1800x256xf32, #tpu.memory_space<vmem>>, vector<1800x256xf32>
    tpu.vector_store %arg3[%swap3A, %swap3A_5], %div3A {strides = array<i32>} : memref<1800x256xf32, #tpu.memory_space<vmem>>, vector<1800x256xf32>,
    return
  }
  func.func @transform_0(%arg0: i32) -> (i32, i32) {
    %c0_i32 = arith.constant 0 : i32
    %c0_i32_0 = arith.constant 0 : i32
    return %arg0, %c0_i32 : i32, i32
  }
  func.func @transform_1(%arg0: i32) -> (i32, i32) {
    %c0_i32 = arith.constant 0 : i32
    %c0_i32_0 = arith.constant 0 : i32
    return %arg0, %c0_i32 : i32, i32
  }
  func.func @transform_2(%arg0: i32) -> (i32, i32) {
    %c0_i32 = arith.constant 0 : i32
    %c0_i32_0 = arith.constant 0 : i32
    return %arg0, %c0_i32 : i32, i32
  }
}

</mosaic_0001>

<sc_bundles>
// kernel: kernel.4.cloned.1.call-start
scs
__scs_entry_jumppad:
0x0: {  	(pc) =	sbr.rel $0x88, $3  }
0x1: {  	(tag) =	ssettag $0x0;
	lr =	simm.s32 $0x1  }
0x2: {  	[smem:$0x3F99] =	sst lr;
	_ =	strace $0xD0000000  }
0x3: {  	_ = 	snop  }
0x4: {  	_ = 	snop  }
0x5: {  	_ = 	snop  }
0x6: {  	_ = 	snop  }
0x7: {  	_ = 	snop  }
__scs_overlays_trampoline_lowered:
0x8: {  	[smem:$0x3FA8] =	sst s0  }
0x9: {  	[smem:$0x3FA9] =	sst s1  }
0xa: {  	[smem:$0x3FAA] =	sst s2  }
0xb: {  	[smem:$0x3FAB] =	sst s3  }
0xc: {  	[smem:$0x3FAC] =	sst s4  }
0xd: {  	[smem:$0x3FAD] =	sst s5  }
0xe: {  	[smem:$0x3FAE] =	sst s6  }
0xf: {  	[smem:$0x3FAF] =	sst s7  }
0x10: {  	[smem:$0x3FB0] =	sst s8  }
0x11: {  	[smem:$0x3FB1] =	sst s9;
	s0 =	simm.s32 @!p0 $0x0  }
0x12: {  	s1 =	sld [smem:$0x3F97];
	s0 =	simm.s32 @p0 $0x1  }
0x13: {  	[smem:$0x3FB2] =	sst s0;
	s0 =	simm.s32 @!p1 $0x0  }
0x14: {  	s2 =	sld [smem:$0x3F96];
	s0 =	simm.s32 @p1 $0x1  }
0x15: {  	[smem:$0x3FB3] =	sst s0;
	s0 =	simm.s32 @!p2 $0x0  }
0x16: {  	s3 =	sld [smem:$0x3FDB];
	s0 =	simm.s32 @p2 $0x1  }
0x17: {  	s4 =	simm.s32 $0x1BF5;
	[smem:$0x3FB5] =	sst s0  }
0x18: {  	s0 =	sld [smem:$0x3F98];
	_ =	swait.ge [sflag:s4], $0x0  }
0x19: {  	s7 =	sld [smem:$0x3F99]  }
0x1a: {  	s8 =	sadd.s32 $0xFFFFE003, lr  }
0x1b: {  	s9 =	sadd.s32 $0xFFFFFEF7, lr;
	s5 =	simm.s32 $0xFFFFFFFF;
	p2 =	slt.u32 s8, $0xFFFFF086  }
0x1c: {  	p1 =	slt.u32 s9, $0xF7A;
	s5 =	simm.s32 @!p2 $0x0  }
0x1d: {  	s5 =	simm.s32 @p1 $0x1;
	p0 =	seq.s32 s7, s2  }
0x1e: {  	s7 =	smul.u32 @!p0 $0xF7A, s2;
	p2 =	seq.s32 @!p0 s5, $0x0  }
0x1f: {  	s9 =	smul.u32 $0xF7A, s1;
	s8 =	simm.s32 @!p0 $0x1BF5;
	p2 =	por !p2, p0  }
0x20: {  	[sflag:s8] =	ssyncset.s32 @!p0 $0xFFFFF086;
	s6 =	sadd.s32 @!p0 s3, s7;
	s7 =	simm.s32 @!p0 $0x108  }
0x21: {  	s3 =	sadd.s32 s3, s9;
	s6 =	sadd.s32 @!p0 $0x88, s6;
	s7 =	simm.s32 @p2 $0x1082  }
0x22: {  	[simem:s7], [sflag:s8] =	dma.local @!p0 [hbm:s6], $0xF7A  }
0x23: {  	s9 =	sor.u32 $0xD0000000, s2;
	s6 =	simm.s32 $0x108;
	_ =	swait.ge @!p0 [sflag:s8], $0x0  }
0x24: {  	s3 =	sadd.s32 $0x88, s3;
	s6 =	simm.s32 @!p1 $0x1082;
	[sflag:s4] =	ssyncset.s32 $0xFFFFF086  }
0x25: {  	[simem:s6], [sflag:s4] =	dma.local [hbm:s3], $0xF7A  }
0x26: {  	[smem:$0x3F99] =	sst s1;
	(tag) =	ssettag s2;
	_ =	strace s9  }
0x27: {  	s1 =	sld [smem:$0x3FA9]  }
0x28: {  	s2 =	sld [smem:$0x3FAA]  }
0x29: {  	s4 =	sld [smem:$0x3FAC]  }
0x2a: {  	p0 =	seq.s32 s5, $0x0;
	s5 =	sld [smem:$0x3FAD]  }
0x2b: {  	s6 =	sld [smem:$0x3FAE]  }
0x2c: {  	s7 =	sld [smem:$0x3FAF]  }
0x2d: {  	s3 =	simm.s32 $0x108;
	s8 =	sld [smem:$0x3FB0]  }
0x2e: {  	s3 =	simm.s32 @!p0 $0x1082;
	s9 =	sld [smem:$0x3FB1]  }
0x2f: {  	lr =	sadd.s32 s0, s3;
	s0 =	sld [smem:$0x3FA8]  }
0x30: {  	s3 =	sld [smem:$0x3FAB]  }
0x31: {  	[smem:$0x3FB4] =	sst s10  }
0x32: {  	s10 =	sld [smem:$0x3FB2];
	_ =	sdelay $0x3  }
0x33: {  	p0 =	seq.s32 s10, $0x1;
	s10 =	sld [smem:$0x3FB4];
	_ =	sdelay $0x3  }
0x34: {  	[smem:$0x3FB4] =	sst s10  }
0x35: {  	s10 =	sld [smem:$0x3FB3];
	_ =	sdelay $0x3  }
0x36: {  	p1 =	seq.s32 s10, $0x1;
	s10 =	sld [smem:$0x3FB4];
	_ =	sdelay $0x3  }
0x37: {  	[smem:$0x3FB4] =	sst s10  }
0x38: {  	s10 =	sld [smem:$0x3FB5]  }
0x39: {  	_ = 	snop;
	(pc) =	sbr.ind lr, $3  }
0x3a: {  	_ = 	snop  }
0x3b: {  	_ = 	snop  }
0x3c: {  	p2 =	seq.s32 s10, $0x1;
	s10 =	sld [smem:$0x3FB4]  }
0x3d: {  	_ =	shalt  }
0x3e: {  	_ =	shalt  }
0x3f: {  	_ =	shalt  }
0x40: {  	_ =	shalt  }
0x41: {  	_ =	shalt  }
0x42: {  	_ =	shalt  }
0x43: {  	_ =	shalt  }
0x44: {  	_ =	shalt  }
0x45: {  	_ =	shalt  }
0x46: {  	_ =	shalt  }
0x47: {  	_ =	shalt  }
0x48: {  	_ =	shalt  }
0x49: {  	_ =	shalt  }
0x4a: {  	_ =	shalt  }
0x4b: {  	_ =	shalt  }
0x4c: {  	_ =	shalt  }
0x4d: {  	_ =	shalt  }
0x4e: {  	_ =	shalt  }
0x4f: {  	_ =	shalt  }
0x50: {  	_ =	shalt  }
0x51: {  	_ =	shalt  }
0x52: {  	_ =	shalt  }
0x53: {  	_ =	shalt  }
0x54: {  	_ =	shalt  }
0x55: {  	_ =	shalt  }
0x56: {  	_ =	shalt  }
0x57: {  	_ =	shalt  }
0x58: {  	_ =	shalt  }
0x59: {  	_ =	shalt  }
0x5a: {  	_ =	shalt  }
0x5b: {  	_ =	shalt  }
0x5c: {  	_ =	shalt  }
0x5d: {  	_ =	shalt  }
0x5e: {  	_ =	shalt  }
0x5f: {  	_ =	shalt  }
0x60: {  	_ =	shalt  }
0x61: {  	_ =	shalt  }
0x62: {  	_ =	shalt  }
0x63: {  	_ =	shalt  }
0x64: {  	_ =	shalt  }
0x65: {  	_ =	shalt  }
0x66: {  	_ =	shalt  }
0x67: {  	_ =	shalt  }
0x68: {  	_ =	shalt  }
0x69: {  	_ =	shalt  }
0x6a: {  	_ =	shalt  }
0x6b: {  	_ =	shalt  }
0x6c: {  	_ =	shalt  }
0x6d: {  	_ =	shalt  }
0x6e: {  	_ =	shalt  }
0x6f: {  	_ =	shalt  }
0x70: {  	_ =	shalt  }
0x71: {  	_ =	shalt  }
0x72: {  	_ =	shalt  }
0x73: {  	_ =	shalt  }
0x74: {  	_ =	shalt  }
0x75: {  	_ =	shalt  }
0x76: {  	_ =	shalt  }
0x77: {  	_ =	shalt  }
0x78: {  	_ =	shalt  }
0x79: {  	_ =	shalt  }
0x7a: {  	_ =	shalt  }
0x7b: {  	_ =	shalt  }
0x7c: {  	_ =	shalt  }
0x7d: {  	_ =	shalt  }
0x7e: {  	_ =	shalt  }
0x7f: {  	_ =	shalt  }
0x80: {  	_ =	shalt  }
0x81: {  	_ =	shalt  }
0x82: {  	_ =	shalt  }
0x83: {  	_ =	shalt  }
0x84: {  	_ =	shalt  }
0x85: {  	_ =	shalt  }
0x86: {  	_ =	shalt  }
0x87: {  	_ =	shalt  }
.Lfunc_end0:
.L_simem_size_0:
called_computation.4_lowered:
.L_overlay_start_0:
0x88: {  	s2 =	sld [smem:$0x3FD9]  }
0x89: {  	s3 =	sld [smem:$0x3FFE];
	_ =	sdelay $0x1  }
0x8a: {  	s1 =	srdreg.scid  }
0x8b: {  	s0 =	sand.u32 $0x1, s1  }
0x8c: {  	s14 =	sshll.u32 s0, $0xA;
	s2 =	sadd.s32 s3, s2  }
0x8d: {  	s2 =	sadd.s32 s2, s14  }
0x8e: {  	[smem:$0x3FC0] =	sst s2  }
0x8f: {  	_ = 	snop  }
0x90: {  	s2 =	sld [smem:$0x3FD0];
	_ =	sdelay $0x2  }
0x91: {  	s15 =	simm.s32 $0xB;
	s4 =	simm.s32 $0x10  }
0x92: {  	[smem:s4], [sflag:s15] =	dma.local [hbm:s2], $0x1  }
0x93: {  	_ =	swait.eq [sflag:s15], $0x1  }
0x94: {  	[sflag:s15] =	ssyncset.done $0x0  }
0x95: {  	[sflag:s15] =	ssyncadd.s32 $0xFFFFFFFF  }
0x96: {  	s16 =	sld [smem:$0x12];
	(tm) =	ssettm $0x1  }
0x97: {  	s17 =	sld [smem:$0x3FFB];
	_ =	sdelay $0x3  }
0x98: {  	_ =	strace s17  }
0x99: {  	s3 =	sld [smem:$0x3FFC];
	_ =	sdelay $0x3  }
0x9a: {  	_ =	strace s3  }
0x9b: {  	s3 =	sld [smem:$0x3FFD];
	_ =	sdelay $0x3  }
0x9c: {  	_ =	strace s3  }
0x9d: {  	_ =	strace $0x8FFFFFFF  }
0x9e: {  	s18 =	sld [smem:$0x3FDB];
	_ =	sdelay $0x1  }
0x9f: {  	s19 =	simm.s32 $_scs_section_size  }
0xa0: {  	s5 =	simm.s32 $_size__tile_overlayer_lowered;
	s6 =	simm.s32 $_tile_overlayer_lowered  }
0xa1: {  	s22 =	simm.s32 $0x1BFF;
	s21 =	sshll.u32 s6, $0x1;
	s3 =	sadd.s32 s19, s18  }
0xa2: {  	s7 =	simm.s32 $0x0;
	s20 =	sshll.u32 s5, $0x1;
	s5 =	sadd.s32 s21, s3  }
0xa3: {  	[timem:s7], [sflag:s22] =	dma.local [hbm:s5], s20  }
0xa4: {  	_ =	swait.ge [sflag:s22], s20  }
0xa5: {  	s4 =	ssub.s32 $0x0, s20;
	[sflag:s22] =	ssyncset.done $0x0  }
0xa6: {  	[sflag:s22] =	ssyncadd.s32 s4;
	_ =	sdelay $0x1  }
0xa7: {  	s23 =	simm.s32 $0x1B8B  }
0xa8: {  	_ =	swait.ge [sflag:s23], $0x1  }
0xa9: {  	[sflag:s23] =	ssyncset.done $0x0  }
0xaa: {  	s25 =	simm.s32 $0x1B8E;
	s24 =	sld [smem:$0x3FFE];
	[sflag:s23] =	ssyncadd.s32 $0xFFFFFFFF  }
0xab: {  	s26 =	simm.s32 $execute0_lowered;
	[smem:$0x3FD2] =	sst s25  }
0xac: {  	s5 =	sshll.u32 s26, $0x1;
	_ =	strace $0x80000049;
	[dreg:$0x1] =	wrdreg $0xFFFFFFFF  }
0xad: {  	s28 =	simm.s32 $_size_execute0_lowered;
	s3 =	sadd.s32 s3, s5;
	[dreg:$0x0] =	wrdreg $0x0  }
0xae: {  	s5 =	sshll.u32 s28, $0x1;
	[dreg:$0x2] =	wrdreg s3  }
0xaf: {  	[dreg:$0x3] =	wrdreg s5  }
0xb0: {  	[dreg:$0x4] =	wrdreg $0xC0  }
0xb1: {  	_ =	task [dreg:s7], $0x5FFFF  }
0xb2: {  	[dreg:$0x1] =	wrdreg $0xFFFFFFFF  }
0xb3: {  	[dreg:$0x0] =	wrdreg $0x60  }
0xb4: {  	[dreg:$0x2] =	wrdreg s16  }
0xb5: {  	[dreg:$0x3] =	wrdreg s24  }
0xb6: {  	[dreg:$0x4] =	wrdreg $0x0  }
0xb7: {  	[dreg:$0x5] =	wrdreg $0x9  }
0xb8: {  	_ =	task.clear_ibuf [dreg:s7], $0x6FFFF;
	_ =	strace $0x90000049  }
0xb9: {  	s29 =	simm.s32 $0x9;
	_ =	strace $0x8000004B  }
0xba: {  	_ =	swait.ge [sflag:s29], $0x1  }
0xbb: {  	[sflag:s29] =	ssyncadd.s32 $0xFFFFFFFF  }
0xbc: {  	_ =	strace $0x9000004B  }
0xbd: {  	_ =	sfence  }
0xbe: {  	s30 =	sld [smem:$0x0];
	_ =	sdelay $0x2  }
0xbf: {  	s31 =	sshll.u32 s1, $0xD;
	s1 =	sshrl.u32 s1, $0x2  }
0xc0: {  	s3 =	sand.u32 $0x4000, s31;
	s1 =	sadd.s32 s1, s30  }
0xc1: {  	s0 =	sor.u32 s3, s0;
	s1 =	sshll.u32 s1, $0x11  }
0xc2: {  	s0 =	sor.u32 s1, s0  }
0xc3: {  	s0 =	sadd.s32 $0x8F2B, s0  }
0xc4: {  	[sflag:s0] =	ssyncadd.remote.s32 $0x1  }
0xc5: {  	_ =	sfence.sel $0xFFFF  }
0xc6: {  	[dreg:$0x0] =	wrdreg $0xFFFFFFFF;
	(pc) =	sbr.abs _section_cstart, $3  }
0xc7: {  	[dreg:$0x1] =	wrdreg $0xFFFFFFFF  }
0xc8: {  	_ =	task.clear_ibuf [dreg:s7], $0x2FFFF;
	_ =	strace $0x9FFFFFFF  }
0xc9: {  	(tm) =	ssettm $0x7FFFFFFF  }
tec
execute0_lowered:
.L_overlay_start_1:
0x0: {  	(tag) =	ssettag $0x1  }
0x1: {  	s4 =	stileid.u32  }
0x2: {  	p0 =	sne.s32 s4, $0x0  }
.Ltmp0:
0x3: {  	_ = 	snop;
	(pc) =	sbr.rel @p0 .LBB2_19-.Ltmp0, $4  }
0x4: {  	s0 =	rddreg [dreg:$0x0]  }
0x5: {  	s1 =	rddreg [dreg:$0x1];
	s3 =	simm.s32 $0x0  }
0x6: {  	[smem:$0x7FF] =	sst s3  }
0x7: {  	s2 =	rddreg [dreg:$0x2];
	_ =	strace $0x8000004A  }
0x8: {  	s17 =	sadd.s32 $0x1C400, s2  }
0x9: {  	s18 =	sadd.s32 $0x38800, s2;
	[dreg:$0x6] =	wrdreg s17  }
0xa: {  	s19 =	sadd.s32 $0x54C00, s2;
	[dreg:$0x7] =	wrdreg s18  }
0xb: {  	s20 =	sadd.s32 $0x71000, s2;
	[dreg:$0x8] =	wrdreg s19  }
0xc: {  	s21 =	sadd.s32 $0x8D400, s2;
	[dreg:$0x9] =	wrdreg s20  }
0xd: {  	s22 =	sadd.s32 $0xA9800, s2;
	[dreg:$0xa] =	wrdreg s21  }
0xe: {  	s4 =	srdreg.scid;
	s23 =	sadd.s32 $0xC5C00, s2;
	[dreg:$0xb] =	wrdreg s22  }
0xf: {  	s7 =	sadd.s32 $0x103000, s1;
	s25 =	sadd.s32 $0x2D000, s2;
	[dreg:$0xc] =	wrdreg s23  }
0x10: {  	s28 =	sadd.s32 $0x5A000, s2;
	s5 =	sand.u32 $0x1, s4;
	[dreg:$0xe] =	wrdreg s25  }
0x11: {  	s31 =	sadd.s32 $0x87000, s2;
	[dreg:$0x10] =	wrdreg s28;
	s6 =	smul.u32 $0x1C2000, s5  }
0x12: {  	s11 =	sadd.s32 $0xB4000, s2;
	[dreg:$0x12] =	wrdreg s31;
	s8 =	sshll.u32 s5, $0x13  }
0x13: {  	[dreg:$0x14] =	wrdreg s11;
	s29 =	sadd.s32 s8, s0;
	s6 =	sshrl.u32 s6, $0x3  }
0x14: {  	[smem:$0x7FD] =	sst s29;
	s9 =	sadd.s32 s7, s6  }
0x15: {  	s7 =	sadd.s32 $0x16DA00, s9;
	[dreg:$0x4] =	wrdreg s9  }
0x16: {  	s24 =	sadd.s32 $0x5A00, s9;
	[dreg:$0x5] =	wrdreg s7  }
0x17: {  	s26 =	sadd.s32 $0xB400, s9;
	[dreg:$0xd] =	wrdreg s24  }
0x18: {  	s30 =	sadd.s32 $0x10E00, s9;
	[dreg:$0xf] =	wrdreg s26  }
0x19: {  	s10 =	sadd.s32 $0x16800, s9;
	[dreg:$0x11] =	wrdreg s30  }
0x1a: {  	s12 =	sadd.s32 $0x1C200, s9;
	[dreg:$0x13] =	wrdreg s10  }
0x1b: {  	s13 =	sadd.s32 $0x21C00, s9;
	[dreg:$0x15] =	wrdreg s12  }
0x1c: {  	s14 =	sadd.s32 $0x27600, s9;
	[dreg:$0x16] =	wrdreg s13  }
0x1d: {  	s15 =	sadd.s32 $0x2D000, s9;
	[dreg:$0x17] =	wrdreg s14  }
0x1e: {  	s16 =	sadd.s32 $0x32A00, s9;
	[dreg:$0x18] =	wrdreg s15  }
0x1f: {  	s17 =	sadd.s32 $0x70800, s9;
	[dreg:$0x19] =	wrdreg s16  }
0x20: {  	s18 =	sadd.s32 $0x76200, s9;
	[dreg:$0x1a] =	wrdreg s17  }
0x21: {  	s19 =	sadd.s32 $0x7BC00, s9;
	[dreg:$0x1b] =	wrdreg s18  }
0x22: {  	s20 =	sadd.s32 $0x81600, s9;
	[dreg:$0x1c] =	wrdreg s19  }
0x23: {  	s21 =	sadd.s32 $0x87000, s9;
	[dreg:$0x1d] =	wrdreg s20  }
0x24: {  	s22 =	sadd.s32 $0x8CA00, s9;
	[dreg:$0x1e] =	wrdreg s21  }
0x25: {  	s23 =	sadd.s32 $0x92400, s9;
	[dreg:$0x1f] =	wrdreg s22  }
0x26: {  	s25 =	sadd.s32 $0x9D800, s9;
	[smem:$0x7E2] =	sst s23  }
0x27: {  	s28 =	sadd.s32 $0xE1000, s9;
	[smem:$0x7E4] =	sst s25  }
0x28: {  	s31 =	sadd.s32 $0xEC400, s9;
	[smem:$0x7E6] =	sst s28  }
0x29: {  	s11 =	sadd.s32 $0xF7800, s9;
	[smem:$0x7E8] =	sst s31  }
0x2a: {  	s24 =	sadd.s32 $0x97E00, s9;
	[smem:$0x7EA] =	sst s11  }
0x2b: {  	s26 =	sadd.s32 $0xA3200, s9;
	[smem:$0x7E3] =	sst s24  }
0x2c: {  	s30 =	sadd.s32 $0xE6A00, s9;
	[smem:$0x7E5] =	sst s26  }
0x2d: {  	s10 =	sadd.s32 $0xF1E00, s9;
	[smem:$0x7E7] =	sst s30  }
0x2e: {  	s12 =	sadd.s32 $0xFD200, s9;
	[smem:$0x7E9] =	sst s10  }
0x2f: {  	s13 =	sadd.s32 $0x102C00, s9;
	[smem:$0x7EB] =	sst s12  }
0x30: {  	s15 =	sadd.s32 $0x113A00, s9;
	[smem:$0x7EC] =	sst s13  }
0x31: {  	s16 =	sadd.s32 $0x151800, s9;
	[smem:$0x7EE] =	sst s15  }
0x32: {  	s4 =	sadd.s32 $0x101000, s1;
	s17 =	sadd.s32 $0x157200, s9;
	[smem:$0x7EF] =	sst s16  }
0x33: {  	s5 =	ssub.s32 $0x2, s5;
	s18 =	sadd.s32 $0x15CC00, s9;
	[smem:$0x7F0] =	sst s17  }
0x34: {  	s6 =	simm.s32 $0x1C01;
	s19 =	sadd.s32 $0x162600, s9;
	[smem:$0x7F1] =	sst s18  }
0x35: {  	s14 =	sshrl.u32 s5, $0x1;
	s20 =	sadd.s32 $0x10E000, s9;
	[smem:$0x7F2] =	sst s19  }
0x36: {  	s21 =	sadd.s32 $0x168000, s9;
	s22 =	sadd.s32 $0x173400, s9;
	[smem:$0x7F3] =	sst s20  }
0x37: {  	s25 =	sadd.s32 $0x17E800, s9;
	s28 =	sadd.s32 $0x20000, s29;
	[smem:$0x7F4] =	sst s21  }
0x38: {  	s31 =	sadd.s32 $0x60000, s29;
	s10 =	sadd.s32 $0x108600, s9;
	[smem:$0x7F5] =	sst s22  }
0x39: {  	s5 =	ssub.s32 s5, s14;
	s24 =	sadd.s32 $0x178E00, s9;
	[smem:$0x7F8] =	sst s25  }
0x3a: {  	s26 =	sadd.s32 $0x184200, s9;
	s9 =	sadd.s32 $0x1000, s4;
	[smem:$0x7FA] =	sst s28  }
0x3b: {  	s12 =	sadd.s32 $0x1400, s4;
	s13 =	sadd.s32 $0x800, s4;
	s30 =	sadd.s32 $0x40000, s29  }
0x3c: {  	s15 =	sadd.s32 $0x1800, s4;
	s16 =	sadd.s32 $0xC00, s4;
	[smem:$0x7FC] =	sst s31  }
0x3d: {  	s18 =	sadd.s32 $0x1C00, s4;
	s19 =	simm.s32 $0x1;
	[smem:$0x7ED] =	sst s10  }
0x3e: {  	s20 =	simm.s32 $0xE200;
	s21 =	simm.s32 $0x16200;
	[smem:$0x7F7] =	sst s24  }
0x3f: {  	s22 =	simm.s32 $0x80;
	s25 =	simm.s32 $0x12200;
	[smem:$0x7F9] =	sst s26  }
0x40: {  	s23 =	smax.u32 s5, $0x1;
	s10 =	sadd.s32 $0x400, s4;
	[smem:$0x7FB] =	sst s30  }
0x41: {  	s5 =	simm.s32 $0x0;
	[smem:$0x7F6] =	sst s23;
	s23 =	simm.s32 $0x16280  }
.LBB2_2:
0x42: {  	[smem:$0x7DF] =	sst s5;
	s28 =	sshrl.u32 s2, $0x3  }
0x43: {  	[spmem:s28], [sflag:s6] =	dma.local [hbm:s1], $0x3880  }
0x44: {  	_ =	swait.ge [sflag:s19], $0x3880  }
0x45: {  	s0 =	rddreg [dreg:$0x6]  }
0x46: {  	[sflag:s19] =	ssyncset.done $0x0;
	s0 =	sshrl.u32 s0, $0x3  }
0x47: {  	[sflag:s19] =	ssyncadd.s32 $0xFFFFC780;
	[smem:$0x7E0] =	sst s0  }
0x48: {  	[spmem:s0], [sflag:s6] =	dma.local [hbm:s1], $0x3880  }
0x49: {  	_ =	swait.ge [sflag:s19], $0x3880  }
0x4a: {  	s11 =	rddreg [dreg:$0x7]  }
0x4b: {  	[sflag:s19] =	ssyncset.done $0x0;
	s0 =	sshrl.u32 s11, $0x3  }
0x4c: {  	[sflag:s19] =	ssyncadd.s32 $0xFFFFC780;
	[smem:$0x7E1] =	sst s0  }
0x4d: {  	[spmem:s0], [sflag:s6] =	dma.local [hbm:s1], $0x3880  }
0x4e: {  	_ =	swait.ge [sflag:s19], $0x3880  }
0x4f: {  	[sflag:s19] =	ssyncset.done $0x0;
	s14 =	rddreg [dreg:$0x8]  }
0x50: {  	[sflag:s19] =	ssyncadd.s32 $0xFFFFC780;
	s31 =	sshrl.u32 s14, $0x3  }
0x51: {  	[spmem:s31], [sflag:s6] =	dma.local [hbm:s1], $0x3880  }
0x52: {  	_ =	swait.ge [sflag:s19], $0x3880  }
0x53: {  	[sflag:s19] =	ssyncset.done $0x0;
	s17 =	rddreg [dreg:$0x9]  }
0x54: {  	[sflag:s19] =	ssyncadd.s32 $0xFFFFC780;
	s0 =	sshrl.u32 s17, $0x3  }
0x55: {  	[spmem:s0], [sflag:s6] =	dma.local [hbm:s1], $0x3880  }
0x56: {  	_ =	swait.ge [sflag:s19], $0x3880  }
0x57: {  	[sflag:s19] =	ssyncset.done $0x0;
	s24 =	rddreg [dreg:$0xa]  }
0x58: {  	[sflag:s19] =	ssyncadd.s32 $0xFFFFC780;
	s7 =	sshrl.u32 s24, $0x3  }
0x59: {  	[spmem:s7], [sflag:s6] =	dma.local [hbm:s1], $0x3880  }
0x5a: {  	_ =	swait.ge [sflag:s19], $0x3880  }
0x5b: {  	[sflag:s19] =	ssyncset.done $0x0;
	s26 =	rddreg [dreg:$0xb]  }
0x5c: {  	[sflag:s19] =	ssyncadd.s32 $0xFFFFC780;
	s8 =	sshrl.u32 s26, $0x3  }
0x5d: {  	[spmem:s8], [sflag:s6] =	dma.local [hbm:s1], $0x3880  }
0x5e: {  	_ =	swait.ge [sflag:s19], $0x3880  }
0x5f: {  	[sflag:s19] =	ssyncset.done $0x0;
	s30 =	rddreg [dreg:$0xc]  }
0x60: {  	[sflag:s19] =	ssyncadd.s32 $0xFFFFC780;
	s5 =	sshrl.u32 s30, $0x3  }
0x61: {  	[spmem:s5], [sflag:s6] =	dma.local [hbm:s1], $0x3880  }
0x62: {  	_ =	swait.ge [sflag:s19], $0x3880  }
0x63: {  	[sflag:s19] =	ssyncset.done $0x0  }
0x64: {  	[sflag:s19] =	ssyncadd.s32 $0xFFFFC780  }
0x65: {  	[tilespmem:s20], [sflag:$0x1] =	stream.linear.gather [hbm4b:s29+s3], $0x8000, $0x38;
	[tilespmem:$0x16300] =	vst v63  }
0x66: {  	_ =	swait.ge [sflag:s19], $0x8000  }
0x67: {  	[sflag:s19] =	ssyncset.done $0x0  }
0x68: {  	s11 =	sadd.s32 $0x0, s4;
	[sflag:s19] =	ssyncadd.s32 $0xFFFF8000  }
0x69: {  	[tilespmem:s21], [sflag:$0x1] =	stream.linear.gather [hbm4b:s11+s3], $0x100, $0x38;
	[tilespmem:$0x16300] =	vst v63  }
0x6a: {  	_ =	swait.ge [sflag:s19], $0x100  }
0x6b: {  	[sflag:s19] =	ssyncset.done $0x0  }
0x6c: {  	[sflag:s19] =	ssyncadd.s32 $0xFFFFFF00  }
0x6d: {  	[spmem:s2] =	stream.indirect.scatter.add.f32 [tilespmem:s20], [sflag:$0x1], $0x80, s21, s22, $0xb8;
	[tilespmem:$0x16300] =	vst v63  }
0x6e: {  	_ =	swait.ge [sflag:s19], $0x4000  }
0x6f: {  	[sflag:s19] =	ssyncset.done $0x0  }
0x70: {  	[sflag:s19] =	ssyncadd.s32 $0xFFFFC000  }
0x71: {  	[spmem:s2] =	stream.indirect.scatter.add.f32 [tilespmem:s25], [sflag:$0x1], $0x80, s23, s22, $0xb8;
	[tilespmem:$0x16300] =	vst v63  }
0x72: {  	_ =	swait.ge [sflag:s19], $0x4000  }
0x73: {  	s14 =	smov.u32 s29;
	s11 =	simm.s32 $0x20;
	[sflag:s19] =	ssyncset.done $0x0  }
.LBB2_3:
0x74: {  	p1 =	seq.s32 s11, $0x3E0;
	[sflag:s19] =	ssyncadd.s32 $0xFFFFC000;
	s14 =	sadd.s32 $0x1000, s14  }
0x75: {  	[tilespmem:s20], [sflag:$0x1] =	stream.linear.gather [hbm4b:s14+s3], $0x8000, $0x38;
	[tilespmem:$0x16300] =	vst v63  }
0x76: {  	s17 =	smov.u32 s11;
	s11 =	sadd.s32 $0x20, s11;
	_ =	swait.ge [sflag:s19], $0x8000  }
0x77: {  	[sflag:s19] =	ssyncset.done $0x0  }
0x78: {  	s17 =	sadd.s32 s17, s4;
	[sflag:s19] =	ssyncadd.s32 $0xFFFF8000  }
0x79: {  	[tilespmem:s21], [sflag:$0x1] =	stream.linear.gather [hbm4b:s17+s3], $0x100, $0x38;
	[tilespmem:$0x16300] =	vst v63  }
0x7a: {  	_ =	swait.ge [sflag:s19], $0x100  }
0x7b: {  	[sflag:s19] =	ssyncset.done $0x0  }
0x7c: {  	[sflag:s19] =	ssyncadd.s32 $0xFFFFFF00  }
0x7d: {  	[spmem:s2] =	stream.indirect.scatter.add.f32 [tilespmem:s20], [sflag:$0x1], $0x80, s21, s22, $0xb8;
	[tilespmem:$0x16300] =	vst v63  }
0x7e: {  	_ =	swait.ge [sflag:s19], $0x4000  }
.Ltmp1:
0x7f: {  	[sflag:s19] =	ssyncset.done $0x0;
	(pc) =	sbr.rel @!p1 .LBB2_3-.Ltmp1, $4  }
0x80: {  	[sflag:s19] =	ssyncadd.s32 $0xFFFFC000  }
0x81: {  	[spmem:s2] =	stream.indirect.scatter.add.f32 [tilespmem:s25], [sflag:$0x1], $0x80, s23, s22, $0xb8;
	[tilespmem:$0x16300] =	vst v63  }
0x82: {  	_ =	swait.ge [sflag:s19], $0x4000  }
0x83: {  	[sflag:s19] =	ssyncset.done $0x0  }
0x84: {  	[sflag:s19] =	ssyncadd.s32 $0xFFFFC000;
	s11 =	rddreg [dreg:$0x4]  }
0x85: {  	[hbm:s11], [sflag:s6] =	dma.local [spmem:s28], $0x5A00  }
0x86: {  	_ =	swait.ge [sflag:s19], $0x5A00  }
0x87: {  	[sflag:s19] =	ssyncset.done $0x0;
	s14 =	rddreg [dreg:$0xe]  }
0x88: {  	[sflag:s19] =	ssyncadd.s32 $0xFFFFA600;
	s11 =	sshrl.u32 s14, $0x3;
	s14 =	rddreg [dreg:$0xd]  }
0x89: {  	[hbm:s14], [sflag:s6] =	dma.local [spmem:s11], $0x5A00  }
0x8a: {  	_ =	swait.ge [sflag:s19], $0x5A00  }
0x8b: {  	[sflag:s19] =	ssyncset.done $0x0;
	s17 =	rddreg [dreg:$0x10]  }
0x8c: {  	[sflag:s19] =	ssyncadd.s32 $0xFFFFA600;
	s14 =	sshrl.u32 s17, $0x3;
	s17 =	rddreg [dreg:$0xf]  }
0x8d: {  	[hbm:s17], [sflag:s6] =	dma.local [spmem:s14], $0x5A00  }
0x8e: {  	_ =	swait.ge [sflag:s19], $0x5A00  }
0x8f: {  	[sflag:s19] =	ssyncset.done $0x0;
	s24 =	rddreg [dreg:$0x12]  }
0x90: {  	[sflag:s19] =	ssyncadd.s32 $0xFFFFA600;
	s17 =	sshrl.u32 s24, $0x3;
	s24 =	rddreg [dreg:$0x11]  }
0x91: {  	[hbm:s24], [sflag:s6] =	dma.local [spmem:s17], $0x5A00  }
0x92: {  	_ =	swait.ge [sflag:s19], $0x5A00  }
0x93: {  	[sflag:s19] =	ssyncset.done $0x0;
	s26 =	rddreg [dreg:$0x14]  }
0x94: {  	[sflag:s19] =	ssyncadd.s32 $0xFFFFA600;
	s24 =	sshrl.u32 s26, $0x3;
	s26 =	rddreg [dreg:$0x13]  }
0x95: {  	[hbm:s26], [sflag:s6] =	dma.local [spmem:s24], $0x5A00  }
0x96: {  	_ =	swait.ge [sflag:s19], $0x5A00  }
0x97: {  	[sflag:s19] =	ssyncset.done $0x0  }
0x98: {  	[sflag:s19] =	ssyncadd.s32 $0xFFFFA600  }
0x99: {  	[spmem:s28], [sflag:s6] =	dma.local [hbm:s1], $0x3880  }
0x9a: {  	_ =	swait.ge [sflag:s19], $0x3880  }
0x9b: {  	s30 =	sld [smem:$0x7E0]  }
0x9c: {  	[sflag:s19] =	ssyncset.done $0x0  }
0x9d: {  	[sflag:s19] =	ssyncadd.s32 $0xFFFFC780  }
0x9e: {  	[spmem:s30], [sflag:s6] =	dma.local [hbm:s1], $0x3880  }
0x9f: {  	_ =	swait.ge [sflag:s19], $0x3880  }
0xa0: {  	s30 =	sld [smem:$0x7E1]  }
0xa1: {  	[sflag:s19] =	ssyncset.done $0x0  }
0xa2: {  	[sflag:s19] =	ssyncadd.s32 $0xFFFFC780  }
0xa3: {  	[spmem:s30], [sflag:s6] =	dma.local [hbm:s1], $0x3880  }
0xa4: {  	_ =	swait.ge [sflag:s19], $0x3880  }
0xa5: {  	[sflag:s19] =	ssyncset.done $0x0  }
0xa6: {  	[sflag:s19] =	ssyncadd.s32 $0xFFFFC780  }
0xa7: {  	[spmem:s31], [sflag:s6] =	dma.local [hbm:s1], $0x3880  }
0xa8: {  	_ =	swait.ge [sflag:s19], $0x3880  }
0xa9: {  	[sflag:s19] =	ssyncset.done $0x0  }
0xaa: {  	[sflag:s19] =	ssyncadd.s32 $0xFFFFC780  }
0xab: {  	[spmem:s0], [sflag:s6] =	dma.local [hbm:s1], $0x3880  }
0xac: {  	_ =	swait.ge [sflag:s19], $0x3880  }
0xad: {  	[sflag:s19] =	ssyncset.done $0x0  }
0xae: {  	[sflag:s19] =	ssyncadd.s32 $0xFFFFC780  }
0xaf: {  	[spmem:s7], [sflag:s6] =	dma.local [hbm:s1], $0x3880  }
0xb0: {  	_ =	swait.ge [sflag:s19], $0x3880  }
0xb1: {  	[sflag:s19] =	ssyncset.done $0x0  }
0xb2: {  	[sflag:s19] =	ssyncadd.s32 $0xFFFFC780  }
0xb3: {  	[spmem:s8], [sflag:s6] =	dma.local [hbm:s1], $0x3880  }
0xb4: {  	_ =	swait.ge [sflag:s19], $0x3880  }
0xb5: {  	[sflag:s19] =	ssyncset.done $0x0  }
0xb6: {  	[sflag:s19] =	ssyncadd.s32 $0xFFFFC780  }
0xb7: {  	[spmem:s5], [sflag:s6] =	dma.local [hbm:s1], $0x3880  }
0xb8: {  	_ =	swait.ge [sflag:s19], $0x3880  }
0xb9: {  	[sflag:s19] =	ssyncset.done $0x0  }
0xba: {  	[sflag:s19] =	ssyncadd.s32 $0xFFFFC780  }
0xbb: {  	[tilespmem:s20], [sflag:$0x1] =	stream.linear.gather [hbm4b:s29+s3], $0x8000, $0x38;
	[tilespmem:$0x16300] =	vst v63  }
0xbc: {  	_ =	swait.ge [sflag:s19], $0x8000  }
0xbd: {  	[sflag:s19] =	ssyncset.done $0x0  }
0xbe: {  	s30 =	sadd.s32 $0x0, s9;
	[sflag:s19] =	ssyncadd.s32 $0xFFFF8000  }
0xbf: {  	[tilespmem:s21], [sflag:$0x1] =	stream.linear.gather [hbm4b:s30+s3], $0x100, $0x38;
	[tilespmem:$0x16300] =	vst v63  }
0xc0: {  	_ =	swait.ge [sflag:s19], $0x100  }
0xc1: {  	[sflag:s19] =	ssyncset.done $0x0  }
0xc2: {  	[sflag:s19] =	ssyncadd.s32 $0xFFFFFF00  }
0xc3: {  	[spmem:s2] =	stream.indirect.scatter.add.f32 [tilespmem:s20], [sflag:$0x1], $0x80, s21, s22, $0xb8;
	[tilespmem:$0x16300] =	vst v63  }
0xc4: {  	_ =	swait.ge [sflag:s19], $0x4000  }
0xc5: {  	[sflag:s19] =	ssyncset.done $0x0  }
0xc6: {  	[sflag:s19] =	ssyncadd.s32 $0xFFFFC000  }
0xc7: {  	[spmem:s2] =	stream.indirect.scatter.add.f32 [tilespmem:s25], [sflag:$0x1], $0x80, s23, s22, $0xb8;
	[tilespmem:$0x16300] =	vst v63  }
0xc8: {  	_ =	swait.ge [sflag:s19], $0x4000  }
0xc9: {  	s26 =	simm.s32 $0x20;
	[sflag:s19] =	ssyncset.done $0x0  }
.LBB2_5:
0xca: {  	p1 =	seq.s32 s26, $0x3E0;
	[sflag:s19] =	ssyncadd.s32 $0xFFFFC000;
	s29 =	sadd.s32 $0x1000, s29  }
0xcb: {  	[tilespmem:s20], [sflag:$0x1] =	stream.linear.gather [hbm4b:s29+s3], $0x8000, $0x38;
	[tilespmem:$0x16300] =	vst v63  }
0xcc: {  	s30 =	smov.u32 s26;
	s26 =	sadd.s32 $0x20, s26;
	_ =	swait.ge [sflag:s19], $0x8000  }
0xcd: {  	[sflag:s19] =	ssyncset.done $0x0  }
0xce: {  	s30 =	sadd.s32 s30, s9;
	[sflag:s19] =	ssyncadd.s32 $0xFFFF8000  }
0xcf: {  	[tilespmem:s21], [sflag:$0x1] =	stream.linear.gather [hbm4b:s30+s3], $0x100, $0x38;
	[tilespmem:$0x16300] =	vst v63  }
0xd0: {  	_ =	swait.ge [sflag:s19], $0x100  }
0xd1: {  	[sflag:s19] =	ssyncset.done $0x0  }
0xd2: {  	[sflag:s19] =	ssyncadd.s32 $0xFFFFFF00  }
0xd3: {  	[spmem:s2] =	stream.indirect.scatter.add.f32 [tilespmem:s20], [sflag:$0x1], $0x80, s21, s22, $0xb8;
	[tilespmem:$0x16300] =	vst v63  }
0xd4: {  	_ =	swait.ge [sflag:s19], $0x4000  }
.Ltmp2:
0xd5: {  	[sflag:s19] =	ssyncset.done $0x0;
	(pc) =	sbr.rel @!p1 .LBB2_5-.Ltmp2, $4  }
0xd6: {  	[sflag:s19] =	ssyncadd.s32 $0xFFFFC000  }
0xd7: {  	[spmem:s2] =	stream.indirect.scatter.add.f32 [tilespmem:s25], [sflag:$0x1], $0x80, s23, s22, $0xb8;
	[tilespmem:$0x16300] =	vst v63  }
0xd8: {  	_ =	swait.ge [sflag:s19], $0x4000  }
0xd9: {  	[sflag:s19] =	ssyncset.done $0x0  }
0xda: {  	[sflag:s19] =	ssyncadd.s32 $0xFFFFC000;
	s26 =	rddreg [dreg:$0x15]  }
0xdb: {  	[hbm:s26], [sflag:s6] =	dma.local [spmem:s28], $0x5A00  }
0xdc: {  	_ =	swait.ge [sflag:s19], $0x5A00  }
0xdd: {  	[sflag:s19] =	ssyncset.done $0x0  }
0xde: {  	s30 =	rddreg [dreg:$0x16];
	[sflag:s19] =	ssyncadd.s32 $0xFFFFA600  }
0xdf: {  	[hbm:s30], [sflag:s6] =	dma.local [spmem:s11], $0x5A00  }
0xe0: {  	_ =	swait.ge [sflag:s19], $0x5A00  }
0xe1: {  	[sflag:s19] =	ssyncset.done $0x0  }
0xe2: {  	s30 =	rddreg [dreg:$0x17];
	[sflag:s19] =	ssyncadd.s32 $0xFFFFA600  }
0xe3: {  	[hbm:s30], [sflag:s6] =	dma.local [spmem:s14], $0x5A00  }
0xe4: {  	_ =	swait.ge [sflag:s19], $0x5A00  }
0xe5: {  	[sflag:s19] =	ssyncset.done $0x0  }
0xe6: {  	s30 =	rddreg [dreg:$0x18];
	[sflag:s19] =	ssyncadd.s32 $0xFFFFA600  }
0xe7: {  	[hbm:s30], [sflag:s6] =	dma.local [spmem:s17], $0x5A00  }
0xe8: {  	_ =	swait.ge [sflag:s19], $0x5A00  }
0xe9: {  	[sflag:s19] =	ssyncset.done $0x0  }
0xea: {  	s30 =	rddreg [dreg:$0x19];
	[sflag:s19] =	ssyncadd.s32 $0xFFFFA600  }
0xeb: {  	[hbm:s30], [sflag:s6] =	dma.local [spmem:s24], $0x5A00  }
0xec: {  	_ =	swait.ge [sflag:s19], $0x5A00  }
0xed: {  	[sflag:s19] =	ssyncset.done $0x0  }
0xee: {  	[sflag:s19] =	ssyncadd.s32 $0xFFFFA600  }
0xef: {  	[spmem:s28], [sflag:s6] =	dma.local [hbm:s1], $0x3880  }
0xf0: {  	_ =	swait.ge [sflag:s19], $0x3880  }
0xf1: {  	s30 =	sld [smem:$0x7E0]  }
0xf2: {  	[sflag:s19] =	ssyncset.done $0x0  }
0xf3: {  	[sflag:s19] =	ssyncadd.s32 $0xFFFFC780  }
0xf4: {  	[spmem:s30], [sflag:s6] =	dma.local [hbm:s1], $0x3880  }
0xf5: {  	_ =	swait.ge [sflag:s19], $0x3880  }
0xf6: {  	s30 =	sld [smem:$0x7E1]  }
0xf7: {  	[sflag:s19] =	ssyncset.done $0x0  }
0xf8: {  	[sflag:s19] =	ssyncadd.s32 $0xFFFFC780  }
0xf9: {  	[spmem:s30], [sflag:s6] =	dma.local [hbm:s1], $0x3880  }
0xfa: {  	_ =	swait.ge [sflag:s19], $0x3880  }
0xfb: {  	[sflag:s19] =	ssyncset.done $0x0  }
0xfc: {  	[sflag:s19] =	ssyncadd.s32 $0xFFFFC780  }
0xfd: {  	[spmem:s31], [sflag:s6] =	dma.local [hbm:s1], $0x3880  }
0xfe: {  	_ =	swait.ge [sflag:s19], $0x3880  }
0xff: {  	[sflag:s19] =	ssyncset.done $0x0  }
0x100: {  	[sflag:s19] =	ssyncadd.s32 $0xFFFFC780  }
0x101: {  	[spmem:s0], [sflag:s6] =	dma.local [hbm:s1], $0x3880  }
0x102: {  	_ =	swait.ge [sflag:s19], $0x3880  }
0x103: {  	[sflag:s19] =	ssyncset.done $0x0  }
0x104: {  	[sflag:s19] =	ssyncadd.s32 $0xFFFFC780  }
0x105: {  	[spmem:s7], [sflag:s6] =	dma.local [hbm:s1], $0x3880  }
0x106: {  	_ =	swait.ge [sflag:s19], $0x3880  }
0x107: {  	[sflag:s19] =	ssyncset.done $0x0  }
0x108: {  	[sflag:s19] =	ssyncadd.s32 $0xFFFFC780  }
0x109: {  	[spmem:s8], [sflag:s6] =	dma.local [hbm:s1], $0x3880  }
0x10a: {  	_ =	swait.ge [sflag:s19], $0x3880  }
0x10b: {  	[sflag:s19] =	ssyncset.done $0x0  }
0x10c: {  	[sflag:s19] =	ssyncadd.s32 $0xFFFFC780  }
0x10d: {  	[spmem:s5], [sflag:s6] =	dma.local [hbm:s1], $0x3880  }
0x10e: {  	_ =	swait.ge [sflag:s19], $0x3880  }
0x10f: {  	s29 =	sld [smem:$0x7FA]  }
0x110: {  	[sflag:s19] =	ssyncset.done $0x0  }
0x111: {  	[sflag:s19] =	ssyncadd.s32 $0xFFFFC780  }
0x112: {  	[tilespmem:s20], [sflag:$0x1] =	stream.linear.gather [hbm4b:s29+s3], $0x8000, $0x38;
	[tilespmem:$0x16300] =	vst v63  }
0x113: {  	_ =	swait.ge [sflag:s19], $0x8000  }
0x114: {  	[sflag:s19] =	ssyncset.done $0x0  }
0x115: {  	s30 =	sadd.s32 $0x0, s10;
	[sflag:s19] =	ssyncadd.s32 $0xFFFF8000  }
0x116: {  	[tilespmem:s21], [sflag:$0x1] =	stream.linear.gather [hbm4b:s30+s3], $0x100, $0x38;
	[tilespmem:$0x16300] =	vst v63  }
0x117: {  	_ =	swait.ge [sflag:s19], $0x100  }
0x118: {  	[sflag:s19] =	ssyncset.done $0x0  }
0x119: {  	[sflag:s19] =	ssyncadd.s32 $0xFFFFFF00  }
0x11a: {  	[spmem:s2] =	stream.indirect.scatter.add.f32 [tilespmem:s20], [sflag:$0x1], $0x80, s21, s22, $0xb8;
	[tilespmem:$0x16300] =	vst v63  }
0x11b: {  	_ =	swait.ge [sflag:s19], $0x4000  }
0x11c: {  	[sflag:s19] =	ssyncset.done $0x0  }
0x11d: {  	[sflag:s19] =	ssyncadd.s32 $0xFFFFC000  }
0x11e: {  	[spmem:s2] =	stream.indirect.scatter.add.f32 [tilespmem:s25], [sflag:$0x1], $0x80, s23, s22, $0xb8;
	[tilespmem:$0x16300] =	vst v63  }
0x11f: {  	_ =	swait.ge [sflag:s19], $0x4000  }
0x120: {  	s26 =	simm.s32 $0x20;
	[sflag:s19] =	ssyncset.done $0x0  }
.LBB2_7:
0x121: {  	p1 =	seq.s32 s26, $0x3E0;
	[sflag:s19] =	ssyncadd.s32 $0xFFFFC000;
	s29 =	sadd.s32 $0x1000, s29  }
0x122: {  	[tilespmem:s20], [sflag:$0x1] =	stream.linear.gather [hbm4b:s29+s3], $0x8000, $0x38;
	[tilespmem:$0x16300] =	vst v63  }
0x123: {  	s30 =	smov.u32 s26;
	s26 =	sadd.s32 $0x20, s26;
	_ =	swait.ge [sflag:s19], $0x8000  }
0x124: {  	[sflag:s19] =	ssyncset.done $0x0  }
0x125: {  	s30 =	sadd.s32 s30, s10;
	[sflag:s19] =	ssyncadd.s32 $0xFFFF8000  }
0x126: {  	[tilespmem:s21], [sflag:$0x1] =	stream.linear.gather [hbm4b:s30+s3], $0x100, $0x38;
	[tilespmem:$0x16300] =	vst v63  }
0x127: {  	_ =	swait.ge [sflag:s19], $0x100  }
0x128: {  	[sflag:s19] =	ssyncset.done $0x0  }
0x129: {  	[sflag:s19] =	ssyncadd.s32 $0xFFFFFF00  }
0x12a: {  	[spmem:s2] =	stream.indirect.scatter.add.f32 [tilespmem:s20], [sflag:$0x1], $0x80, s21, s22, $0xb8;
	[tilespmem:$0x16300] =	vst v63  }
0x12b: {  	_ =	swait.ge [sflag:s19], $0x4000  }
.Ltmp3:
0x12c: {  	[sflag:s19] =	ssyncset.done $0x0;
	(pc) =	sbr.rel @!p1 .LBB2_7-.Ltmp3, $4  }
0x12d: {  	[sflag:s19] =	ssyncadd.s32 $0xFFFFC000  }
0x12e: {  	[spmem:s2] =	stream.indirect.scatter.add.f32 [tilespmem:s25], [sflag:$0x1], $0x80, s23, s22, $0xb8;
	[tilespmem:$0x16300] =	vst v63  }
0x12f: {  	_ =	swait.ge [sflag:s19], $0x4000  }
0x130: {  	[sflag:s19] =	ssyncset.done $0x0  }
0x131: {  	[sflag:s19] =	ssyncadd.s32 $0xFFFFC000;
	s26 =	rddreg [dreg:$0x1a]  }
0x132: {  	[hbm:s26], [sflag:s6] =	dma.local [spmem:s28], $0x5A00  }
0x133: {  	_ =	swait.ge [sflag:s19], $0x5A00  }
0x134: {  	[sflag:s19] =	ssyncset.done $0x0  }
0x135: {  	s30 =	rddreg [dreg:$0x1b];
	[sflag:s19] =	ssyncadd.s32 $0xFFFFA600  }
0x136: {  	[hbm:s30], [sflag:s6] =	dma.local [spmem:s11], $0x5A00  }
0x137: {  	_ =	swait.ge [sflag:s19], $0x5A00  }
0x138: {  	[sflag:s19] =	ssyncset.done $0x0  }
0x139: {  	s30 =	rddreg [dreg:$0x1c];
	[sflag:s19] =	ssyncadd.s32 $0xFFFFA600  }
0x13a: {  	[hbm:s30], [sflag:s6] =	dma.local [spmem:s14], $0x5A00  }
0x13b: {  	_ =	swait.ge [sflag:s19], $0x5A00  }
0x13c: {  	[sflag:s19] =	ssyncset.done $0x0  }
0x13d: {  	s30 =	rddreg [dreg:$0x1d];
	[sflag:s19] =	ssyncadd.s32 $0xFFFFA600  }
0x13e: {  	[hbm:s30], [sflag:s6] =	dma.local [spmem:s17], $0x5A00  }
0x13f: {  	_ =	swait.ge [sflag:s19], $0x5A00  }
0x140: {  	[sflag:s19] =	ssyncset.done $0x0  }
0x141: {  	s30 =	rddreg [dreg:$0x1e];
	[sflag:s19] =	ssyncadd.s32 $0xFFFFA600  }
0x142: {  	[hbm:s30], [sflag:s6] =	dma.local [spmem:s24], $0x5A00  }
0x143: {  	_ =	swait.ge [sflag:s19], $0x5A00  }
0x144: {  	[sflag:s19] =	ssyncset.done $0x0  }
0x145: {  	[sflag:s19] =	ssyncadd.s32 $0xFFFFA600  }
0x146: {  	[spmem:s28], [sflag:s6] =	dma.local [hbm:s1], $0x3880  }
0x147: {  	_ =	swait.ge [sflag:s19], $0x3880  }
0x148: {  	s30 =	sld [smem:$0x7E0]  }
0x149: {  	[sflag:s19] =	ssyncset.done $0x0  }
0x14a: {  	[sflag:s19] =	ssyncadd.s32 $0xFFFFC780  }
0x14b: {  	[spmem:s30], [sflag:s6] =	dma.local [hbm:s1], $0x3880  }
0x14c: {  	_ =	swait.ge [sflag:s19], $0x3880  }
0x14d: {  	s30 =	sld [smem:$0x7E1]  }
0x14e: {  	[sflag:s19] =	ssyncset.done $0x0  }
0x14f: {  	[sflag:s19] =	ssyncadd.s32 $0xFFFFC780  }
0x150: {  	[spmem:s30], [sflag:s6] =	dma.local [hbm:s1], $0x3880  }
0x151: {  	_ =	swait.ge [sflag:s19], $0x3880  }
0x152: {  	[sflag:s19] =	ssyncset.done $0x0  }
0x153: {  	[sflag:s19] =	ssyncadd.s32 $0xFFFFC780  }
0x154: {  	[spmem:s31], [sflag:s6] =	dma.local [hbm:s1], $0x3880  }
0x155: {  	_ =	swait.ge [sflag:s19], $0x3880  }
0x156: {  	[sflag:s19] =	ssyncset.done $0x0  }
0x157: {  	[sflag:s19] =	ssyncadd.s32 $0xFFFFC780  }
0x158: {  	[spmem:s0], [sflag:s6] =	dma.local [hbm:s1], $0x3880  }
0x159: {  	_ =	swait.ge [sflag:s19], $0x3880  }
0x15a: {  	[sflag:s19] =	ssyncset.done $0x0  }
0x15b: {  	[sflag:s19] =	ssyncadd.s32 $0xFFFFC780  }
0x15c: {  	[spmem:s7], [sflag:s6] =	dma.local [hbm:s1], $0x3880  }
0x15d: {  	_ =	swait.ge [sflag:s19], $0x3880  }
0x15e: {  	[sflag:s19] =	ssyncset.done $0x0  }
0x15f: {  	[sflag:s19] =	ssyncadd.s32 $0xFFFFC780  }
0x160: {  	[spmem:s8], [sflag:s6] =	dma.local [hbm:s1], $0x3880  }
0x161: {  	_ =	swait.ge [sflag:s19], $0x3880  }
0x162: {  	[sflag:s19] =	ssyncset.done $0x0  }
0x163: {  	[sflag:s19] =	ssyncadd.s32 $0xFFFFC780  }
0x164: {  	[spmem:s5], [sflag:s6] =	dma.local [hbm:s1], $0x3880  }
0x165: {  	_ =	swait.ge [sflag:s19], $0x3880  }
0x166: {  	s29 =	sld [smem:$0x7FA]  }
0x167: {  	[sflag:s19] =	ssyncset.done $0x0  }
0x168: {  	[sflag:s19] =	ssyncadd.s32 $0xFFFFC780  }
0x169: {  	[tilespmem:s20], [sflag:$0x1] =	stream.linear.gather [hbm4b:s29+s3], $0x8000, $0x38;
	[tilespmem:$0x16300] =	vst v63  }
0x16a: {  	_ =	swait.ge [sflag:s19], $0x8000  }
0x16b: {  	[sflag:s19] =	ssyncset.done $0x0  }
0x16c: {  	s30 =	sadd.s32 $0x0, s12;
	[sflag:s19] =	ssyncadd.s32 $0xFFFF8000  }
0x16d: {  	[tilespmem:s21], [sflag:$0x1] =	stream.linear.gather [hbm4b:s30+s3], $0x100, $0x38;
	[tilespmem:$0x16300] =	vst v63  }
0x16e: {  	_ =	swait.ge [sflag:s19], $0x100  }
0x16f: {  	[sflag:s19] =	ssyncset.done $0x0  }
0x170: {  	[sflag:s19] =	ssyncadd.s32 $0xFFFFFF00  }
0x171: {  	[spmem:s2] =	stream.indirect.scatter.add.f32 [tilespmem:s20], [sflag:$0x1], $0x80, s21, s22, $0xb8;
	[tilespmem:$0x16300] =	vst v63  }
0x172: {  	_ =	swait.ge [sflag:s19], $0x4000  }
0x173: {  	[sflag:s19] =	ssyncset.done $0x0  }
0x174: {  	[sflag:s19] =	ssyncadd.s32 $0xFFFFC000  }
0x175: {  	[spmem:s2] =	stream.indirect.scatter.add.f32 [tilespmem:s25], [sflag:$0x1], $0x80, s23, s22, $0xb8;
	[tilespmem:$0x16300] =	vst v63  }
0x176: {  	_ =	swait.ge [sflag:s19], $0x4000  }
0x177: {  	s26 =	simm.s32 $0x20;
	[sflag:s19] =	ssyncset.done $0x0  }
.LBB2_9:
0x178: {  	p1 =	seq.s32 s26, $0x3E0;
	[sflag:s19] =	ssyncadd.s32 $0xFFFFC000;
	s29 =	sadd.s32 $0x1000, s29  }
0x179: {  	[tilespmem:s20], [sflag:$0x1] =	stream.linear.gather [hbm4b:s29+s3], $0x8000, $0x38;
	[tilespmem:$0x16300] =	vst v63  }
0x17a: {  	s30 =	smov.u32 s26;
	s26 =	sadd.s32 $0x20, s26;
	_ =	swait.ge [sflag:s19], $0x8000  }
0x17b: {  	[sflag:s19] =	ssyncset.done $0x0  }
0x17c: {  	s30 =	sadd.s32 s30, s12;
	[sflag:s19] =	ssyncadd.s32 $0xFFFF8000  }
0x17d: {  	[tilespmem:s21], [sflag:$0x1] =	stream.linear.gather [hbm4b:s30+s3], $0x100, $0x38;
	[tilespmem:$0x16300] =	vst v63  }
0x17e: {  	_ =	swait.ge [sflag:s19], $0x100  }
0x17f: {  	[sflag:s19] =	ssyncset.done $0x0  }
0x180: {  	[sflag:s19] =	ssyncadd.s32 $0xFFFFFF00  }
0x181: {  	[spmem:s2] =	stream.indirect.scatter.add.f32 [tilespmem:s20], [sflag:$0x1], $0x80, s21, s22, $0xb8;
	[tilespmem:$0x16300] =	vst v63  }
0x182: {  	_ =	swait.ge [sflag:s19], $0x4000  }
.Ltmp4:
0x183: {  	[sflag:s19] =	ssyncset.done $0x0;
	(pc) =	sbr.rel @!p1 .LBB2_9-.Ltmp4, $4  }
0x184: {  	[sflag:s19] =	ssyncadd.s32 $0xFFFFC000  }
0x185: {  	[spmem:s2] =	stream.indirect.scatter.add.f32 [tilespmem:s25], [sflag:$0x1], $0x80, s23, s22, $0xb8;
	[tilespmem:$0x16300] =	vst v63  }
0x186: {  	_ =	swait.ge [sflag:s19], $0x4000  }
0x187: {  	[sflag:s19] =	ssyncset.done $0x0  }
0x188: {  	[sflag:s19] =	ssyncadd.s32 $0xFFFFC000;
	s26 =	rddreg [dreg:$0x1f]  }
0x189: {  	[hbm:s26], [sflag:s6] =	dma.local [spmem:s28], $0x5A00  }
0x18a: {  	_ =	swait.ge [sflag:s19], $0x5A00  }
0x18b: {  	s30 =	sld [smem:$0x7E2]  }
0x18c: {  	[sflag:s19] =	ssyncset.done $0x0  }
0x18d: {  	[sflag:s19] =	ssyncadd.s32 $0xFFFFA600  }
0x18e: {  	[hbm:s30], [sflag:s6] =	dma.local [spmem:s11], $0x5A00  }
0x18f: {  	_ =	swait.ge [sflag:s19], $0x5A00  }
0x190: {  	s30 =	sld [smem:$0x7E3]  }
0x191: {  	[sflag:s19] =	ssyncset.done $0x0  }
0x192: {  	[sflag:s19] =	ssyncadd.s32 $0xFFFFA600  }
0x193: {  	[hbm:s30], [sflag:s6] =	dma.local [spmem:s14], $0x5A00  }
0x194: {  	_ =	swait.ge [sflag:s19], $0x5A00  }
0x195: {  	s30 =	sld [smem:$0x7E4]  }
0x196: {  	[sflag:s19] =	ssyncset.done $0x0  }
0x197: {  	[sflag:s19] =	ssyncadd.s32 $0xFFFFA600  }
0x198: {  	[hbm:s30], [sflag:s6] =	dma.local [spmem:s17], $0x5A00  }
0x199: {  	_ =	swait.ge [sflag:s19], $0x5A00  }
0x19a: {  	s30 =	sld [smem:$0x7E5]  }
0x19b: {  	[sflag:s19] =	ssyncset.done $0x0  }
0x19c: {  	[sflag:s19] =	ssyncadd.s32 $0xFFFFA600  }
0x19d: {  	[hbm:s30], [sflag:s6] =	dma.local [spmem:s24], $0x5A00  }
0x19e: {  	_ =	swait.ge [sflag:s19], $0x5A00  }
0x19f: {  	[sflag:s19] =	ssyncset.done $0x0  }
0x1a0: {  	[sflag:s19] =	ssyncadd.s32 $0xFFFFA600  }
0x1a1: {  	[spmem:s28], [sflag:s6] =	dma.local [hbm:s1], $0x3880  }
0x1a2: {  	_ =	swait.ge [sflag:s19], $0x3880  }
0x1a3: {  	s30 =	sld [smem:$0x7E0]  }
0x1a4: {  	[sflag:s19] =	ssyncset.done $0x0  }
0x1a5: {  	[sflag:s19] =	ssyncadd.s32 $0xFFFFC780  }
0x1a6: {  	[spmem:s30], [sflag:s6] =	dma.local [hbm:s1], $0x3880  }
0x1a7: {  	_ =	swait.ge [sflag:s19], $0x3880  }
0x1a8: {  	s30 =	sld [smem:$0x7E1]  }
0x1a9: {  	[sflag:s19] =	ssyncset.done $0x0  }
0x1aa: {  	[sflag:s19] =	ssyncadd.s32 $0xFFFFC780  }
0x1ab: {  	[spmem:s30], [sflag:s6] =	dma.local [hbm:s1], $0x3880  }
0x1ac: {  	_ =	swait.ge [sflag:s19], $0x3880  }
0x1ad: {  	[sflag:s19] =	ssyncset.done $0x0  }
0x1ae: {  	[sflag:s19] =	ssyncadd.s32 $0xFFFFC780  }
0x1af: {  	[spmem:s31], [sflag:s6] =	dma.local [hbm:s1], $0x3880  }
0x1b0: {  	_ =	swait.ge [sflag:s19], $0x3880  }
0x1b1: {  	[sflag:s19] =	ssyncset.done $0x0  }
0x1b2: {  	[sflag:s19] =	ssyncadd.s32 $0xFFFFC780  }
0x1b3: {  	[spmem:s0], [sflag:s6] =	dma.local [hbm:s1], $0x3880  }
0x1b4: {  	_ =	swait.ge [sflag:s19], $0x3880  }
0x1b5: {  	[sflag:s19] =	ssyncset.done $0x0  }
0x1b6: {  	[sflag:s19] =	ssyncadd.s32 $0xFFFFC780  }
0x1b7: {  	[spmem:s7], [sflag:s6] =	dma.local [hbm:s1], $0x3880  }
0x1b8: {  	_ =	swait.ge [sflag:s19], $0x3880  }
0x1b9: {  	[sflag:s19] =	ssyncset.done $0x0  }
0x1ba: {  	[sflag:s19] =	ssyncadd.s32 $0xFFFFC780  }
0x1bb: {  	[spmem:s8], [sflag:s6] =	dma.local [hbm:s1], $0x3880  }
0x1bc: {  	_ =	swait.ge [sflag:s19], $0x3880  }
0x1bd: {  	[sflag:s19] =	ssyncset.done $0x0  }
0x1be: {  	[sflag:s19] =	ssyncadd.s32 $0xFFFFC780  }
0x1bf: {  	[spmem:s5], [sflag:s6] =	dma.local [hbm:s1], $0x3880  }
0x1c0: {  	_ =	swait.ge [sflag:s19], $0x3880  }
0x1c1: {  	s29 =	sld [smem:$0x7FB]  }
0x1c2: {  	[sflag:s19] =	ssyncset.done $0x0  }
0x1c3: {  	[sflag:s19] =	ssyncadd.s32 $0xFFFFC780  }
0x1c4: {  	[tilespmem:s20], [sflag:$0x1] =	stream.linear.gather [hbm4b:s29+s3], $0x8000, $0x38;
	[tilespmem:$0x16300] =	vst v63  }
0x1c5: {  	_ =	swait.ge [sflag:s19], $0x8000  }
0x1c6: {  	[sflag:s19] =	ssyncset.done $0x0  }
0x1c7: {  	s30 =	sadd.s32 $0x0, s13;
	[sflag:s19] =	ssyncadd.s32 $0xFFFF8000  }
0x1c8: {  	[tilespmem:s21], [sflag:$0x1] =	stream.linear.gather [hbm4b:s30+s3], $0x100, $0x38;
	[tilespmem:$0x16300] =	vst v63  }
0x1c9: {  	_ =	swait.ge [sflag:s19], $0x100  }
0x1ca: {  	[sflag:s19] =	ssyncset.done $0x0  }
0x1cb: {  	[sflag:s19] =	ssyncadd.s32 $0xFFFFFF00  }
0x1cc: {  	[spmem:s2] =	stream.indirect.scatter.add.f32 [tilespmem:s20], [sflag:$0x1], $0x80, s21, s22, $0xb8;
	[tilespmem:$0x16300] =	vst v63  }
0x1cd: {  	_ =	swait.ge [sflag:s19], $0x4000  }
0x1ce: {  	[sflag:s19] =	ssyncset.done $0x0  }
0x1cf: {  	[sflag:s19] =	ssyncadd.s32 $0xFFFFC000  }
0x1d0: {  	[spmem:s2] =	stream.indirect.scatter.add.f32 [tilespmem:s25], [sflag:$0x1], $0x80, s23, s22, $0xb8;
	[tilespmem:$0x16300] =	vst v63  }
0x1d1: {  	_ =	swait.ge [sflag:s19], $0x4000  }
0x1d2: {  	s26 =	simm.s32 $0x20;
	[sflag:s19] =	ssyncset.done $0x0  }
.LBB2_11:
0x1d3: {  	p1 =	seq.s32 s26, $0x3E0;
	[sflag:s19] =	ssyncadd.s32 $0xFFFFC000;
	s29 =	sadd.s32 $0x1000, s29  }
0x1d4: {  	[tilespmem:s20], [sflag:$0x1] =	stream.linear.gather [hbm4b:s29+s3], $0x8000, $0x38;
	[tilespmem:$0x16300] =	vst v63  }
0x1d5: {  	s30 =	smov.u32 s26;
	s26 =	sadd.s32 $0x20, s26;
	_ =	swait.ge [sflag:s19], $0x8000  }
0x1d6: {  	[sflag:s19] =	ssyncset.done $0x0  }
0x1d7: {  	s30 =	sadd.s32 s30, s13;
	[sflag:s19] =	ssyncadd.s32 $0xFFFF8000  }
0x1d8: {  	[tilespmem:s21], [sflag:$0x1] =	stream.linear.gather [hbm4b:s30+s3], $0x100, $0x38;
	[tilespmem:$0x16300] =	vst v63  }
0x1d9: {  	_ =	swait.ge [sflag:s19], $0x100  }
0x1da: {  	[sflag:s19] =	ssyncset.done $0x0  }
0x1db: {  	[sflag:s19] =	ssyncadd.s32 $0xFFFFFF00  }
0x1dc: {  	[spmem:s2] =	stream.indirect.scatter.add.f32 [tilespmem:s20], [sflag:$0x1], $0x80, s21, s22, $0xb8;
	[tilespmem:$0x16300] =	vst v63  }
0x1dd: {  	_ =	swait.ge [sflag:s19], $0x4000  }
.Ltmp5:
0x1de: {  	[sflag:s19] =	ssyncset.done $0x0;
	(pc) =	sbr.rel @!p1 .LBB2_11-.Ltmp5, $4  }
0x1df: {  	[sflag:s19] =	ssyncadd.s32 $0xFFFFC000  }
0x1e0: {  	[spmem:s2] =	stream.indirect.scatter.add.f32 [tilespmem:s25], [sflag:$0x1], $0x80, s23, s22, $0xb8;
	[tilespmem:$0x16300] =	vst v63  }
0x1e1: {  	_ =	swait.ge [sflag:s19], $0x4000  }
0x1e2: {  	[sflag:s19] =	ssyncset.done $0x0  }
0x1e3: {  	s26 =	sld [smem:$0x7E6];
	_ =	sdelay $0x1  }
0x1e4: {  	[sflag:s19] =	ssyncadd.s32 $0xFFFFC000  }
0x1e5: {  	[hbm:s26], [sflag:s6] =	dma.local [spmem:s28], $0x5A00  }
0x1e6: {  	_ =	swait.ge [sflag:s19], $0x5A00  }
0x1e7: {  	s30 =	sld [smem:$0x7E7]  }
0x1e8: {  	[sflag:s19] =	ssyncset.done $0x0  }
0x1e9: {  	[sflag:s19] =	ssyncadd.s32 $0xFFFFA600  }
0x1ea: {  	[hbm:s30], [sflag:s6] =	dma.local [spmem:s11], $0x5A00  }
0x1eb: {  	_ =	swait.ge [sflag:s19], $0x5A00  }
0x1ec: {  	s30 =	sld [smem:$0x7E8]  }
0x1ed: {  	[sflag:s19] =	ssyncset.done $0x0  }
0x1ee: {  	[sflag:s19] =	ssyncadd.s32 $0xFFFFA600  }
0x1ef: {  	[hbm:s30], [sflag:s6] =	dma.local [spmem:s14], $0x5A00  }
0x1f0: {  	_ =	swait.ge [sflag:s19], $0x5A00  }
0x1f1: {  	s30 =	sld [smem:$0x7E9]  }
0x1f2: {  	[sflag:s19] =	ssyncset.done $0x0  }
0x1f3: {  	[sflag:s19] =	ssyncadd.s32 $0xFFFFA600  }
0x1f4: {  	[hbm:s30], [sflag:s6] =	dma.local [spmem:s17], $0x5A00  }
0x1f5: {  	_ =	swait.ge [sflag:s19], $0x5A00  }
0x1f6: {  	s30 =	sld [smem:$0x7EA]  }
0x1f7: {  	[sflag:s19] =	ssyncset.done $0x0  }
0x1f8: {  	[sflag:s19] =	ssyncadd.s32 $0xFFFFA600  }
0x1f9: {  	[hbm:s30], [sflag:s6] =	dma.local [spmem:s24], $0x5A00  }
0x1fa: {  	_ =	swait.ge [sflag:s19], $0x5A00  }
0x1fb: {  	[sflag:s19] =	ssyncset.done $0x0  }
0x1fc: {  	[sflag:s19] =	ssyncadd.s32 $0xFFFFA600  }
0x1fd: {  	[spmem:s28], [sflag:s6] =	dma.local [hbm:s1], $0x3880  }
0x1fe: {  	_ =	swait.ge [sflag:s19], $0x3880  }
0x1ff: {  	s30 =	sld [smem:$0x7E0]  }
0x200: {  	[sflag:s19] =	ssyncset.done $0x0  }
0x201: {  	[sflag:s19] =	ssyncadd.s32 $0xFFFFC780  }
0x202: {  	[spmem:s30], [sflag:s6] =	dma.local [hbm:s1], $0x3880  }
0x203: {  	_ =	swait.ge [sflag:s19], $0x3880  }
0x204: {  	s30 =	sld [smem:$0x7E1]  }
0x205: {  	[sflag:s19] =	ssyncset.done $0x0  }
0x206: {  	[sflag:s19] =	ssyncadd.s32 $0xFFFFC780  }
0x207: {  	[spmem:s30], [sflag:s6] =	dma.local [hbm:s1], $0x3880  }
0x208: {  	_ =	swait.ge [sflag:s19], $0x3880  }
0x209: {  	[sflag:s19] =	ssyncset.done $0x0  }
0x20a: {  	[sflag:s19] =	ssyncadd.s32 $0xFFFFC780  }
0x20b: {  	[spmem:s31], [sflag:s6] =	dma.local [hbm:s1], $0x3880  }
0x20c: {  	_ =	swait.ge [sflag:s19], $0x3880  }
0x20d: {  	[sflag:s19] =	ssyncset.done $0x0  }
0x20e: {  	[sflag:s19] =	ssyncadd.s32 $0xFFFFC780  }
0x20f: {  	[spmem:s0], [sflag:s6] =	dma.local [hbm:s1], $0x3880  }
0x210: {  	_ =	swait.ge [sflag:s19], $0x3880  }
0x211: {  	[sflag:s19] =	ssyncset.done $0x0  }
0x212: {  	[sflag:s19] =	ssyncadd.s32 $0xFFFFC780  }
0x213: {  	[spmem:s7], [sflag:s6] =	dma.local [hbm:s1], $0x3880  }
0x214: {  	_ =	swait.ge [sflag:s19], $0x3880  }
0x215: {  	[sflag:s19] =	ssyncset.done $0x0  }
0x216: {  	[sflag:s19] =	ssyncadd.s32 $0xFFFFC780  }
0x217: {  	[spmem:s8], [sflag:s6] =	dma.local [hbm:s1], $0x3880  }
0x218: {  	_ =	swait.ge [sflag:s19], $0x3880  }
0x219: {  	[sflag:s19] =	ssyncset.done $0x0  }
0x21a: {  	[sflag:s19] =	ssyncadd.s32 $0xFFFFC780  }
0x21b: {  	[spmem:s5], [sflag:s6] =	dma.local [hbm:s1], $0x3880  }
0x21c: {  	_ =	swait.ge [sflag:s19], $0x3880  }
0x21d: {  	s29 =	sld [smem:$0x7FB]  }
0x21e: {  	[sflag:s19] =	ssyncset.done $0x0  }
0x21f: {  	[sflag:s19] =	ssyncadd.s32 $0xFFFFC780  }
0x220: {  	[tilespmem:s20], [sflag:$0x1] =	stream.linear.gather [hbm4b:s29+s3], $0x8000, $0x38;
	[tilespmem:$0x16300] =	vst v63  }
0x221: {  	_ =	swait.ge [sflag:s19], $0x8000  }
0x222: {  	[sflag:s19] =	ssyncset.done $0x0  }
0x223: {  	s30 =	sadd.s32 $0x0, s15;
	[sflag:s19] =	ssyncadd.s32 $0xFFFF8000  }
0x224: {  	[tilespmem:s21], [sflag:$0x1] =	stream.linear.gather [hbm4b:s30+s3], $0x100, $0x38;
	[tilespmem:$0x16300] =	vst v63  }
0x225: {  	_ =	swait.ge [sflag:s19], $0x100  }
0x226: {  	[sflag:s19] =	ssyncset.done $0x0  }
0x227: {  	[sflag:s19] =	ssyncadd.s32 $0xFFFFFF00  }
0x228: {  	[spmem:s2] =	stream.indirect.scatter.add.f32 [tilespmem:s20], [sflag:$0x1], $0x80, s21, s22, $0xb8;
	[tilespmem:$0x16300] =	vst v63  }
0x229: {  	_ =	swait.ge [sflag:s19], $0x4000  }
0x22a: {  	[sflag:s19] =	ssyncset.done $0x0  }
0x22b: {  	[sflag:s19] =	ssyncadd.s32 $0xFFFFC000  }
0x22c: {  	[spmem:s2] =	stream.indirect.scatter.add.f32 [tilespmem:s25], [sflag:$0x1], $0x80, s23, s22, $0xb8;
	[tilespmem:$0x16300] =	vst v63  }
0x22d: {  	_ =	swait.ge [sflag:s19], $0x4000  }
0x22e: {  	s26 =	simm.s32 $0x20;
	[sflag:s19] =	ssyncset.done $0x0  }
.LBB2_13:
0x22f: {  	p1 =	seq.s32 s26, $0x3E0;
	[sflag:s19] =	ssyncadd.s32 $0xFFFFC000;
	s29 =	sadd.s32 $0x1000, s29  }
0x230: {  	[tilespmem:s20], [sflag:$0x1] =	stream.linear.gather [hbm4b:s29+s3], $0x8000, $0x38;
	[tilespmem:$0x16300] =	vst v63  }
0x231: {  	s30 =	smov.u32 s26;
	s26 =	sadd.s32 $0x20, s26;
	_ =	swait.ge [sflag:s19], $0x8000  }
0x232: {  	[sflag:s19] =	ssyncset.done $0x0  }
0x233: {  	s30 =	sadd.s32 s30, s15;
	[sflag:s19] =	ssyncadd.s32 $0xFFFF8000  }
0x234: {  	[tilespmem:s21], [sflag:$0x1] =	stream.linear.gather [hbm4b:s30+s3], $0x100, $0x38;
	[tilespmem:$0x16300] =	vst v63  }
0x235: {  	_ =	swait.ge [sflag:s19], $0x100  }
0x236: {  	[sflag:s19] =	ssyncset.done $0x0  }
0x237: {  	[sflag:s19] =	ssyncadd.s32 $0xFFFFFF00  }
0x238: {  	[spmem:s2] =	stream.indirect.scatter.add.f32 [tilespmem:s20], [sflag:$0x1], $0x80, s21, s22, $0xb8;
	[tilespmem:$0x16300] =	vst v63  }
0x239: {  	_ =	swait.ge [sflag:s19], $0x4000  }
.Ltmp6:
0x23a: {  	[sflag:s19] =	ssyncset.done $0x0;
	(pc) =	sbr.rel @!p1 .LBB2_13-.Ltmp6, $4  }
0x23b: {  	[sflag:s19] =	ssyncadd.s32 $0xFFFFC000  }
0x23c: {  	[spmem:s2] =	stream.indirect.scatter.add.f32 [tilespmem:s25], [sflag:$0x1], $0x80, s23, s22, $0xb8;
	[tilespmem:$0x16300] =	vst v63  }
0x23d: {  	_ =	swait.ge [sflag:s19], $0x4000  }
0x23e: {  	[sflag:s19] =	ssyncset.done $0x0  }
0x23f: {  	s26 =	sld [smem:$0x7EB];
	_ =	sdelay $0x1  }
0x240: {  	[sflag:s19] =	ssyncadd.s32 $0xFFFFC000  }
0x241: {  	[hbm:s26], [sflag:s6] =	dma.local [spmem:s28], $0x5A00  }
0x242: {  	_ =	swait.ge [sflag:s19], $0x5A00  }
0x243: {  	s30 =	sld [smem:$0x7EC]  }
0x244: {  	[sflag:s19] =	ssyncset.done $0x0  }
0x245: {  	[sflag:s19] =	ssyncadd.s32 $0xFFFFA600  }
0x246: {  	[hbm:s30], [sflag:s6] =	dma.local [spmem:s11], $0x5A00  }
0x247: {  	_ =	swait.ge [sflag:s19], $0x5A00  }
0x248: {  	s30 =	sld [smem:$0x7ED]  }
0x249: {  	[sflag:s19] =	ssyncset.done $0x0  }
0x24a: {  	[sflag:s19] =	ssyncadd.s32 $0xFFFFA600  }
0x24b: {  	[hbm:s30], [sflag:s6] =	dma.local [spmem:s14], $0x5A00  }
0x24c: {  	_ =	swait.ge [sflag:s19], $0x5A00  }
0x24d: {  	s30 =	sld [smem:$0x7F3]  }
0x24e: {  	[sflag:s19] =	ssyncset.done $0x0  }
0x24f: {  	[sflag:s19] =	ssyncadd.s32 $0xFFFFA600  }
0x250: {  	[hbm:s30], [sflag:s6] =	dma.local [spmem:s17], $0x5A00  }
0x251: {  	_ =	swait.ge [sflag:s19], $0x5A00  }
0x252: {  	s30 =	sld [smem:$0x7EE]  }
0x253: {  	[sflag:s19] =	ssyncset.done $0x0  }
0x254: {  	[sflag:s19] =	ssyncadd.s32 $0xFFFFA600  }
0x255: {  	[hbm:s30], [sflag:s6] =	dma.local [spmem:s24], $0x5A00  }
0x256: {  	_ =	swait.ge [sflag:s19], $0x5A00  }
0x257: {  	[sflag:s19] =	ssyncset.done $0x0  }
0x258: {  	[sflag:s19] =	ssyncadd.s32 $0xFFFFA600  }
0x259: {  	[spmem:s28], [sflag:s6] =	dma.local [hbm:s1], $0x3880  }
0x25a: {  	_ =	swait.ge [sflag:s19], $0x3880  }
0x25b: {  	s30 =	sld [smem:$0x7E0]  }
0x25c: {  	[sflag:s19] =	ssyncset.done $0x0  }
0x25d: {  	[sflag:s19] =	ssyncadd.s32 $0xFFFFC780  }
0x25e: {  	[spmem:s30], [sflag:s6] =	dma.local [hbm:s1], $0x3880  }
0x25f: {  	_ =	swait.ge [sflag:s19], $0x3880  }
0x260: {  	s30 =	sld [smem:$0x7E1]  }
0x261: {  	[sflag:s19] =	ssyncset.done $0x0  }
0x262: {  	[sflag:s19] =	ssyncadd.s32 $0xFFFFC780  }
0x263: {  	[spmem:s30], [sflag:s6] =	dma.local [hbm:s1], $0x3880  }
0x264: {  	_ =	swait.ge [sflag:s19], $0x3880  }
0x265: {  	[sflag:s19] =	ssyncset.done $0x0  }
0x266: {  	[sflag:s19] =	ssyncadd.s32 $0xFFFFC780  }
0x267: {  	[spmem:s31], [sflag:s6] =	dma.local [hbm:s1], $0x3880  }
0x268: {  	_ =	swait.ge [sflag:s19], $0x3880  }
0x269: {  	[sflag:s19] =	ssyncset.done $0x0  }
0x26a: {  	[sflag:s19] =	ssyncadd.s32 $0xFFFFC780  }
0x26b: {  	[spmem:s0], [sflag:s6] =	dma.local [hbm:s1], $0x3880  }
0x26c: {  	_ =	swait.ge [sflag:s19], $0x3880  }
0x26d: {  	[sflag:s19] =	ssyncset.done $0x0  }
0x26e: {  	[sflag:s19] =	ssyncadd.s32 $0xFFFFC780  }
0x26f: {  	[spmem:s7], [sflag:s6] =	dma.local [hbm:s1], $0x3880  }
0x270: {  	_ =	swait.ge [sflag:s19], $0x3880  }
0x271: {  	[sflag:s19] =	ssyncset.done $0x0  }
0x272: {  	[sflag:s19] =	ssyncadd.s32 $0xFFFFC780  }
0x273: {  	[spmem:s8], [sflag:s6] =	dma.local [hbm:s1], $0x3880  }
0x274: {  	_ =	swait.ge [sflag:s19], $0x3880  }
0x275: {  	[sflag:s19] =	ssyncset.done $0x0  }
0x276: {  	[sflag:s19] =	ssyncadd.s32 $0xFFFFC780  }
0x277: {  	[spmem:s5], [sflag:s6] =	dma.local [hbm:s1], $0x3880  }
0x278: {  	_ =	swait.ge [sflag:s19], $0x3880  }
0x279: {  	s29 =	sld [smem:$0x7FC]  }
0x27a: {  	[sflag:s19] =	ssyncset.done $0x0  }
0x27b: {  	[sflag:s19] =	ssyncadd.s32 $0xFFFFC780  }
0x27c: {  	[tilespmem:s20], [sflag:$0x1] =	stream.linear.gather [hbm4b:s29+s3], $0x8000, $0x38;
	[tilespmem:$0x16300] =	vst v63  }
0x27d: {  	_ =	swait.ge [sflag:s19], $0x8000  }
0x27e: {  	[sflag:s19] =	ssyncset.done $0x0  }
0x27f: {  	s30 =	sadd.s32 $0x0, s16;
	[sflag:s19] =	ssyncadd.s32 $0xFFFF8000  }
0x280: {  	[tilespmem:s21], [sflag:$0x1] =	stream.linear.gather [hbm4b:s30+s3], $0x100, $0x38;
	[tilespmem:$0x16300] =	vst v63  }
0x281: {  	_ =	swait.ge [sflag:s19], $0x100  }
0x282: {  	[sflag:s19] =	ssyncset.done $0x0  }
0x283: {  	[sflag:s19] =	ssyncadd.s32 $0xFFFFFF00  }
0x284: {  	[spmem:s2] =	stream.indirect.scatter.add.f32 [tilespmem:s20], [sflag:$0x1], $0x80, s21, s22, $0xb8;
	[tilespmem:$0x16300] =	vst v63  }
0x285: {  	_ =	swait.ge [sflag:s19], $0x4000  }
0x286: {  	[sflag:s19] =	ssyncset.done $0x0  }
0x287: {  	[sflag:s19] =	ssyncadd.s32 $0xFFFFC000  }
0x288: {  	[spmem:s2] =	stream.indirect.scatter.add.f32 [tilespmem:s25], [sflag:$0x1], $0x80, s23, s22, $0xb8;
	[tilespmem:$0x16300] =	vst v63  }
0x289: {  	_ =	swait.ge [sflag:s19], $0x4000  }
0x28a: {  	s26 =	simm.s32 $0x20;
	[sflag:s19] =	ssyncset.done $0x0  }
.LBB2_15:
0x28b: {  	p1 =	seq.s32 s26, $0x3E0;
	[sflag:s19] =	ssyncadd.s32 $0xFFFFC000;
	s29 =	sadd.s32 $0x1000, s29  }
0x28c: {  	[tilespmem:s20], [sflag:$0x1] =	stream.linear.gather [hbm4b:s29+s3], $0x8000, $0x38;
	[tilespmem:$0x16300] =	vst v63  }
0x28d: {  	s30 =	smov.u32 s26;
	s26 =	sadd.s32 $0x20, s26;
	_ =	swait.ge [sflag:s19], $0x8000  }
0x28e: {  	[sflag:s19] =	ssyncset.done $0x0  }
0x28f: {  	s30 =	sadd.s32 s30, s16;
	[sflag:s19] =	ssyncadd.s32 $0xFFFF8000  }
0x290: {  	[tilespmem:s21], [sflag:$0x1] =	stream.linear.gather [hbm4b:s30+s3], $0x100, $0x38;
	[tilespmem:$0x16300] =	vst v63  }
0x291: {  	_ =	swait.ge [sflag:s19], $0x100  }
0x292: {  	[sflag:s19] =	ssyncset.done $0x0  }
0x293: {  	[sflag:s19] =	ssyncadd.s32 $0xFFFFFF00  }
0x294: {  	[spmem:s2] =	stream.indirect.scatter.add.f32 [tilespmem:s20], [sflag:$0x1], $0x80, s21, s22, $0xb8;
	[tilespmem:$0x16300] =	vst v63  }
0x295: {  	_ =	swait.ge [sflag:s19], $0x4000  }
.Ltmp7:
0x296: {  	[sflag:s19] =	ssyncset.done $0x0;
	(pc) =	sbr.rel @!p1 .LBB2_15-.Ltmp7, $4  }
0x297: {  	[sflag:s19] =	ssyncadd.s32 $0xFFFFC000  }
0x298: {  	[spmem:s2] =	stream.indirect.scatter.add.f32 [tilespmem:s25], [sflag:$0x1], $0x80, s23, s22, $0xb8;
	[tilespmem:$0x16300] =	vst v63  }
0x299: {  	_ =	swait.ge [sflag:s19], $0x4000  }
0x29a: {  	[sflag:s19] =	ssyncset.done $0x0  }
0x29b: {  	s26 =	sld [smem:$0x7EF];
	_ =	sdelay $0x1  }
0x29c: {  	[sflag:s19] =	ssyncadd.s32 $0xFFFFC000  }
0x29d: {  	[hbm:s26], [sflag:s6] =	dma.local [spmem:s28], $0x5A00  }
0x29e: {  	_ =	swait.ge [sflag:s19], $0x5A00  }
0x29f: {  	s30 =	sld [smem:$0x7F0]  }
0x2a0: {  	[sflag:s19] =	ssyncset.done $0x0  }
0x2a1: {  	[sflag:s19] =	ssyncadd.s32 $0xFFFFA600  }
0x2a2: {  	[hbm:s30], [sflag:s6] =	dma.local [spmem:s11], $0x5A00  }
0x2a3: {  	_ =	swait.ge [sflag:s19], $0x5A00  }
0x2a4: {  	s30 =	sld [smem:$0x7F1]  }
0x2a5: {  	[sflag:s19] =	ssyncset.done $0x0  }
0x2a6: {  	[sflag:s19] =	ssyncadd.s32 $0xFFFFA600  }
0x2a7: {  	[hbm:s30], [sflag:s6] =	dma.local [spmem:s14], $0x5A00  }
0x2a8: {  	_ =	swait.ge [sflag:s19], $0x5A00  }
0x2a9: {  	s30 =	sld [smem:$0x7F2]  }
0x2aa: {  	[sflag:s19] =	ssyncset.done $0x0  }
0x2ab: {  	[sflag:s19] =	ssyncadd.s32 $0xFFFFA600  }
0x2ac: {  	[hbm:s30], [sflag:s6] =	dma.local [spmem:s17], $0x5A00  }
0x2ad: {  	_ =	swait.ge [sflag:s19], $0x5A00  }
0x2ae: {  	s30 =	sld [smem:$0x7F4]  }
0x2af: {  	[sflag:s19] =	ssyncset.done $0x0  }
0x2b0: {  	[sflag:s19] =	ssyncadd.s32 $0xFFFFA600  }
0x2b1: {  	[hbm:s30], [sflag:s6] =	dma.local [spmem:s24], $0x5A00  }
0x2b2: {  	_ =	swait.ge [sflag:s19], $0x5A00  }
0x2b3: {  	[sflag:s19] =	ssyncset.done $0x0  }
0x2b4: {  	[sflag:s19] =	ssyncadd.s32 $0xFFFFA600  }
0x2b5: {  	[spmem:s28], [sflag:s6] =	dma.local [hbm:s1], $0x3880  }
0x2b6: {  	_ =	swait.ge [sflag:s19], $0x3880  }
0x2b7: {  	s30 =	sld [smem:$0x7E0]  }
0x2b8: {  	[sflag:s19] =	ssyncset.done $0x0  }
0x2b9: {  	[sflag:s19] =	ssyncadd.s32 $0xFFFFC780  }
0x2ba: {  	[spmem:s30], [sflag:s6] =	dma.local [hbm:s1], $0x3880  }
0x2bb: {  	_ =	swait.ge [sflag:s19], $0x3880  }
0x2bc: {  	s30 =	sld [smem:$0x7E1]  }
0x2bd: {  	[sflag:s19] =	ssyncset.done $0x0  }
0x2be: {  	[sflag:s19] =	ssyncadd.s32 $0xFFFFC780  }
0x2bf: {  	[spmem:s30], [sflag:s6] =	dma.local [hbm:s1], $0x3880  }
0x2c0: {  	_ =	swait.ge [sflag:s19], $0x3880  }
0x2c1: {  	[sflag:s19] =	ssyncset.done $0x0  }
0x2c2: {  	[sflag:s19] =	ssyncadd.s32 $0xFFFFC780  }
0x2c3: {  	[spmem:s31], [sflag:s6] =	dma.local [hbm:s1], $0x3880  }
0x2c4: {  	_ =	swait.ge [sflag:s19], $0x3880  }
0x2c5: {  	[sflag:s19] =	ssyncset.done $0x0  }
0x2c6: {  	[sflag:s19] =	ssyncadd.s32 $0xFFFFC780  }
0x2c7: {  	[spmem:s0], [sflag:s6] =	dma.local [hbm:s1], $0x3880  }
0x2c8: {  	_ =	swait.ge [sflag:s19], $0x3880  }
0x2c9: {  	[sflag:s19] =	ssyncset.done $0x0  }
0x2ca: {  	[sflag:s19] =	ssyncadd.s32 $0xFFFFC780  }
0x2cb: {  	[spmem:s7], [sflag:s6] =	dma.local [hbm:s1], $0x3880  }
0x2cc: {  	_ =	swait.ge [sflag:s19], $0x3880  }
0x2cd: {  	[sflag:s19] =	ssyncset.done $0x0  }
0x2ce: {  	[sflag:s19] =	ssyncadd.s32 $0xFFFFC780  }
0x2cf: {  	[spmem:s8], [sflag:s6] =	dma.local [hbm:s1], $0x3880  }
0x2d0: {  	_ =	swait.ge [sflag:s19], $0x3880  }
0x2d1: {  	[sflag:s19] =	ssyncset.done $0x0  }
0x2d2: {  	[sflag:s19] =	ssyncadd.s32 $0xFFFFC780  }
0x2d3: {  	[spmem:s5], [sflag:s6] =	dma.local [hbm:s1], $0x3880  }
0x2d4: {  	_ =	swait.ge [sflag:s19], $0x3880  }
0x2d5: {  	s5 =	sld [smem:$0x7FC]  }
0x2d6: {  	[sflag:s19] =	ssyncset.done $0x0  }
0x2d7: {  	[sflag:s19] =	ssyncadd.s32 $0xFFFFC780  }
0x2d8: {  	[tilespmem:s20], [sflag:$0x1] =	stream.linear.gather [hbm4b:s5+s3], $0x8000, $0x38;
	[tilespmem:$0x16300] =	vst v63  }
0x2d9: {  	s29 =	sld [smem:$0x7FD];
	_ =	swait.ge [sflag:s19], $0x8000  }
0x2da: {  	[sflag:s19] =	ssyncset.done $0x0  }
0x2db: {  	s31 =	sadd.s32 $0x0, s18;
	[sflag:s19] =	ssyncadd.s32 $0xFFFF8000  }
0x2dc: {  	[tilespmem:s21], [sflag:$0x1] =	stream.linear.gather [hbm4b:s31+s3], $0x100, $0x38;
	[tilespmem:$0x16300] =	vst v63  }
0x2dd: {  	_ =	swait.ge [sflag:s19], $0x100  }
0x2de: {  	[sflag:s19] =	ssyncset.done $0x0  }
0x2df: {  	[sflag:s19] =	ssyncadd.s32 $0xFFFFFF00  }
0x2e0: {  	[spmem:s2] =	stream.indirect.scatter.add.f32 [tilespmem:s20], [sflag:$0x1], $0x80, s21, s22, $0xb8;
	[tilespmem:$0x16300] =	vst v63  }
0x2e1: {  	_ =	swait.ge [sflag:s19], $0x4000  }
0x2e2: {  	[sflag:s19] =	ssyncset.done $0x0  }
0x2e3: {  	[sflag:s19] =	ssyncadd.s32 $0xFFFFC000  }
0x2e4: {  	[spmem:s2] =	stream.indirect.scatter.add.f32 [tilespmem:s25], [sflag:$0x1], $0x80, s23, s22, $0xb8;
	[tilespmem:$0x16300] =	vst v63  }
0x2e5: {  	_ =	swait.ge [sflag:s19], $0x4000  }
0x2e6: {  	s0 =	simm.s32 $0x20;
	[sflag:s19] =	ssyncset.done $0x0  }
.LBB2_17:
0x2e7: {  	p1 =	seq.s32 s0, $0x3E0;
	[sflag:s19] =	ssyncadd.s32 $0xFFFFC000;
	s5 =	sadd.s32 $0x1000, s5  }
0x2e8: {  	[tilespmem:s20], [sflag:$0x1] =	stream.linear.gather [hbm4b:s5+s3], $0x8000, $0x38;
	[tilespmem:$0x16300] =	vst v63  }
0x2e9: {  	s7 =	smov.u32 s0;
	s0 =	sadd.s32 $0x20, s0;
	_ =	swait.ge [sflag:s19], $0x8000  }
0x2ea: {  	[sflag:s19] =	ssyncset.done $0x0  }
0x2eb: {  	s7 =	sadd.s32 s7, s18;
	[sflag:s19] =	ssyncadd.s32 $0xFFFF8000  }
0x2ec: {  	[tilespmem:s21], [sflag:$0x1] =	stream.linear.gather [hbm4b:s7+s3], $0x100, $0x38;
	[tilespmem:$0x16300] =	vst v63  }
0x2ed: {  	_ =	swait.ge [sflag:s19], $0x100  }
0x2ee: {  	[sflag:s19] =	ssyncset.done $0x0  }
0x2ef: {  	[sflag:s19] =	ssyncadd.s32 $0xFFFFFF00  }
0x2f0: {  	[spmem:s2] =	stream.indirect.scatter.add.f32 [tilespmem:s20], [sflag:$0x1], $0x80, s21, s22, $0xb8;
	[tilespmem:$0x16300] =	vst v63  }
0x2f1: {  	_ =	swait.ge [sflag:s19], $0x4000  }
.Ltmp8:
0x2f2: {  	[sflag:s19] =	ssyncset.done $0x0;
	(pc) =	sbr.rel @!p1 .LBB2_17-.Ltmp8, $4  }
0x2f3: {  	[sflag:s19] =	ssyncadd.s32 $0xFFFFC000  }
0x2f4: {  	[spmem:s2] =	stream.indirect.scatter.add.f32 [tilespmem:s25], [sflag:$0x1], $0x80, s23, s22, $0xb8;
	[tilespmem:$0x16300] =	vst v63  }
0x2f5: {  	_ =	swait.ge [sflag:s19], $0x4000  }
0x2f6: {  	[sflag:s19] =	ssyncset.done $0x0  }
0x2f7: {  	s5 =	sld [smem:$0x7DF]  }
0x2f8: {  	[sflag:s19] =	ssyncadd.s32 $0xFFFFC000;
	s0 =	rddreg [dreg:$0x5]  }
0x2f9: {  	[hbm:s0], [sflag:s6] =	dma.local [spmem:s28], $0x5A00  }
0x2fa: {  	_ =	swait.ge [sflag:s19], $0x5A00  }
0x2fb: {  	s8 =	sld [smem:$0x7F5]  }
0x2fc: {  	[sflag:s19] =	ssyncset.done $0x0  }
0x2fd: {  	[sflag:s19] =	ssyncadd.s32 $0xFFFFA600  }
0x2fe: {  	[hbm:s8], [sflag:s6] =	dma.local [spmem:s11], $0x5A00  }
0x2ff: {  	_ =	swait.ge [sflag:s19], $0x5A00  }
0x300: {  	s26 =	sld [smem:$0x7F7]  }
0x301: {  	[sflag:s19] =	ssyncset.done $0x0  }
0x302: {  	[sflag:s19] =	ssyncadd.s32 $0xFFFFA600  }
0x303: {  	[hbm:s26], [sflag:s6] =	dma.local [spmem:s14], $0x5A00  }
0x304: {  	_ =	swait.ge [sflag:s19], $0x5A00  }
0x305: {  	s28 =	sld [smem:$0x7F8]  }
0x306: {  	[sflag:s19] =	ssyncset.done $0x0  }
0x307: {  	[sflag:s19] =	ssyncadd.s32 $0xFFFFA600  }
0x308: {  	[hbm:s28], [sflag:s6] =	dma.local [spmem:s17], $0x5A00  }
0x309: {  	_ =	swait.ge [sflag:s19], $0x5A00  }
0x30a: {  	s30 =	sld [smem:$0x7F9]  }
0x30b: {  	[sflag:s19] =	ssyncset.done $0x0  }
0x30c: {  	[sflag:s19] =	ssyncadd.s32 $0xFFFFA600  }
0x30d: {  	[hbm:s30], [sflag:s6] =	dma.local [spmem:s24], $0x5A00  }
0x30e: {  	_ =	swait.ge [sflag:s19], $0x5A00  }
0x30f: {  	s31 =	sld [smem:$0x7F6];
	_ =	sdelay $0x1  }
0x310: {  	s5 =	sadd.s32 $0x1, s5  }
0x311: {  	p1 =	seq.s32 s5, s31  }
.Ltmp9:
0x312: {  	_ = 	snop;
	(pc) =	sbr.rel @!p1 .LBB2_2-.Ltmp9, $3  }
0x313: {  	_ =	sdelay $0x1  }
0x314: {  	[sflag:s19] =	ssyncset.done $0x0  }
0x315: {  	[sflag:s19] =	ssyncadd.s32 $0xFFFFA600  }
.LBB2_19:
0x316: {  	_ =	sfence.sel $0x180000  }
0x317: {  	[bflag:$0x0] =	sbarrier.arrive $0xFFFF  }
0x318: {  	_ =	strace $0x9000004A  }
0x319: {  	[bflag:$0x2] =	sbarrier.arrive $0xFFFF  }
0x31a: {  	s0 =	rddreg [dreg:$0x3]  }
0x31b: {  	s0 =	sadd.s32 @!p0 $0x100000, s0  }
0x31c: {  	[sflag:s0] =	ssyncadd.tile.s32 @!p0 $0x1;
	_ =	shalt  }
.Lfunc_end2:
_tile_overlayer_lowered:
.L_overlay_start_2:
0x31d: {  	(tag) =	ssettag $0x2  }
0x31e: {  	s0 =	rddreg [dreg:$0x0];
	s2 =	stileid.u32  }
0x31f: {  	s1 =	rddreg [dreg:$0x1];
	p0 =	sne.s32 s2, $0x0  }
0x320: {  	s3 =	rddreg [dreg:$0x2];
	[bflag:$0x3] =	sbarrier.arrive $0xFFFF;
	s2 =	simm.s32 @!p0 $0x1C01  }
0x321: {  	[timem:s3], [sflag:s2] =	dma.local @!p0 [hbm:s0], s1  }
0x322: {  	s0 =	simm.s32 @!p0 $0x1  }
0x323: {  	_ =	swait.ge @!p0 [sflag:s0], s1  }
0x324: {  	s1 =	ssub.s32 @!p0 $0x0, s1;
	[sflag:s0] =	ssyncset.done @!p0 $0x0  }
0x325: {  	[sflag:s0] =	ssyncadd.s32 @!p0 s1  }
0x326: {  	[bflag:$0x3] =	sbarrier.arrive $0xFFFF  }
0x327: {  	_ =	shalt  }

// kernel: scatter_offload_async_start
scs
__scs_entry_jumppad:
0x0: {  	(pc) =	sbr.rel $0x88, $3  }
0x1: {  	(tag) =	ssettag $0x0;
	lr =	simm.s32 $0x1  }
0x2: {  	[smem:$0x3F99] =	sst lr;
	_ =	strace $0xD0000000  }
0x3: {  	_ = 	snop  }
0x4: {  	_ = 	snop  }
0x5: {  	_ = 	snop  }
0x6: {  	_ = 	snop  }
0x7: {  	_ = 	snop  }
__scs_overlays_trampoline_lowered:
0x8: {  	[smem:$0x3FA8] =	sst s0  }
0x9: {  	[smem:$0x3FA9] =	sst s1  }
0xa: {  	[smem:$0x3FAA] =	sst s2  }
0xb: {  	[smem:$0x3FAB] =	sst s3  }
0xc: {  	[smem:$0x3FAC] =	sst s4  }
0xd: {  	[smem:$0x3FAD] =	sst s5  }
0xe: {  	[smem:$0x3FAE] =	sst s6  }
0xf: {  	[smem:$0x3FAF] =	sst s7  }
0x10: {  	[smem:$0x3FB0] =	sst s8  }
0x11: {  	[smem:$0x3FB1] =	sst s9;
	s0 =	simm.s32 @!p0 $0x0  }
0x12: {  	s1 =	sld [smem:$0x3F97];
	s0 =	simm.s32 @p0 $0x1  }
0x13: {  	[smem:$0x3FB2] =	sst s0;
	s0 =	simm.s32 @!p1 $0x0  }
0x14: {  	s2 =	sld [smem:$0x3F96];
	s0 =	simm.s32 @p1 $0x1  }
0x15: {  	[smem:$0x3FB3] =	sst s0;
	s0 =	simm.s32 @!p2 $0x0  }
0x16: {  	s3 =	sld [smem:$0x3FDB];
	s0 =	simm.s32 @p2 $0x1  }
0x17: {  	s4 =	simm.s32 $0x1BF5;
	[smem:$0x3FB5] =	sst s0  }
0x18: {  	s0 =	sld [smem:$0x3F98];
	_ =	swait.ge [sflag:s4], $0x0  }
0x19: {  	s7 =	sld [smem:$0x3F99]  }
0x1a: {  	s8 =	sadd.s32 $0xFFFFE003, lr  }
0x1b: {  	s9 =	sadd.s32 $0xFFFFFEF7, lr;
	s5 =	simm.s32 $0xFFFFFFFF;
	p2 =	slt.u32 s8, $0xFFFFF086  }
0x1c: {  	p1 =	slt.u32 s9, $0xF7A;
	s5 =	simm.s32 @!p2 $0x0  }
0x1d: {  	s5 =	simm.s32 @p1 $0x1;
	p0 =	seq.s32 s7, s2  }
0x1e: {  	s7 =	smul.u32 @!p0 $0xF7A, s2;
	p2 =	seq.s32 @!p0 s5, $0x0  }
0x1f: {  	s9 =	smul.u32 $0xF7A, s1;
	s8 =	simm.s32 @!p0 $0x1BF5;
	p2 =	por !p2, p0  }
0x20: {  	[sflag:s8] =	ssyncset.s32 @!p0 $0xFFFFF086;
	s6 =	sadd.s32 @!p0 s3, s7;
	s7 =	simm.s32 @!p0 $0x108  }
0x21: {  	s3 =	sadd.s32 s3, s9;
	s6 =	sadd.s32 @!p0 $0x88, s6;
	s7 =	simm.s32 @p2 $0x1082  }
0x22: {  	[simem:s7], [sflag:s8] =	dma.local @!p0 [hbm:s6], $0xF7A  }
0x23: {  	s9 =	sor.u32 $0xD0000000, s2;
	s6 =	simm.s32 $0x108;
	_ =	swait.ge @!p0 [sflag:s8], $0x0  }
0x24: {  	s3 =	sadd.s32 $0x88, s3;
	s6 =	simm.s32 @!p1 $0x1082;
	[sflag:s4] =	ssyncset.s32 $0xFFFFF086  }
0x25: {  	[simem:s6], [sflag:s4] =	dma.local [hbm:s3], $0xF7A  }
0x26: {  	[smem:$0x3F99] =	sst s1;
	(tag) =	ssettag s2;
	_ =	strace s9  }
0x27: {  	s1 =	sld [smem:$0x3FA9]  }
0x28: {  	s2 =	sld [smem:$0x3FAA]  }
0x29: {  	s4 =	sld [smem:$0x3FAC]  }
0x2a: {  	p0 =	seq.s32 s5, $0x0;
	s5 =	sld [smem:$0x3FAD]  }
0x2b: {  	s6 =	sld [smem:$0x3FAE]  }
0x2c: {  	s7 =	sld [smem:$0x3FAF]  }
0x2d: {  	s3 =	simm.s32 $0x108;
	s8 =	sld [smem:$0x3FB0]  }
0x2e: {  	s3 =	simm.s32 @!p0 $0x1082;
	s9 =	sld [smem:$0x3FB1]  }
0x2f: {  	lr =	sadd.s32 s0, s3;
	s0 =	sld [smem:$0x3FA8]  }
0x30: {  	s3 =	sld [smem:$0x3FAB]  }
0x31: {  	[smem:$0x3FB4] =	sst s10  }
0x32: {  	s10 =	sld [smem:$0x3FB2];
	_ =	sdelay $0x3  }
0x33: {  	p0 =	seq.s32 s10, $0x1;
	s10 =	sld [smem:$0x3FB4];
	_ =	sdelay $0x3  }
0x34: {  	[smem:$0x3FB4] =	sst s10  }
0x35: {  	s10 =	sld [smem:$0x3FB3];
	_ =	sdelay $0x3  }
0x36: {  	p1 =	seq.s32 s10, $0x1;
	s10 =	sld [smem:$0x3FB4];
	_ =	sdelay $0x3  }
0x37: {  	[smem:$0x3FB4] =	sst s10  }
0x38: {  	s10 =	sld [smem:$0x3FB5]  }
0x39: {  	_ = 	snop;
	(pc) =	sbr.ind lr, $3  }
0x3a: {  	_ = 	snop  }
0x3b: {  	_ = 	snop  }
0x3c: {  	p2 =	seq.s32 s10, $0x1;
	s10 =	sld [smem:$0x3FB4]  }
0x3d: {  	_ =	shalt  }
0x3e: {  	_ =	shalt  }
0x3f: {  	_ =	shalt  }
0x40: {  	_ =	shalt  }
0x41: {  	_ =	shalt  }
0x42: {  	_ =	shalt  }
0x43: {  	_ =	shalt  }
0x44: {  	_ =	shalt  }
0x45: {  	_ =	shalt  }
0x46: {  	_ =	shalt  }
0x47: {  	_ =	shalt  }
0x48: {  	_ =	shalt  }
0x49: {  	_ =	shalt  }
0x4a: {  	_ =	shalt  }
0x4b: {  	_ =	shalt  }
0x4c: {  	_ =	shalt  }
0x4d: {  	_ =	shalt  }
0x4e: {  	_ =	shalt  }
0x4f: {  	_ =	shalt  }
0x50: {  	_ =	shalt  }
0x51: {  	_ =	shalt  }
0x52: {  	_ =	shalt  }
0x53: {  	_ =	shalt  }
0x54: {  	_ =	shalt  }
0x55: {  	_ =	shalt  }
0x56: {  	_ =	shalt  }
0x57: {  	_ =	shalt  }
0x58: {  	_ =	shalt  }
0x59: {  	_ =	shalt  }
0x5a: {  	_ =	shalt  }
0x5b: {  	_ =	shalt  }
0x5c: {  	_ =	shalt  }
0x5d: {  	_ =	shalt  }
0x5e: {  	_ =	shalt  }
0x5f: {  	_ =	shalt  }
0x60: {  	_ =	shalt  }
0x61: {  	_ =	shalt  }
0x62: {  	_ =	shalt  }
0x63: {  	_ =	shalt  }
0x64: {  	_ =	shalt  }
0x65: {  	_ =	shalt  }
0x66: {  	_ =	shalt  }
0x67: {  	_ =	shalt  }
0x68: {  	_ =	shalt  }
0x69: {  	_ =	shalt  }
0x6a: {  	_ =	shalt  }
0x6b: {  	_ =	shalt  }
0x6c: {  	_ =	shalt  }
0x6d: {  	_ =	shalt  }
0x6e: {  	_ =	shalt  }
0x6f: {  	_ =	shalt  }
0x70: {  	_ =	shalt  }
0x71: {  	_ =	shalt  }
0x72: {  	_ =	shalt  }
0x73: {  	_ =	shalt  }
0x74: {  	_ =	shalt  }
0x75: {  	_ =	shalt  }
0x76: {  	_ =	shalt  }
0x77: {  	_ =	shalt  }
0x78: {  	_ =	shalt  }
0x79: {  	_ =	shalt  }
0x7a: {  	_ =	shalt  }
0x7b: {  	_ =	shalt  }
0x7c: {  	_ =	shalt  }
0x7d: {  	_ =	shalt  }
0x7e: {  	_ =	shalt  }
0x7f: {  	_ =	shalt  }
0x80: {  	_ =	shalt  }
0x81: {  	_ =	shalt  }
0x82: {  	_ =	shalt  }
0x83: {  	_ =	shalt  }
0x84: {  	_ =	shalt  }
0x85: {  	_ =	shalt  }
0x86: {  	_ =	shalt  }
0x87: {  	_ =	shalt  }
.Lfunc_end0:
.L_simem_size_0:
called_computation_lowered:
.L_overlay_start_0:
0x88: {  	s0 =	sld [smem:$0x3FD9]  }
0x89: {  	s1 =	sld [smem:$0x3FFE];
	_ =	sdelay $0x3  }
0x8a: {  	s0 =	sadd.s32 s1, s0  }
0x8b: {  	[smem:$0x3FC0] =	sst s0  }
0x8c: {  	_ = 	snop  }
0x8d: {  	(tm) =	ssettm $0x1  }
0x8e: {  	s15 =	sld [smem:$0x3FFB];
	_ =	sdelay $0x3  }
0x8f: {  	_ =	strace s15  }
0x90: {  	s0 =	sld [smem:$0x3FFC];
	_ =	sdelay $0x3  }
0x91: {  	_ =	strace s0  }
0x92: {  	s0 =	sld [smem:$0x3FFD];
	_ =	sdelay $0x3  }
0x93: {  	_ =	strace s0  }
0x94: {  	_ =	strace $0x8FFFFFFF  }
0x95: {  	s16 =	sld [smem:$0x3FDB];
	_ =	sdelay $0x1  }
0x96: {  	s17 =	simm.s32 $_scs_section_size  }
0x97: {  	s2 =	simm.s32 $_size__tile_overlayer_lowered;
	s3 =	simm.s32 $_tile_overlayer_lowered  }
0x98: {  	s20 =	simm.s32 $0x1BFF;
	s19 =	sshll.u32 s3, $0x1;
	s0 =	sadd.s32 s17, s16  }
0x99: {  	s4 =	simm.s32 $0x0;
	s18 =	sshll.u32 s2, $0x1;
	s2 =	sadd.s32 s19, s0  }
0x9a: {  	[timem:s4], [sflag:s20] =	dma.local [hbm:s2], s18  }
0x9b: {  	_ =	swait.ge [sflag:s20], s18  }
0x9c: {  	s1 =	ssub.s32 $0x0, s18;
	[sflag:s20] =	ssyncset.done $0x0  }
0x9d: {  	[sflag:s20] =	ssyncadd.s32 s1;
	_ =	sdelay $0x1  }
0x9e: {  	s21 =	simm.s32 $0x1B8B  }
0x9f: {  	_ =	swait.ge [sflag:s21], $0x1  }
0xa0: {  	[sflag:s21] =	ssyncset.done $0x0  }
0xa1: {  	s23 =	simm.s32 $0x1B8E;
	s22 =	sld [smem:$0x3FFE];
	[sflag:s21] =	ssyncadd.s32 $0xFFFFFFFF  }
0xa2: {  	s24 =	simm.s32 $execute0_lowered;
	[smem:$0x3FD2] =	sst s23  }
0xa3: {  	s2 =	sshll.u32 s24, $0x1;
	_ =	strace $0x8000004F;
	[dreg:$0x1] =	wrdreg $0xFFFFFFFF  }
0xa4: {  	s25 =	simm.s32 $_size_execute0_lowered;
	s0 =	sadd.s32 s0, s2;
	[dreg:$0x0] =	wrdreg $0x0  }
0xa5: {  	s2 =	sshll.u32 s25, $0x1;
	[dreg:$0x2] =	wrdreg s0  }
0xa6: {  	[dreg:$0x3] =	wrdreg s2  }
0xa7: {  	[dreg:$0x4] =	wrdreg $0xC0  }
0xa8: {  	_ =	task [dreg:s4], $0x5FFFF  }
0xa9: {  	[dreg:$0x1] =	wrdreg $0xFFFFFFFF  }
0xaa: {  	[dreg:$0x0] =	wrdreg $0x60  }
0xab: {  	[dreg:$0x2] =	wrdreg s22  }
0xac: {  	[dreg:$0x3] =	wrdreg $0x9  }
0xad: {  	_ =	task.clear_ibuf [dreg:s4], $0x4FFFF;
	_ =	strace $0x9000004F  }
0xae: {  	s26 =	simm.s32 $0x9;
	_ =	strace $0x80000051  }
0xaf: {  	_ =	swait.ge [sflag:s26], $0x1  }
0xb0: {  	[sflag:s26] =	ssyncadd.s32 $0xFFFFFFFF  }
0xb1: {  	_ =	strace $0x90000051  }
0xb2: {  	_ =	sfence  }
0xb3: {  	s28 =	sld [smem:$0x0];
	_ =	sdelay $0x1  }
0xb4: {  	s29 =	srdreg.scid  }
0xb5: {  	s30 =	sshll.u32 s29, $0xD;
	s31 =	sshrl.u32 s29, $0x2  }
0xb6: {  	s1 =	sand.u32 $0x1, s29;
	s2 =	sand.u32 $0x4000, s30;
	s0 =	sadd.s32 s31, s28  }
0xb7: {  	s1 =	sor.u32 s2, s1;
	s0 =	sshll.u32 s0, $0x11  }
0xb8: {  	s0 =	sor.u32 s0, s1  }
0xb9: {  	s0 =	sadd.s32 $0x8F2B, s0  }
0xba: {  	[sflag:s0] =	ssyncadd.remote.s32 $0x1  }
0xbb: {  	_ =	sfence.sel $0xFFFF  }
0xbc: {  	[dreg:$0x0] =	wrdreg $0xFFFFFFFF;
	(pc) =	sbr.abs _section_cstart, $3  }
0xbd: {  	[dreg:$0x1] =	wrdreg $0xFFFFFFFF  }
0xbe: {  	_ =	task.clear_ibuf [dreg:s4], $0x2FFFF;
	_ =	strace $0x9FFFFFFF  }
0xbf: {  	(tm) =	ssettm $0x7FFFFFFF  }
tec
execute0_lowered:
.L_overlay_start_1:
0x0: {  	(tag) =	ssettag $0x1  }
0x1: {  	s3 =	rddreg [dreg:$0x0];
	_ =	strace $0x80000050;
	s4 =	simm.s32 $0x1  }
0x2: {  	v1 =	vimm.s32 $0xFFFFFFFF;
	[sflag:s4] =	ssyncpa.u1 $0x0  }
0x3: {  	[tilespmem:$0x10] =	vst v1  }
0x4: {  	v0 =	vimm.f32 $0.0e+00;
	[tilespmem:$0x20] =	vst v1  }
0x5: {  	[tilespmem:$0x30] =	vst v0  }
0x6: {  	s0 =	simm.s32 $0x2;
	s6 =	simm.s32 $0x7;
	[tilespmem:$0x40] =	vst v0  }
0x7: {  	s2 =	stileid.u32;
	s7 =	simm.s32 $0x8;
	s31 =	simm.s32 $0x9;
	[tilespmem:$0x50] =	vst v0  }
0x8: {  	s14 =	simm.s32 $0x0;
	s15 =	simm.s32 $0x100;
	s18 =	simm.s32 $0x10;
	[tilespmem:$0x60] =	vst v1  }
0x9: {  	s19 =	simm.s32 $0x4900;
	s20 =	simm.s32 $0xF;
	s21 =	simm.s32 $0x50;
	[tilespmem:$0x70] =	vst v1  }
0xa: {  	s22 =	simm.s32 $0x20FF;
	s23 =	simm.s32 $0x20;
	s24 =	simm.s32 $0x30;
	[tilespmem:$0x80] =	vst v1  }
0xb: {  	s25 =	simm.s32 $0x40FF;
	s26 =	simm.s32 $0x80;
	s30 =	simm.s32 $0x0;
	v1 =	vimm.s32 $0x0;
	[tilespmem:$0xB0] =	vst v0  }
.Ltmp0:
0xc: {  	s29 =	simm.s32 $0x0;
	s1 =	sadd.s32 $0x2000, s3;
	[tilespmem:$0x90] =	vst v1;
	(pc) =	sbr.rel .LBB2_1-.Ltmp0, $4  }
0xd: {  	s5 =	sadd.s32 $0x1000, s3;
	s8 =	sshll.u32 s2, $0xB;
	[tilespmem:$0xA0] =	vst v1;
	[sflag:s0] =	ssyncpa.u1 $0x0  }
0xe: {  	s10 =	sshll.u32 s2, $0x1;
	s12 =	sshllo.u32 s2, $0x1;
	[sflag:s6] =	ssyncpa.u1 $0x0  }
0xf: {  	vm0 =	vmmov $0xffff;
	v2 =	vlaneseq.u32;
	s9 =	sadd.s32 $0x800, s8;
	s11 =	sor.u32 $0x81, s10;
	[sflag:s7] =	ssyncpa.u1 $0x0  }
0x10: {  	vm1 =	vmxor vm1, vm1;
	vm2 =	vmmov $0x1;
	vm3 =	vcmask $0x3F3C;
	s13 =	sor.u32 $0x80, s10;
	s28 =	smov.u32 s8;
	[sflag:s31] =	ssyncpa.u1 $0x0  }
.LBB2_3:
0x11: {  	s0 =	sshrl.u32 s28, $0x3  }
0x12: {  	s2 =	sand.u32 $0x7, s28;
	s0 =	sadd.s32 s3, s0  }
0x13: {  	[tilespmem:s15], [sflag:$0x7] =	stream.linear.gather [hbm4b:s0+s2], $0x800, $0x38;
	[tilespmem:$0x4920] =	vst v63  }
.LBB2_4:
0x14: {  	s0 =	sadd.s32 $0x800, s28  }
0x15: {  	s2 =	smov.u32 s8;
	s29 =	sadd.s32 $0x1, s29;
	p0 =	slt.s32 s0, s9  }
0x16: {  	s2 =	smov.u32 @p0 s0;
	p0 =	sne.s32 s29, $0x4  }
.Ltmp1:
0x17: {  	_ = 	snop;
	(pc) =	sbr.rel @!p0 .LBB2_13-.Ltmp1, $2  }
0x18: {  	_ =	sdelay $0x2  }
0x19: {  	s30 =	smov.u32 s28;
	s28 =	smov.u32 s2  }
.LBB2_1:
0x1a: {  	p0 =	sgt.s32 s29, $0x1  }
.Ltmp2:
0x1b: {  	_ = 	snop;
	(pc) =	sbr.rel @p0 .LBB2_11-.Ltmp2, $1  }
0x1c: {  	_ =	sdelay $0x3  }
0x1d: {  	p0 =	seq.s32 s29, $0x0  }
.Ltmp3:
0x1e: {  	_ = 	snop;
	(pc) =	sbr.rel @p0 .LBB2_3-.Ltmp3, $1  }
0x1f: {  	_ =	sdelay $0x3  }
0x20: {  	_ =	swait.ge [sflag:s6], $0x800  }
0x21: {  	[sflag:s6] =	ssyncset.done $0x0  }
0x22: {  	[sflag:s6] =	ssyncadd.s32 $0xFFFFF800;
	(ifvalue) =	ssetifvalue $0xFFFFFFFF;
	v3 =	vld.msk [tilespmem:s15+$0x0 ss:$0x1], $0xffff;
	_ =	sdelay $0x4  }
0x23: {  	v4 =	vperm.xlane v3, v1  }
0x24: {  	vm4 =	vlt.u32 v3, $0xE400  }
0x25: {  	v3 =	vnsel vm4, $0xFFFFFFFE, v3;
	vm4 =	vlt.u32 v4, $0xE400  }
0x26: {  	[tilespmem:$0x70] =	vst v3;
	v3 =	vnsel vm4, $0xFFFFFFFE, v4  }
0x27: {  	s17 =	simm.s32 $0x8F0;
	[tilespmem:$0x80] =	vst v3  }
0x28: {  	v3 =	vld.msk [tilespmem:s17+$0x0 ss:$0x1], $0xffff;
	_ =	sdelay $0x4  }
0x29: {  	(xrf1) =	vunique.msk.u32 $0xffff, v3;
	_ =	sdelay $0xd  }
0x2a: {  	v4 =	vimm.s32 $0xFFFFFFFF;
	v5, _, _ =	vpop (xrf1)  }
0x2b: {  	vm5 =	vne.s32 v3, v4;
	vm4 =	veq.s32 v5, v2  }
0x2c: {  	vm6 =	vlt.u32 v3, $0xE400;
	vm4 =	vmand vm5, vm4  }
0x2d: {  	vm4 =	vmand vm6, vm4  }
0x2e: {  	v4 =	vnsel vm4, $0xFFFFFFFF, v3;
	_ =	sdelay $0x3  }
0x2f: {  	s0 =	simm.s32 $0x20F0;
	(ifvalue) =	ssetifvalue $0xFFFFFFFF  }
0x30: {  	v3 =	vperm.xlane v3, v1;
	[tilespmem:s0], [sflag:$0x8] =	stream.indirect_vreg.gather [hbm4b:s1+s14], $0x1, v4, vm0, $0x4038;
	v4 =	vnsel vm6, $0xFFFFFFFE, v4;
	[tilespmem:$0x4920] =	vst v63  }
0x31: {  	s2 =	simm.s32 $0x0;
	s16 =	simm.s32 $0x8E0;
	[tilespmem:s17+$0x0] =	vst v4  }
.LBB2_6:
0x32: {  	v4 =	vld.msk [tilespmem:s16+$0x0 ss:$0x1], $0xffff;
	s2 =	sadd.s32 $0x10, s2;
	v5 =	vmov v3;
	s17 =	smov.u32 s16  }
0x33: {  	p0 =	slt.u32 s2, $0x7F0;
	_ =	sdelay $0x4  }
0x34: {  	v3 =	vperm.xlane v4, v1;
	(xrf1) =	vunique.msk.u32 $0xffff, v4;
	_ =	sdelay $0xd  }
0x35: {  	v6, _, _ =	vpop (xrf1)  }
0x36: {  	vm5 =	vne.s32 v4, v5;
	vm4 =	veq.s32 v6, v2  }
0x37: {  	vm6 =	vlt.u32 v4, $0xE400;
	vm4 =	vmand vm5, vm4  }
0x38: {  	vm4 =	vmand vm6, vm4  }
0x39: {  	v4 =	vnsel vm4, $0xFFFFFFFF, v4  }
.Ltmp4:
0x3a: {  	v5 =	vnsel vm6, $0xFFFFFFFE, v4;
	(pc) =	sbr.rel @p0 .LBB2_6-.Ltmp4, $3  }
0x3b: {  	_ =	sdelay $0x1  }
0x3c: {  	s16 =	sadd.s32 $0xFFFFFFF0, s16;
	s0 =	sadd.s32 $0xFFFFFFF0, s0;
	(ifvalue) =	ssetifvalue $0xFFFFFFFF  }
0x3d: {  	[tilespmem:s0], [sflag:$0x8] =	stream.indirect_vreg.gather [hbm4b:s1+s14], $0x1, v4, vm0, $0x4038;
	[tilespmem:s17+$0x0] =	vst v5  }
.Ltmp5:
0x3e: {  	(pc) =	sbr.rel .LBB2_4-.Ltmp5, $4  }
0x3f: {  	_ = 	snop  }
0x40: {  	s0 =	sshrl.u32 s30, $0x3  }
0x41: {  	s2 =	simm.s32 $0x2900;
	s0 =	sadd.s32 s5, s0  }
0x42: {  	[tilespmem:s2], [sflag:$0x8] =	stream.linear.gather [hbm:s0], $0x800, $0x38;
	[tilespmem:$0x4920] =	vst v63  }
.LBB2_11:
0x43: {  	p0 =	seq.s32 s29, $0x2  }
.Ltmp6:
0x44: {  	_ = 	snop;
	(pc) =	sbr.rel @!p0 .LBB2_12-.Ltmp6, $1  }
0x45: {  	_ =	sdelay $0x3  }
0x46: {  	_ =	swait.ge [sflag:s7], $0x1000  }
0x47: {  	[sflag:s7] =	ssyncset.done $0x0  }
0x48: {  	s0 =	simm.s32 $0x8FF;
	[sflag:s7] =	ssyncadd.s32 $0xFFFFF000  }
0x49: {  	[spmem:s11] =	stream.linear.scatter [tilespmem:s0], [sflag:$0x1], $0x1, $0x38;
	[tilespmem:$0x4920] =	vst v63  }
0x4a: {  	_ =	swait.ge [sflag:s4], $0x1  }
0x4b: {  	[sflag:s4] =	ssyncset.done $0x0  }
0x4c: {  	[sflag:s4] =	ssyncadd.s32 $0xFFFFFFFF  }
0x4d: {  	v4 =	vld [tilespmem:$0x10]  }
0x4e: {  	v5 =	vld [tilespmem:$0x70]  }
0x4f: {  	v3 =	vld [tilespmem:$0x80];
	_ =	sdelay $0x2  }
0x50: {  	(v2sf) =	vpush v4, $0x0  }
0x51: {  	(v2sf) =	vpush v5, $0x0  }
0x52: {  	(v2sf) =	vpush v3, $0x0;
	_ =	sdelay $0xc  }
0x53: {  	s16 =	spop (v2sf)  }
0x54: {  	s2 =	spop (v2sf)  }
0x55: {  	s30 =	spop (v2sf)  }
0x56: {  	p0 =	seq.s32 s16, s2;
	p1 =	seq.s32 s30, s16  }
0x57: {  	p1 =	por p0, p1  }
0x58: {  	v4 =	vpsel p1, $0xFFFFFFFF, v4  }
0x59: {  	[tilespmem:s18+$0x0] =	vst.msk $0x1, v4  }
0x5a: {  	v4 =	vld [tilespmem:$0x30]  }
0x5b: {  	v5 =	vld [tilespmem:$0x2900]  }
0x5c: {  	v6 =	vld [tilespmem:$0x40];
	_ =	sdelay $0x3  }
0x5d: {  	vm4 =	vmmov vm1;
	v5 =	vadd.f32 v5, v4  }
0x5e: {  	vm5 =	vmmov vm2;
	s31 =	simm.s32 $0x2900;
	vm4 =	vmmov @p0 vm2;
	v4 =	vadd.f32 v6, v4  }
0x5f: {  	vm5 =	vmmov @p1 vm1;
	[tilespmem:s31+$0x0] =	vst.msk vm4, v5  }
0x60: {  	[tilespmem:s19+$0x0] =	vst.msk vm5, v4  }
0x61: {  	v4 =	vld [tilespmem:$0x20F0];
	_ =	sdelay $0x3  }
0x62: {  	v5 =	vimm.f32 $0.0e+00  }
0x63: {  	v4 =	vshift.insert v4, v5, s20;
	_ =	sdelay $0x1  }
0x64: {  	[tilespmem:s21+$0x0] =	vst.msk $0x1, v4  }
0x65: {  	[tilespmem:s22+$0x0] =	vst.msk $0x1, v5  }
0x66: {  	v4 =	vld [tilespmem:$0x8F0];
	_ =	sdelay $0x4  }
0x67: {  	v4 =	vshift.insert v4, v1, s20;
	_ =	sdelay $0x1  }
0x68: {  	[tilespmem:s23+$0x0] =	vst.msk $0x1, v4  }
0x69: {  	s17 =	simm.s32 $0x100;
	v6 =	vld [tilespmem:s31+$0x0]  }
0x6a: {  	v7 =	vld [tilespmem:s17+$0x0];
	_ =	sdelay $0x3  }
0x6b: {  	v5 =	vadd.f32 v6, v5  }
0x6c: {  	vm4 =	vne.s32 v7, $0xFFFFFFFF  }
0x6d: {  	(xrf2) =	vadd.seg.scan.f32 vm4, v5;
	_ =	sdelay $0x3  }
0x6e: {  	s0 =	simm.s32 $0x1900;
	v5 =	vperm.xlane v4, v1  }
0x6f: {  	v6 =	vld [tilespmem:s0+$0x0]  }
0x70: {  	vm5 =	veq.s32 v7, v3;
	vm6 =	veq.s32 v7, v5  }
0x71: {  	vm7 =	vgt.u32 v7, $0xFFFFFFFD;
	vm6 =	vmor vm6, vm5  }
0x72: {  	vm6 =	vmor vm6, vm7  }
0x73: {  	v9 =	vld [tilespmem:$0xA0];
	v7 =	vsel vm6, $0xFFFFFFFF, v7  }
0x74: {  	v10 =	vld [tilespmem:$0x90];
	v6 =	vsel vm5, $0x0, v6;
	v8, _, _ =	vpop (xrf2)  }
0x75: {  	v6 =	vadd.f32 v8, v6  }
0x76: {  	s2 =	simm.s32 $0x3900  }
0x77: {  	vm4 =	vmand vm4, vm3;
	[tilespmem:s2+$0x0] =	vst v6;
	(ifvalue) =	ssetifvalue $0xFFFFFFFF  }
0x78: {  	vm6 =	veq.s32 v9, $0x1;
	[hbm4b:s1+s14] =	stream.indirect_vreg.scatter [tilespmem:s2], [sflag:$0x2], $0x1, v7, vm0, $0x4038;
	v7 =	vsel vm4, $0x0, v8;
	[tilespmem:$0x4920] =	vst v63  }
0x79: {  	s16 =	simm.s32 $0x0;
	s17 =	simm.s32 $0x110;
	vm4 =	vmor vm6, vm5;
	v6 =	vsel vm5, v8, v10;
	v7 =	vshift.insert v7, v0, s20  }
.LBB2_9:
0x7a: {  	v8 =	vld [tilespmem:s17+$0x0];
	s31 =	sadd.s32 $0x10, s31  }
0x7b: {  	s0 =	sadd.s32 $0x10, s0;
	v9 =	vld [tilespmem:s31+$0x0]  }
0x7c: {  	s16 =	sadd.s32 $0x10, s16;
	v10 =	vld [tilespmem:s0+$0x0]  }
0x7d: {  	p0 =	slt.u32 s16, $0x7F0;
	_ =	sdelay $0x2  }
0x7e: {  	v7 =	vadd.f32 v9, v7  }
0x7f: {  	vm5 =	vne.s32 v8, $0xFFFFFFFF  }
0x80: {  	vm6 =	vmand vm5, vm3;
	(xrf2) =	vadd.seg.scan.f32 vm5, v7;
	_ =	sdelay $0x5  }
0x81: {  	vm7 =	veq.s32 v8, v5;
	vm5 =	veq.s32 v8, v3  }
0x82: {  	vm8 =	vgt.u32 v8, $0xFFFFFFFD;
	vm4 =	vmor vm4, vm5;
	vm7 =	vmor vm7, vm5  }
0x83: {  	vm7 =	vmor vm7, vm8  }
0x84: {  	v8 =	vsel vm7, $0xFFFFFFFF, v8  }
.Ltmp7:
0x85: {  	v7 =	vsel vm5, $0x0, v10;
	v9, _, _ =	vpop (xrf2);
	(pc) =	sbr.rel @p0 .LBB2_9-.Ltmp7, $4  }
0x86: {  	v6 =	vsel vm5, v9, v6;
	v10 =	vadd.f32 v9, v7;
	v7 =	vsel vm6, $0x0, v9  }
0x87: {  	s2 =	sadd.s32 $0x10, s2;
	v7 =	vshift.insert v7, v0, s20  }
0x88: {  	s17 =	sadd.s32 $0x10, s17;
	[tilespmem:s2+$0x0] =	vst v10;
	(ifvalue) =	ssetifvalue $0xFFFFFFFF  }
0x89: {  	[hbm4b:s1+s14] =	stream.indirect_vreg.scatter [tilespmem:s2], [sflag:$0x2], $0x1, v8, vm0, $0x4038;
	[tilespmem:$0x4920] =	vst v63  }
0x8a: {  	v3 =	vld [tilespmem:$0x40F0];
	_ =	sdelay $0x4  }
0x8b: {  	v3 =	vshift.insert v3, v0, s20;
	_ =	sdelay $0x1  }
0x8c: {  	[tilespmem:s24+$0x0] =	vst.msk $0x1, v3  }
0x8d: {  	v3 =	vsel vm4, $0x1, v1;
	[tilespmem:$0x90] =	vst v6  }
0x8e: {  	[tilespmem:$0xA0] =	vst v3  }
0x8f: {  	[spmem:s12] =	stream.linear.scatter [tilespmem:s25], [sflag:$0x1], $0x1, $0x38;
	[tilespmem:$0x4920] =	vst v63  }
0x90: {  	v3 =	vmctz.xlane vm4;
	_ =	swait.ge [sflag:s4], $0x1  }
0x91: {  	(v2sf) =	vpush v4, $0x0  }
0x92: {  	(v2sf) =	vpush v3, $0x0;
	_ =	sdelay $0xd  }
0x93: {  	s0 =	spop (v2sf)  }
0x94: {  	s2 =	spop (v2sf)  }
0x95: {  	[sflag:s4] =	ssyncset.done $0x0;
	p0 =	sne.s32 s30, s0;
	p1 =	slt.s32 s2, $0xF  }
0x96: {  	[sflag:s4] =	ssyncadd.s32 $0xFFFFFFFF;
	v3 =	vimm.s32 @!p0 $0xFFFFFFFF;
	s2 =	simm.s32 @!p1 $0xF  }
0x97: {  	[tilespmem:$0x80] =	vst @!p0 v3;
	s31 =	sadd.s32 $0x90, s2  }
0x98: {  	[spmem:s10] =	stream.linear.scatter [tilespmem:s31], [sflag:$0x1], $0x1, $0x38;
	[tilespmem:$0x4920] =	vst v63  }
0x99: {  	_ =	swait.ge [sflag:s4], $0x1  }
0x9a: {  	[sflag:s4] =	ssyncset.done $0x0  }
0x9b: {  	[sflag:s4] =	ssyncadd.s32 $0xFFFFFFFF  }
0x9c: {  	[spmem:s13] =	stream.linear.scatter [tilespmem:s26], [sflag:$0x1], $0x1, $0x38;
	[tilespmem:$0x4920] =	vst v63  }
0x9d: {  	_ =	swait.ge [sflag:s4], $0x1  }
0x9e: {  	[sflag:s4] =	ssyncset.done $0x0  }
0x9f: {  	[sflag:s4] =	ssyncadd.s32 $0xFFFFFFFF;
	(ifvalue) =	ssetifvalue $0xFFFFFFFF;
	v3 =	vld [tilespmem:$0x10];
	_ =	sdelay $0x3  }
.Ltmp8:
0xa0: {  	_ = 	snop;
	(pc) =	sbr.rel .LBB2_4-.Ltmp8, $3  }
0xa1: {  	_ =	sdelay $0x1  }
0xa2: {  	(ifvalue) =	ssetifvalue $0xFFFFFFFF  }
0xa3: {  	[hbm4b:s1+s14] =	stream.indirect_vreg.scatter [tilespmem:s19], [sflag:$0x9], $0x1, v3, vm0, $0x4038;
	[tilespmem:$0x4920] =	vst v63  }
.LBB2_12:
0xa4: {  	s0 =	simm.s32 $0x2  }
0xa5: {  	_ =	swait.ge [sflag:s0], $0x800  }
0xa6: {  	[sflag:s0] =	ssyncset.done $0x0  }
0xa7: {  	s31 =	simm.s32 $0x9;
	[sflag:s0] =	ssyncadd.s32 $0xFFFFF800  }
0xa8: {  	_ =	swait.ge [sflag:s31], $0x10  }
0xa9: {  	[sflag:s31] =	ssyncset.done $0x0  }
0xaa: {  	[sflag:s31] =	ssyncadd.s32 $0xFFFFFFF0  }
.LBB2_13:
0xab: {  	_ =	sfence.sel $0x180000  }
0xac: {  	s0 =	simm.s32 $0x7;
	[bflag:$0x0] =	sbarrier.arrive $0xFFFF  }
0xad: {  	s26 =	simm.s32 $0x8;
	[sflag:s0] =	ssyncpa.u1 $0x1  }
0xae: {  	s28 =	simm.s32 $0x9;
	[sflag:s26] =	ssyncpa.u1 $0x1  }
0xaf: {  	[sflag:s28] =	ssyncpa.u1 $0x1  }
0xb0: {  	_ =	sfence.stream.spmem  }
0xb1: {  	s29 =	simm.s32 $0x3;
	[bflag:$0x0] =	sbarrier.arrive $0xFFFF  }
0xb2: {  	s30 =	simm.s32 $0x4;
	[sflag:s29] =	ssyncpa.u1 $0x1  }
0xb3: {  	s31 =	simm.s32 $0x3C;
	s2 =	stileid.u32;
	[sflag:s30] =	ssyncpa.u1 $0x1  }
0xb4: {  	p0 =	sne.s32 s2, $0x0;
	[sflag:s31] =	ssyncpa.u1 $0x1  }
0xb5: {  	s0 =	simm.s32 @p0 $0x1;
	_ =	sfence @p0  }
0xb6: {  	[sflag:s0] =	ssyncpa.u1 @p0 $0x1;
	s0 =	simm.s32 @p0 $0x2  }
0xb7: {  	[sflag:s0] =	ssyncpa.u1 @p0 $0x1  }
0xb8: {  	_ =	strace @p0 $0x90000050  }
0xb9: {  	[bflag:$0x2] =	sbarrier.arrive @p0 $0xFFFF  }
0xba: {  	_ =	shalt @p0  }
.LBB2_14:
0xbb: {  	_ =	sfence.stream.spmem;
	s0 =	simm.s32 $0x5  }
0xbc: {  	s2 =	simm.s32 $0x80;
	s3 =	simm.s32 $0xC0;
	[sflag:s0] =	ssyncpa.u1 $0x0  }
0xbd: {  	[tilespmem:s3], [sflag:$0x5] =	stream.linear.gather [spmem:s2], $0x20, $0x38;
	[tilespmem:$0x4920] =	vst v63  }
0xbe: {  	s2 =	simm.s32 $0x0;
	s3 =	simm.s32 $0xE0  }
0xbf: {  	[tilespmem:s3], [sflag:$0x5] =	stream.linear.gather [spmem:s2], $0x20, $0x38;
	[tilespmem:$0x4920] =	vst v63  }
.Ltmp9:
0xc0: {  	_ = 	snop;
	(pc) =	sbr.rel .LBB2_15-.Ltmp9, $4  }
0xc1: {  	_ =	swait.ge [sflag:s0], $0x40  }
0xc2: {  	[sflag:s0] =	ssyncset.done $0x0  }
0xc3: {  	s31 =	simm.s32 $0x6;
	[sflag:s0] =	ssyncadd.s32 $0xFFFFFFC0  }
0xc4: {  	s4 =	simm.s32 $0x0;
	[sflag:s31] =	ssyncpa.u1 $0x0  }
.LBB2_20:
0xc5: {  	p0 =	sgt.u32 s0, $0xE3FF  }
0xc6: {  	s5 =	sshrl.u32 @!p0 s0, $0x3  }
0xc7: {  	s0 =	sand.u32 @!p0 $0x7, s0;
	s6 =	simm.s32 @!p0 $0xB0;
	s5 =	sadd.s32 @!p0 s1, s5  }
0xc8: {  	[tilespmem:s6], [sflag:$0x6] =	stream.linear.gather @!p0 [hbm4b:s5+s0], $0x1, $0x38;
	[tilespmem:$0x4920] =	vst v63  }
0xc9: {  	s0 =	simm.s32 @!p0 $0x6  }
0xca: {  	_ =	swait.ge @!p0 [sflag:s0], $0x1  }
0xcb: {  	[sflag:s0] =	ssyncset.done @!p0 $0x0  }
0xcc: {  	[sflag:s0] =	ssyncadd.s32 @!p0 $0xFFFFFFFF  }
0xcd: {  	v2 =	vmov @!p0 s4;
	v1 =	vld.msk @!p0 [tilespmem:$0xB0], $0x1;
	_ =	sdelay $0x3  }
0xce: {  	s0 =	simm.s32 @!p0 $0xE0  }
0xcf: {  	[tilespmem:v2+s0+$0x0], v1 =	vst.idx.ret.add.f32.msk @!p0 $0x1, v1  }
0xd0: {  	[tilespmem:s2+$0xC0] =	vst.msk $0x1, v0  }
0xd1: {  	v0 =	vld.msk [tilespmem:s4+$0xE0], $0x1;
	_ =	sdelay $0x4  }
0xd2: {  	[tilespmem:s2+$0xE0] =	vst.msk $0x1, v0;
	s2 =	sadd.s32 $0x1, s2  }
.LBB2_22:
0xd3: {  	s4 =	sadd.s32 $0x1, s4  }
0xd4: {  	p0 =	sne.s32 s4, $0x20  }
.Ltmp10:
0xd5: {  	_ = 	snop;
	(pc) =	sbr.rel @!p0 .LBB2_23-.Ltmp10, $1  }
0xd6: {  	_ =	sdelay $0x3  }
.LBB2_15:
0xd7: {  	v0 =	vld.msk [tilespmem:s4+$0xC0], $0x1;
	_ =	sdelay $0x4  }
0xd8: {  	(v2sf) =	vpush v0, $0x0;
	_ =	sdelay $0xe  }
0xd9: {  	s0 =	spop (v2sf)  }
0xda: {  	p0 =	seq.s32 s0, $0xFFFFFFFF  }
.Ltmp11:
0xdb: {  	_ = 	snop;
	(pc) =	sbr.rel @p0 .LBB2_22-.Ltmp11, $1  }
0xdc: {  	_ =	sdelay $0x3  }
0xdd: {  	p0 =	slt.s32 s2, $0x1  }
.Ltmp12:
0xde: {  	_ = 	snop;
	(pc) =	sbr.rel @p0 .LBB2_20-.Ltmp12, $1  }
0xdf: {  	_ =	sdelay $0x3  }
0xe0: {  	s5 =	simm.s32 $0xC0;
	p0 =	por $0x0, $0x0  }
0xe1: {  	v1 =	vld.msk @!p0 [tilespmem:s5+$0x0], $0x1;
	_ =	sdelay $0x4  }
0xe2: {  	(v2sf) =	vpush @!p0 v1, $0x0;
	_ =	sdelay $0xd  }
0xe3: {  	p2 =	sne.s32 s2, $0x1  }
.Ltmp13:
0xe4: {  	s6 =	spop @!p0 (v2sf);
	(pc) =	sbr.rel @!p2 .LBB2_19-.Ltmp13, $4  }
0xe5: {  	p1 =	seq.s32 @!p0 s0, s6  }
0xe6: {  	s6 =	simm.s32 $0x0;
	p1 =	por !p1, p0  }
0xe7: {  	s8 =	simm.s32 $0xFFFFFFFF;
	s6 =	simm.s32 @p1 $0xFFFFFFFF  }
0xe8: {  	s7 =	simm.s32 $0x1;
	s6 =	smov.u32 @p0 s8  }
.LBB2_18:
0xe9: {  	s8 =	smov.u32 s6;
	p0 =	sne.s32 s6, $0xFFFFFFFF  }
0xea: {  	s5 =	sadd.s32 $0x1, s5;
	s6 =	smov.u32 s7;
	s7 =	sadd.s32 $0x1, s7  }
0xeb: {  	p1 =	sne.s32 s2, s7;
	v1 =	vld.msk @!p0 [tilespmem:s5+$0x0], $0x1;
	_ =	sdelay $0x4  }
0xec: {  	(v2sf) =	vpush @!p0 v1, $0x0;
	_ =	sdelay $0xe  }
.Ltmp14:
0xed: {  	s9 =	spop @!p0 (v2sf);
	(pc) =	sbr.rel @p1 .LBB2_18-.Ltmp14, $4  }
0xee: {  	p2 =	seq.s32 @!p0 s0, s9  }
0xef: {  	p2 =	por !p2, p0  }
0xf0: {  	s6 =	simm.s32 @p2 $0xFFFFFFFF  }
0xf1: {  	s6 =	smov.u32 @p0 s8  }
.LBB2_19:
0xf2: {  	p0 =	sne.s32 s6, $0xFFFFFFFF  }
.Ltmp15:
0xf3: {  	_ = 	snop;
	(pc) =	sbr.rel @!p0 .LBB2_20-.Ltmp15, $1  }
0xf4: {  	_ =	sdelay $0x3  }
0xf5: {  	v0 =	vld.msk [tilespmem:s4+$0xE0], $0x1;
	v1 =	vmov s6  }
.Ltmp16:
0xf6: {  	_ = 	snop;
	(pc) =	sbr.rel .LBB2_22-.Ltmp16, $2  }
0xf7: {  	_ =	sdelay $0x2  }
0xf8: {  	[tilespmem:v1+s3+$0x0], v0 =	vst.idx.ret.add.f32.msk $0x1, v0  }
.LBB2_23:
0xf9: {  	p0 =	slt.s32 s2, $0x1  }
.Ltmp17:
0xfa: {  	_ = 	snop;
	(pc) =	sbr.rel @p0 .LBB2_27-.Ltmp17, $3  }
0xfb: {  	_ =	sdelay $0x1  }
0xfc: {  	s0 =	simm.s32 $0x6  }
0xfd: {  	[sflag:s0] =	ssyncpa.u1 $0x1;
	s0 =	simm.s32 $0x0  }
0xfe: {  	s3 =	simm.s32 $0xC0  }
0xff: {  	v0 =	vld.msk [tilespmem:s3+$0x0], $0x1;
	_ =	sdelay $0x4  }
0x100: {  	(v2sf) =	vpush v0, $0x0;
	_ =	sdelay $0xe  }
0x101: {  	s2 =	sadd.s32 $0xFFFFFFFF, s2;
	s4 =	spop (v2sf)  }
0x102: {  	p1 =	sne.s32 s2, $0x0;
	p0 =	sgt.u32 s4, $0xE3FF  }
.Ltmp18:
0x103: {  	s5 =	sshrl.u32 @!p0 s4, $0x3;
	(pc) =	sbr.rel @!p1 .LBB2_26-.Ltmp18, $4  }
0x104: {  	s3 =	simm.s32 $0xE0;
	s4 =	sand.u32 @!p0 $0x7, s4;
	s5 =	sadd.s32 @!p0 s1, s5  }
0x105: {  	[hbm4b:s5+s4] =	stream.linear.scatter @!p0 [tilespmem:s3], [sflag:$0x5], $0x1, $0x38;
	[tilespmem:$0x4920] =	vst v63  }
0x106: {  	s5 =	simm.s32 $0x0  }
0x107: {  	s4 =	simm.s32 $0xC1;
	s5 =	simm.s32 @!p0 $0x4  }
.LBB2_25:
0x108: {  	v0 =	vld.msk [tilespmem:s4+$0x0], $0x1;
	s2 =	sadd.s32 $0xFFFFFFFF, s2;
	s0 =	sadd.s32 s0, s5  }
0x109: {  	p0 =	sne.s32 s2, $0x0;
	_ =	sdelay $0x3  }
0x10a: {  	(v2sf) =	vpush v0, $0x0;
	_ =	sdelay $0xe  }
.Ltmp19:
0x10b: {  	s6 =	spop (v2sf);
	(pc) =	sbr.rel @p0 .LBB2_25-.Ltmp19, $4  }
0x10c: {  	s5 =	simm.s32 $0x0;
	p1 =	sgt.u32 s6, $0xE3FF  }
0x10d: {  	s3 =	sadd.s32 $0x1, s3;
	s5 =	simm.s32 @!p1 $0x4;
	s7 =	sshrl.u32 @!p1 s6, $0x3  }
0x10e: {  	s4 =	sadd.s32 $0x1, s4;
	s6 =	sand.u32 @!p1 $0x7, s6;
	s7 =	sadd.s32 @!p1 s1, s7  }
0x10f: {  	[hbm4b:s7+s6] =	stream.linear.scatter @!p1 [tilespmem:s3], [sflag:$0x5], $0x1, $0x38;
	[tilespmem:$0x4920] =	vst v63  }
.LBB2_26:
0x110: {  	s0 =	sadd.s32 s0, s5  }
0x111: {  	s0 =	sshrl.u32 s0, $0x2  }
.LBB2_27:
0x112: {  	s1 =	simm.s32 $0x5  }
0x113: {  	_ =	swait.ge [sflag:s1], s0  }
0x114: {  	s28 =	ssub.s32 $0x0, s0;
	[sflag:s1] =	ssyncset.done $0x0  }
0x115: {  	[sflag:s1] =	ssyncadd.s32 s28  }
0x116: {  	[sflag:s1] =	ssyncpa.u1 $0x1  }
0x117: {  	s29 =	simm.s32 $0x1;
	_ =	sfence  }
0x118: {  	s30 =	simm.s32 $0x2;
	[sflag:s29] =	ssyncpa.u1 $0x1  }
0x119: {  	[sflag:s30] =	ssyncpa.u1 $0x1  }
0x11a: {  	_ =	strace $0x90000050  }
0x11b: {  	[bflag:$0x2] =	sbarrier.arrive $0xFFFF  }
0x11c: {  	s31 =	rddreg [dreg:$0x1]  }
0x11d: {  	s0 =	sadd.s32 $0x100000, s31  }
0x11e: {  	[sflag:s0] =	ssyncadd.tile.s32 $0x1;
	_ =	shalt  }
.Lfunc_end2:
_tile_overlayer_lowered:
.L_overlay_start_2:
0x11f: {  	(tag) =	ssettag $0x2  }
0x120: {  	s0 =	rddreg [dreg:$0x0];
	s2 =	stileid.u32  }
0x121: {  	s1 =	rddreg [dreg:$0x1];
	p0 =	sne.s32 s2, $0x0  }
0x122: {  	s3 =	rddreg [dreg:$0x2];
	[bflag:$0x3] =	sbarrier.arrive $0xFFFF;
	s2 =	simm.s32 @!p0 $0x1C01  }
0x123: {  	[timem:s3], [sflag:s2] =	dma.local @!p0 [hbm:s0], s1  }
0x124: {  	s0 =	simm.s32 @!p0 $0x1  }
0x125: {  	_ =	swait.ge @!p0 [sflag:s0], s1  }
0x126: {  	s1 =	ssub.s32 @!p0 $0x0, s1;
	[sflag:s0] =	ssyncset.done @!p0 $0x0  }
0x127: {  	[sflag:s0] =	ssyncadd.s32 @!p0 s1  }
0x128: {  	[bflag:$0x3] =	sbarrier.arrive $0xFFFF  }
0x129: {  	_ =	shalt  }

// kernel: sparse-core-data-format-call.1.cloned.1.call-start
scs
called_computation.2_lowered:
.L_overlay_start_0:
0x0: {  	s2 =	sld [smem:$0x3FD9]  }
0x1: {  	s3 =	sld [smem:$0x3FFE];
	_ =	sdelay $0x1  }
0x2: {  	s1 =	srdreg.scid  }
0x3: {  	s0 =	sand.u32 $0x1, s1  }
0x4: {  	s15 =	sshll.u32 s0, $0xA;
	s2 =	sadd.s32 s3, s2  }
0x5: {  	s2 =	sadd.s32 s2, s15  }
0x6: {  	[smem:$0x3FC0] =	sst s2  }
0x7: {  	_ = 	snop  }
0x8: {  	s2 =	sld [smem:$0x3FD0];
	_ =	sdelay $0x2  }
0x9: {  	s16 =	simm.s32 $0xB;
	s4 =	simm.s32 $0x10  }
0xa: {  	[smem:s4], [sflag:s16] =	dma.local [hbm:s2], $0x1  }
0xb: {  	_ =	swait.eq [sflag:s16], $0x1  }
0xc: {  	[sflag:s16] =	ssyncset.done $0x0  }
0xd: {  	[sflag:s16] =	ssyncadd.s32 $0xFFFFFFFF  }
0xe: {  	s17 =	sld [smem:$0x12];
	(tm) =	ssettm $0x1  }
0xf: {  	s18 =	sld [smem:$0x3FFB];
	_ =	sdelay $0x3  }
0x10: {  	_ =	strace s18  }
0x11: {  	s3 =	sld [smem:$0x3FFC];
	_ =	sdelay $0x3  }
0x12: {  	_ =	strace s3  }
0x13: {  	s3 =	sld [smem:$0x3FFD];
	_ =	sdelay $0x3  }
0x14: {  	_ =	strace s3  }
0x15: {  	_ =	strace $0x8FFFFFFF  }
0x16: {  	s19 =	sld [smem:$0x3FDB];
	_ =	sdelay $0x1  }
0x17: {  	s20 =	simm.s32 $_scs_section_size  }
0x18: {  	s5 =	simm.s32 $_size__tile_overlayer_lowered;
	s6 =	simm.s32 $_tile_overlayer_lowered  }
0x19: {  	s23 =	simm.s32 $0x1BFF;
	s22 =	sshll.u32 s6, $0x1;
	s3 =	sadd.s32 s20, s19  }
0x1a: {  	s7 =	simm.s32 $0x0;
	s21 =	sshll.u32 s5, $0x1;
	s5 =	sadd.s32 s22, s3  }
0x1b: {  	[timem:s7], [sflag:s23] =	dma.local [hbm:s5], s21  }
0x1c: {  	_ =	swait.ge [sflag:s23], s21  }
0x1d: {  	s4 =	ssub.s32 $0x0, s21;
	[sflag:s23] =	ssyncset.done $0x0  }
0x1e: {  	[sflag:s23] =	ssyncadd.s32 s4;
	_ =	sdelay $0x1  }
0x1f: {  	s24 =	simm.s32 $0x1B8B  }
0x20: {  	_ =	swait.ge [sflag:s24], $0x1  }
0x21: {  	[sflag:s24] =	ssyncset.done $0x0  }
0x22: {  	s26 =	simm.s32 $0x1B8E;
	s25 =	sld [smem:$0x3FFE];
	[sflag:s24] =	ssyncadd.s32 $0xFFFFFFFF  }
0x23: {  	s27 =	simm.s32 $execute0_lowered;
	[smem:$0x3FD2] =	sst s26  }
0x24: {  	s5 =	sshll.u32 s27, $0x1;
	_ =	strace $0x8000004C;
	[dreg:$0x1] =	wrdreg $0xFFFFFFFF  }
0x25: {  	s28 =	simm.s32 $_size_execute0_lowered;
	s3 =	sadd.s32 s3, s5;
	[dreg:$0x0] =	wrdreg $0x0  }
0x26: {  	s5 =	sshll.u32 s28, $0x1;
	[dreg:$0x2] =	wrdreg s3  }
0x27: {  	[dreg:$0x3] =	wrdreg s5  }
0x28: {  	[dreg:$0x4] =	wrdreg $0xC0  }
0x29: {  	_ =	task [dreg:s7], $0x5FFFF  }
0x2a: {  	[dreg:$0x1] =	wrdreg $0xFFFFFFFF  }
0x2b: {  	[dreg:$0x0] =	wrdreg $0x60  }
0x2c: {  	[dreg:$0x2] =	wrdreg s25  }
0x2d: {  	[dreg:$0x3] =	wrdreg s17  }
0x2e: {  	[dreg:$0x4] =	wrdreg $0xA  }
0x2f: {  	_ =	task.clear_ibuf [dreg:s7], $0x5FFFF;
	_ =	strace $0x9000004C  }
0x30: {  	s29 =	simm.s32 $0xA;
	_ =	strace $0x8000004E  }
0x31: {  	_ =	swait.ge [sflag:s29], $0x1  }
0x32: {  	[sflag:s29] =	ssyncadd.s32 $0xFFFFFFFF  }
0x33: {  	_ =	strace $0x9000004E  }
0x34: {  	_ =	sfence  }
0x35: {  	s30 =	sld [smem:$0x0];
	_ =	sdelay $0x2  }
0x36: {  	s31 =	sshll.u32 s1, $0xD;
	s1 =	sshrl.u32 s1, $0x2  }
0x37: {  	s3 =	sand.u32 $0x4000, s31;
	s1 =	sadd.s32 s1, s30  }
0x38: {  	s0 =	sor.u32 s3, s0;
	s1 =	sshll.u32 s1, $0x11  }
0x39: {  	s0 =	sor.u32 s1, s0  }
0x3a: {  	s0 =	sadd.s32 $0x8F2B, s0  }
0x3b: {  	[sflag:s0] =	ssyncadd.remote.s32 $0x1  }
0x3c: {  	_ =	sfence.sel $0xFFFF  }
0x3d: {  	[dreg:$0x0] =	wrdreg $0xFFFFFFFF;
	(pc) =	sbr.abs _section_cstart, $3  }
0x3e: {  	[dreg:$0x1] =	wrdreg $0xFFFFFFFF  }
0x3f: {  	_ =	task.clear_ibuf [dreg:s7], $0x2FFFF;
	_ =	strace $0x9FFFFFFF  }
0x40: {  	(tm) =	ssettm $0x7FFFFFFF  }
0x41: {  	_ =	shalt  }
tec
execute0_lowered:
.L_overlay_start_1:
0x0: {  	(tag) =	ssettag $0x1  }
0x1: {  	s0 =	stileid.u32;
	s1 =	srdreg.scid  }
0x2: {  	s4 =	rddreg [dreg:$0x0];
	s8 =	simm.s32 $0x1;
	s9 =	simm.s32 $0x2  }
0x3: {  	s17 =	simm.s32 $0x0;
	s10 =	simm.s32 $0x1C2000;
	s11 =	simm.s32 $0x0  }
0x4: {  	s18 =	simm.s32 $0x0;
	s19 =	simm.s32 $0x0;
	s20 =	simm.s32 $0x0  }
0x5: {  	s13 =	simm.s32 $0x0;
	s2 =	sshll.u32 s0, $0x3;
	s1 =	sshll.u32 s1, $0x7  }
0x6: {  	s14 =	simm.s32 $0x0;
	s16 =	simm.s32 $0x0;
	s1 =	sor.u32 s2, s1  }
0x7: {  	s29 =	simm.s32 $0x0;
	s4 =	sadd.s32 $0x103000, s4;
	s3 =	sand.u32 $0xE0, s1  }
0x8: {  	s5 =	sand.u32 $0x3, s0;
	s2 =	rddreg [dreg:$0x1];
	s7 =	ssub.s32 $0x1C20, s3  }
.Ltmp0:
0x9: {  	s15 =	smov.u32 s5;
	s6 =	sand.u32 $0xE0, s7;
	(pc) =	sbr.rel .LBB1_1-.Ltmp0, $4  }
0xa: {  	s1 =	rddreg [dreg:$0x2];
	_ =	strace $0x8000004D;
	p0 =	sne.s32 s6, $0x0  }
0xb: {  	s7 =	sshrl.u32 s7, $0x8;
	s6 =	simm.s32 $0x1;
	s8 =	simm.s32 @!p0 $0x0  }
0xc: {  	s12 =	smov.u32 s3;
	[sflag:s6] =	ssyncpa.u1 $0x0;
	s7 =	sadd.s32 s8, s7  }
0xd: {  	[sflag:s9] =	ssyncpa.u1 $0x0;
	s9 =	simm.s32 $0x2000;
	s8 =	sadd.s32 $0x1, s7  }
.LBB1_9:
0xe: {  	s21 =	sadd.s32 $0x100, s12  }
0xf: {  	s17 =	sadd.s32 $0x2, s13;
	s22 =	smov.u32 s13;
	p1 =	sgt.s32 s21, $0x1C1F  }
0x10: {  	s22 =	smov.u32 @p1 s17  }
0x11: {  	s23 =	smov.u32 s14;
	s17 =	sadd.s32 $0x2, s14;
	p2 =	sgt.s32 s22, $0x1  }
0x12: {  	s23 =	smov.u32 @p2 s17  }
0x13: {  	s24 =	smov.u32 s15;
	s17 =	sadd.s32 $0x4, s15;
	p3 =	sgt.s32 s23, $0x1  }
0x14: {  	p0 =	slt.u32 s16, $0x2;
	s24 =	smov.u32 @p3 s17  }
0x15: {  	s18 =	smov.u32 s13;
	s21 =	smov.u32 @p1 s3;
	p1 =	sgt.s32 s24, $0x3  }
0x16: {  	s25 =	simm.s32 @!p0 $0x2;
	s24 =	smov.u32 @p1 s5;
	p1 =	sne.s32 s16, s8  }
.Ltmp1:
0x17: {  	s19 =	smov.u32 s14;
	_ =	swait.ge @!p0 [sflag:s25], $0x4000;
	(pc) =	sbr.rel @!p1 .LBB1_10-.Ltmp1, $4  }
0x18: {  	s20 =	smov.u32 s15;
	[sflag:s25] =	ssyncset.done @!p0 $0x0;
	s22 =	simm.s32 @p2 $0x0  }
0x19: {  	s11 =	sadd.s32 $0x4000, s11;
	[sflag:s25] =	ssyncadd.s32 @!p0 $0xFFFFC000;
	s13 =	smov.u32 s22  }
0x1a: {  	s23 =	simm.s32 @p3 $0x0;
	s17 =	smov.u32 s12;
	s12 =	smov.u32 s21  }
0x1b: {  	s14 =	smov.u32 s23;
	s16 =	sadd.s32 $0x1, s16;
	s15 =	smov.u32 s24  }
.LBB1_1:
0x1c: {  	p0 =	sge.u32 s16, s7  }
0x1d: {  	s21 =	sand.u32 @!p0 $0x1FFFFFF, s12  }
0x1e: {  	s22 =	smulhi.u32 @!p0 $0x2468AD, s21  }
0x1f: {  	s23 =	smul.u32 @!p0 $0x70800, s15  }
0x20: {  	s24 =	smul.u32 @!p0 $0x38400, s14;
	s22 =	sshrl.u32 @!p0 s22, $0x2  }
0x21: {  	s31 =	sadd.s32 $0xFFFFFFFF, s16;
	s22 =	smul.u32 @!p0 $0x1C20, s22  }
0x22: {  	s25 =	sxor.u32 @!p0 $0xFFFFFFFF, s16;
	s26 =	smul.u32 @!p0 $0x1C200, s13;
	s23 =	sadd.s32 @!p0 s4, s23  }
0x23: {  	s23 =	sadd.s32 @!p0 s24, s23;
	s24 =	simm.s32 @!p0 $0xE1000;
	s21 =	ssub.s32 @!p0 s21, s22  }
0x24: {  	s23 =	sadd.s32 @!p0 s26, s23;
	s22 =	sshll.u32 @!p0 s25, $0xE;
	s21 =	sshll.u32 @!p0 s21, $0x4  }
0x25: {  	s22 =	sand.u32 @!p0 $0x4000, s22;
	s21 =	sadd.s32 @!p0 s21, s23;
	s23 =	simm.s32 @!p0 $0x1000  }
0x26: {  	[tilespmem:s22], [sflag:$0x1] =	stream.strided.gather @!p0 [hbm4b:s21+s23], $0x4000, s24, s23, $0x38;
	[tilespmem:$0x10000] =	vst v63  }
0x27: {  	p0 =	sge.u32 s31, s7  }
.Ltmp2:
0x28: {  	_ = 	snop;
	(pc) =	sbr.rel @p0 .LBB1_9-.Ltmp2, $1  }
0x29: {  	_ =	sdelay $0x3  }
0x2a: {  	s21 =	sshll.u32 s11, $0x2  }
0x2b: {  	_ =	swait.ge [sflag:s6], $0x4000;
	s22 =	sshll.u32 s16, $0xE;
	s24 =	simm.s32 $0x0  }
0x2c: {  	p1 =	por $0x1, $0x1;
	s21 =	sand.u32 $0x10000, s21;
	[sflag:s6] =	ssyncset.done $0x0  }
0x2d: {  	s22 =	sand.u32 $0x4000, s22;
	s23 =	sshrl.u32 s21, $0x2;
	[sflag:s6] =	ssyncadd.s32 $0xFFFFC000  }
0x2e: {  	s21 =	sor.u32 $0x8000, s22;
	s22 =	sadd.s32 $0x8040, s23;
	s23 =	sadd.s32 $0x40, s23  }
.LBB1_3:
0x2f: {  	s25 =	sshll.u32 s24, $0x7;
	s26 =	sshll.u32 s24, $0xD;
	p0 =	por p1, p1  }
0x30: {  	p2 =	por $0x1, $0x1;
	s25 =	sand.u32 $0x3FFFFF80, s25;
	s31 =	sand.u32 $0x3FFFE000, s26  }
0x31: {  	s26 =	simm.s32 $0x0;
	s24 =	sadd.s32 s25, s22;
	s25 =	sadd.s32 s31, s23  }
.LBB1_4:
0x32: {  	s27 =	sshll.u32 s26, $0xC  }
0x33: {  	s27 =	sand.u32 $0x3FFFF000, s27  }
0x34: {  	s27 =	sadd.s32 s27, s25  }
0x35: {  	v0 =	vmov s27;
	_ =	sdelay $0x4  }
0x36: {  	v6 =	vld.idx.msk [tilespmem:v0+s29+$0x30 ss:$0x1], $0xffff  }
0x37: {  	v7 =	vld.idx.msk [tilespmem:v0+s29+$0xFFFFFFC0 ss:$0x1], $0xffff  }
0x38: {  	v1 =	vld.idx.msk [tilespmem:v0+s29+$0xFFFFFFD0 ss:$0x1], $0xffff  }
0x39: {  	s31 =	sshll.u32 s26, $0xD;
	v2 =	vld.idx.msk [tilespmem:v0+s29+$0xFFFFFFE0 ss:$0x1], $0xffff  }
0x3a: {  	s26 =	sand.u32 $0x3FFFE000, s31;
	v3 =	vld.idx.msk [tilespmem:v0+s29+$0xFFFFFFF0 ss:$0x1], $0xffff  }
0x3b: {  	s26 =	sadd.s32 s26, s24;
	v4 =	vld.idx.msk [tilespmem:v0+s29+$0x0 ss:$0x1], $0xffff  }
0x3c: {  	v5 =	vld.idx.msk [tilespmem:v0+s29+$0x10 ss:$0x1], $0xffff;
	[tilespmem:s26+$0x30] =	vst v6  }
0x3d: {  	p1 =	por p2, p2;
	s28 =	simm.s32 $0x400;
	s27 =	simm.s32 $0x80;
	[tilespmem:s26+$0xFFFFFFC0] =	vst v7;
	v6 =	vld.idx.msk [tilespmem:v0+s29+$0x20 ss:$0x1], $0xffff  }
.LBB1_5:
0x3e: {  	p2 =	sne.s32 s28, $0x3E00;
	v7 =	vld.idx.msk [tilespmem:v0+s27+$0x30 ss:$0x1], $0xffff;
	[tilespmem:s26+$0xFFFFFFD0] =	vst v1  }
0x3f: {  	v8 =	vld.idx.msk [tilespmem:v0+s27+$0xFFFFFFC0 ss:$0x1], $0xffff;
	[tilespmem:s26+$0xFFFFFFE0] =	vst v2  }
0x40: {  	v1 =	vld.idx.msk [tilespmem:v0+s27+$0xFFFFFFD0 ss:$0x1], $0xffff;
	[tilespmem:s26+$0xFFFFFFF0] =	vst v3  }
.Ltmp3:
0x41: {  	v2 =	vld.idx.msk [tilespmem:v0+s27+$0xFFFFFFE0 ss:$0x1], $0xffff;
	[tilespmem:s26+$0x0] =	vst v4;
	(pc) =	sbr.rel @p2 .LBB1_5-.Ltmp3, $4  }
0x42: {  	v3 =	vld.idx.msk [tilespmem:v0+s27+$0xFFFFFFF0 ss:$0x1], $0xffff;
	[tilespmem:s26+$0x10] =	vst v5  }
0x43: {  	v4 =	vld.idx.msk [tilespmem:v0+s27+$0x0 ss:$0x1], $0xffff;
	[tilespmem:s26+$0x20] =	vst v6;
	s26 =	sadd.s32 $0x100, s26  }
0x44: {  	v5 =	vld.idx.msk [tilespmem:v0+s27+$0x10 ss:$0x1], $0xffff;
	[tilespmem:s26+$0x30] =	vst v7  }
0x45: {  	[tilespmem:s26+$0xFFFFFFC0] =	vst v8;
	v6 =	vld.idx.msk [tilespmem:v0+s27+$0x20 ss:$0x1], $0xffff;
	s27 =	sshra.s32 s28, $0x2;
	s28 =	sadd.s32 $0x200, s28  }
0x46: {  	_ =	sdelay $0x2  }
0x47: {  	[tilespmem:s26+$0xFFFFFFD0] =	vst v1  }
0x48: {  	v56 =	vld.idx.msk [tilespmem:v0+s27+$0x30 ss:$0x1], $0xffff;
	[tilespmem:s26+$0xFFFFFFE0] =	vst v2  }
0x49: {  	v57 =	vld.idx.msk [tilespmem:v0+s27+$0xFFFFFFC0 ss:$0x1], $0xffff;
	[tilespmem:s26+$0xFFFFFFF0] =	vst v3  }
0x4a: {  	v58 =	vld.idx.msk [tilespmem:v0+s27+$0xFFFFFFD0 ss:$0x1], $0xffff;
	[tilespmem:s26+$0x0] =	vst v4  }
0x4b: {  	v59 =	vld.idx.msk [tilespmem:v0+s27+$0xFFFFFFE0 ss:$0x1], $0xffff;
	[tilespmem:s26+$0x10] =	vst v5  }
0x4c: {  	v60 =	vld.idx.msk [tilespmem:v0+s27+$0xFFFFFFF0 ss:$0x1], $0xffff;
	s31 =	sadd.s32 $0x100, s26;
	[tilespmem:s26+$0x20] =	vst v6  }
0x4d: {  	v61 =	vld.idx.msk [tilespmem:v0+s27+$0x0 ss:$0x1], $0xffff;
	[tilespmem:s31+$0x30] =	vst v56  }
0x4e: {  	v62 =	vld.idx.msk [tilespmem:v0+s27+$0x10 ss:$0x1], $0xffff;
	[tilespmem:s31+$0xFFFFFFC0] =	vst v57  }
0x4f: {  	v63 =	vld.idx.msk [tilespmem:v0+s27+$0x20 ss:$0x1], $0xffff;
	[tilespmem:s31+$0xFFFFFFD0] =	vst v58  }
.Ltmp4:
0x50: {  	[tilespmem:s31+$0xFFFFFFE0] =	vst v59;
	(pc) =	sbr.rel @p1 .LBB1_4-.Ltmp4, $4  }
0x51: {  	[tilespmem:s31+$0xFFFFFFF0] =	vst v60  }
0x52: {  	[tilespmem:s31+$0x0] =	vst v61  }
0x53: {  	[tilespmem:s31+$0x10] =	vst v62  }
0x54: {  	p2 =	por $0x0, $0x0;
	s26 =	simm.s32 $0x1;
	[tilespmem:s31+$0x20] =	vst v63  }
.Ltmp5:
0x55: {  	(pc) =	sbr.rel @p0 .LBB1_3-.Ltmp5, $2  }
0x56: {  	_ =	sdelay $0x2  }
0x57: {  	s24 =	simm.s32 $0x1;
	p1 =	por $0x0, $0x0  }
0x58: {  	s20 =	smul.u32 $0x70800, s20  }
0x59: {  	s18 =	smul.u32 $0x38400, s18  }
.Ltmp6:
0x5a: {  	s19 =	sshll.u32 s19, $0x4;
	s20 =	sadd.s32 s2, s20;
	(pc) =	sbr.rel .LBB1_9-.Ltmp6, $4  }
0x5b: {  	s19 =	sand.u32 $0x10, s19;
	s18 =	sadd.s32 s18, s20  }
0x5c: {  	s17 =	sshll.u32 s17, $0x5;
	s18 =	sadd.s32 s19, s18  }
0x5d: {  	s17 =	sadd.s32 s17, s18  }
0x5e: {  	[hbm4b:s17+s9] =	stream.strided.scatter [tilespmem:s21], [sflag:$0x2], $0x4000, s10, s9, $0x38;
	[tilespmem:$0x10000] =	vst v63  }
.LBB1_10:
0x5f: {  	_ =	sfence.sel $0x180000  }
0x60: {  	s2 =	simm.s32 $0x1;
	[bflag:$0x0] =	sbarrier.arrive $0xFFFF  }
0x61: {  	s31 =	simm.s32 $0x2;
	[sflag:s2] =	ssyncpa.u1 $0x1  }
0x62: {  	[sflag:s31] =	ssyncpa.u1 $0x1  }
0x63: {  	p0 =	sne.s32 s0, $0x0;
	_ =	strace $0x9000004D  }
0x64: {  	s0 =	sadd.s32 @!p0 $0x100000, s1;
	[bflag:$0x2] =	sbarrier.arrive $0xFFFF  }
0x65: {  	[sflag:s0] =	ssyncadd.tile.s32 @!p0 $0x1;
	_ =	shalt  }
.Lfunc_end1:
_tile_overlayer_lowered:
.L_overlay_start_2:
0x66: {  	(tag) =	ssettag $0x2  }
0x67: {  	s0 =	rddreg [dreg:$0x0];
	s2 =	stileid.u32  }
0x68: {  	s1 =	rddreg [dreg:$0x1];
	p0 =	sne.s32 s2, $0x0  }
0x69: {  	s3 =	rddreg [dreg:$0x2];
	[bflag:$0x3] =	sbarrier.arrive $0xFFFF;
	s2 =	simm.s32 @!p0 $0x1C01  }
0x6a: {  	[timem:s3], [sflag:s2] =	dma.local @!p0 [hbm:s0], s1  }
0x6b: {  	s0 =	simm.s32 @!p0 $0x1  }
0x6c: {  	_ =	swait.ge @!p0 [sflag:s0], s1  }
0x6d: {  	s1 =	ssub.s32 @!p0 $0x0, s1;
	[sflag:s0] =	ssyncset.done @!p0 $0x0  }
0x6e: {  	[sflag:s0] =	ssyncadd.s32 @!p0 s1  }
0x6f: {  	[bflag:$0x3] =	sbarrier.arrive $0xFFFF  }
0x70: {  	_ =	shalt  }

// kernel: sparse-core-data-format-call.2.cloned.1.call-start
scs
called_computation.3_lowered:
.L_overlay_start_0:
0x0: {  	s2 =	sld [smem:$0x3FD9]  }
0x1: {  	s3 =	sld [smem:$0x3FFE];
	_ =	sdelay $0x1  }
0x2: {  	s1 =	srdreg.scid  }
0x3: {  	s0 =	sand.u32 $0x1, s1  }
0x4: {  	s15 =	sshll.u32 s0, $0xA;
	s2 =	sadd.s32 s3, s2  }
0x5: {  	s2 =	sadd.s32 s2, s15  }
0x6: {  	[smem:$0x3FC0] =	sst s2  }
0x7: {  	_ = 	snop  }
0x8: {  	s2 =	sld [smem:$0x3FD0];
	_ =	sdelay $0x2  }
0x9: {  	s16 =	simm.s32 $0xB;
	s4 =	simm.s32 $0x10  }
0xa: {  	[smem:s4], [sflag:s16] =	dma.local [hbm:s2], $0x1  }
0xb: {  	_ =	swait.eq [sflag:s16], $0x1  }
0xc: {  	[sflag:s16] =	ssyncset.done $0x0  }
0xd: {  	[sflag:s16] =	ssyncadd.s32 $0xFFFFFFFF  }
0xe: {  	s17 =	sld [smem:$0x12];
	(tm) =	ssettm $0x1  }
0xf: {  	s18 =	sld [smem:$0x3FFB];
	_ =	sdelay $0x3  }
0x10: {  	_ =	strace s18  }
0x11: {  	s3 =	sld [smem:$0x3FFC];
	_ =	sdelay $0x3  }
0x12: {  	_ =	strace s3  }
0x13: {  	s3 =	sld [smem:$0x3FFD];
	_ =	sdelay $0x3  }
0x14: {  	_ =	strace s3  }
0x15: {  	_ =	strace $0x8FFFFFFF  }
0x16: {  	s19 =	sld [smem:$0x3FDB];
	_ =	sdelay $0x1  }
0x17: {  	s20 =	simm.s32 $_scs_section_size  }
0x18: {  	s5 =	simm.s32 $_size__tile_overlayer_lowered;
	s6 =	simm.s32 $_tile_overlayer_lowered  }
0x19: {  	s23 =	simm.s32 $0x1BFF;
	s22 =	sshll.u32 s6, $0x1;
	s3 =	sadd.s32 s20, s19  }
0x1a: {  	s7 =	simm.s32 $0x0;
	s21 =	sshll.u32 s5, $0x1;
	s5 =	sadd.s32 s22, s3  }
0x1b: {  	[timem:s7], [sflag:s23] =	dma.local [hbm:s5], s21  }
0x1c: {  	_ =	swait.ge [sflag:s23], s21  }
0x1d: {  	s4 =	ssub.s32 $0x0, s21;
	[sflag:s23] =	ssyncset.done $0x0  }
0x1e: {  	[sflag:s23] =	ssyncadd.s32 s4;
	_ =	sdelay $0x1  }
0x1f: {  	s24 =	simm.s32 $0x1B8B  }
0x20: {  	_ =	swait.ge [sflag:s24], $0x1  }
0x21: {  	[sflag:s24] =	ssyncset.done $0x0  }
0x22: {  	s26 =	simm.s32 $0x1B8E;
	s25 =	sld [smem:$0x3FFE];
	[sflag:s24] =	ssyncadd.s32 $0xFFFFFFFF  }
0x23: {  	s27 =	simm.s32 $execute0_lowered;
	[smem:$0x3FD2] =	sst s26  }
0x24: {  	s5 =	sshll.u32 s27, $0x1;
	_ =	strace $0x80000046;
	[dreg:$0x1] =	wrdreg $0xFFFFFFFF  }
0x25: {  	s28 =	simm.s32 $_size_execute0_lowered;
	s3 =	sadd.s32 s3, s5;
	[dreg:$0x0] =	wrdreg $0x0  }
0x26: {  	s5 =	sshll.u32 s28, $0x1;
	[dreg:$0x2] =	wrdreg s3  }
0x27: {  	[dreg:$0x3] =	wrdreg s5  }
0x28: {  	[dreg:$0x4] =	wrdreg $0xC0  }
0x29: {  	_ =	task [dreg:s7], $0x5FFFF  }
0x2a: {  	[dreg:$0x1] =	wrdreg $0xFFFFFFFF  }
0x2b: {  	[dreg:$0x0] =	wrdreg $0x60  }
0x2c: {  	[dreg:$0x2] =	wrdreg s25  }
0x2d: {  	[dreg:$0x3] =	wrdreg s17  }
0x2e: {  	[dreg:$0x4] =	wrdreg $0x9  }
0x2f: {  	_ =	task.clear_ibuf [dreg:s7], $0x5FFFF;
	_ =	strace $0x90000046  }
0x30: {  	s29 =	simm.s32 $0x9;
	_ =	strace $0x80000048  }
0x31: {  	_ =	swait.ge [sflag:s29], $0x1  }
0x32: {  	[sflag:s29] =	ssyncadd.s32 $0xFFFFFFFF  }
0x33: {  	_ =	strace $0x90000048  }
0x34: {  	_ =	sfence  }
0x35: {  	s30 =	sld [smem:$0x0];
	_ =	sdelay $0x2  }
0x36: {  	s31 =	sshll.u32 s1, $0xD;
	s1 =	sshrl.u32 s1, $0x2  }
0x37: {  	s3 =	sand.u32 $0x4000, s31;
	s1 =	sadd.s32 s1, s30  }
0x38: {  	s0 =	sor.u32 s3, s0;
	s1 =	sshll.u32 s1, $0x11  }
0x39: {  	s0 =	sor.u32 s1, s0  }
0x3a: {  	s0 =	sadd.s32 $0x8F2B, s0  }
0x3b: {  	[sflag:s0] =	ssyncadd.remote.s32 $0x1  }
0x3c: {  	_ =	sfence.sel $0xFFFF  }
0x3d: {  	[dreg:$0x0] =	wrdreg $0xFFFFFFFF;
	(pc) =	sbr.abs _section_cstart, $3  }
0x3e: {  	[dreg:$0x1] =	wrdreg $0xFFFFFFFF  }
0x3f: {  	_ =	task.clear_ibuf [dreg:s7], $0x2FFFF;
	_ =	strace $0x9FFFFFFF  }
0x40: {  	(tm) =	ssettm $0x7FFFFFFF  }
0x41: {  	_ =	shalt  }
tec
execute0_lowered:
.L_overlay_start_1:
0x0: {  	(tag) =	ssettag $0x1  }
0x1: {  	s0 =	srdreg.scid  }
0x2: {  	s1 =	sshll.u32 s0, $0x4  }
0x3: {  	s2 =	rddreg [dreg:$0x0];
	s0 =	stileid.u32;
	s1 =	sand.u32 $0x10, s1  }
0x4: {  	s4 =	rddreg [dreg:$0x1];
	s1 =	sor.u32 s0, s1  }
0x5: {  	s7 =	simm.s32 $0x1;
	s8 =	simm.s32 $0x2;
	s3 =	sshll.u32 s1, $0x6  }
0x6: {  	s12 =	simm.s32 $0x0;
	s9 =	simm.s32 $0x400000;
	s6 =	ssub.s32 $0x8000, s3  }
.Ltmp0:
0x7: {  	s11 =	simm.s32 $0x0;
	s5 =	sand.u32 $0x7C0, s6;
	(pc) =	sbr.rel .LBB1_1-.Ltmp0, $4  }
0x8: {  	s1 =	rddreg [dreg:$0x2];
	_ =	strace $0x80000047;
	p0 =	sne.s32 s5, $0x0  }
0x9: {  	s6 =	sshrl.u32 s6, $0xB;
	s5 =	simm.s32 $0x1;
	s7 =	simm.s32 @!p0 $0x0  }
0xa: {  	s10 =	smov.u32 s3;
	[sflag:s5] =	ssyncpa.u1 $0x0;
	s6 =	sadd.s32 s7, s6  }
0xb: {  	[sflag:s8] =	ssyncpa.u1 $0x0;
	s8 =	simm.s32 $0x2000;
	s7 =	sadd.s32 $0x1, s6  }
.LBB1_7:
0xc: {  	s14 =	sadd.s32 $0x800, s10  }
0xd: {  	p1 =	sgt.s32 s14, $0x7FFF  }
0xe: {  	s14 =	smov.u32 @p1 s3;
	p1 =	sne.s32 s11, s7  }
.Ltmp1:
0xf: {  	p0 =	slt.u32 s11, $0x2;
	(pc) =	sbr.rel @!p1 .LBB1_8-.Ltmp1, $4  }
0x10: {  	s13 =	simm.s32 @!p0 $0x2  }
0x11: {  	_ =	swait.ge @!p0 [sflag:s13], $0x4000  }
0x12: {  	s15 =	sadd.s32 $0x1, s11;
	s12 =	smov.u32 s10;
	[sflag:s13] =	ssyncset.done @!p0 $0x0  }
0x13: {  	s11 =	smov.u32 s15;
	s10 =	smov.u32 s14;
	[sflag:s13] =	ssyncadd.s32 @!p0 $0xFFFFC000  }
.LBB1_1:
0x14: {  	p0 =	sge.u32 s11, s6  }
0x15: {  	s13 =	sxor.u32 @!p0 $0xFFFFFFFF, s11  }
0x16: {  	s31 =	sadd.s32 $0xFFFFFFFF, s11;
	s14 =	sshll.u32 @!p0 s10, $0x5;
	s13 =	sshll.u32 @!p0 s13, $0xE  }
0x17: {  	s15 =	simm.s32 @!p0 $0x0;
	s14 =	sadd.s32 @!p0 s2, s14;
	s13 =	sand.u32 @!p0 $0x4000, s13  }
0x18: {  	[tilespmem:s13], [sflag:$0x1] =	stream.linear.gather @!p0 [hbm4b:s14+s15], $0x4000, $0x38;
	[tilespmem:$0x10000] =	vst v63  }
0x19: {  	p0 =	sge.u32 s31, s6  }
.Ltmp2:
0x1a: {  	_ = 	snop;
	(pc) =	sbr.rel @p0 .LBB1_7-.Ltmp2, $1  }
0x1b: {  	_ =	sdelay $0x3  }
0x1c: {  	_ =	swait.ge [sflag:s5], $0x4000;
	s13 =	sshll.u32 s11, $0xE  }
0x1d: {  	[sflag:s5] =	ssyncset.done $0x0;
	s14 =	sand.u32 $0x4000, s13  }
0x1e: {  	s15 =	simm.s32 $0x0;
	[sflag:s5] =	ssyncadd.s32 $0xFFFFC000;
	s13 =	sor.u32 $0x8000, s14  }
.LBB1_3:
0x1f: {  	s16 =	sshll.u32 s15, $0x8  }
0x20: {  	s16 =	sand.u32 $0x3FFFFF00, s16  }
0x21: {  	s17 =	sshll.u32 s15, $0x7;
	s16 =	sadd.s32 s16, s14  }
0x22: {  	s17 =	sand.u32 $0x3FFFFF80, s17;
	v0 =	vmov s16  }
0x23: {  	s17 =	sadd.s32 s17, s13  }
0x24: {  	p0 =	por $0x1, $0x1;
	v1 =	vmov s17;
	s16 =	simm.s32 $0x0  }
.LBB1_4:
0x25: {  	s17 =	sshll.u32 s16, $0x7  }
0x26: {  	s17 =	sand.u32 $0x3FFFFF80, s17  }
0x27: {  	v2 =	vld.idx.msk [tilespmem:v0+s17+$0x0 ss:$0x1], $0xffff  }
0x28: {  	v3 =	vld.idx.msk [tilespmem:v0+s17+$0x10 ss:$0x1], $0xffff  }
0x29: {  	v4 =	vld.idx.msk [tilespmem:v0+s17+$0x20 ss:$0x1], $0xffff  }
0x2a: {  	s31 =	sshll.u32 s16, $0xD;
	v5 =	vld.idx.msk [tilespmem:v0+s17+$0x30 ss:$0x1], $0xffff  }
0x2b: {  	s16 =	sand.u32 $0x3FFFE000, s31;
	v6 =	vld.idx.msk [tilespmem:v0+s17+$0x40 ss:$0x1], $0xffff  }
0x2c: {  	v63 =	vld.idx.msk [tilespmem:v0+s17+$0x70 ss:$0x1], $0xffff;
	[tilespmem:v1+s16+$0x0 ss:$0x1] =	vst.idx.msk $0xffff, v2  }
0x2d: {  	v2 =	vld.idx.msk [tilespmem:v0+s17+$0x50 ss:$0x1], $0xffff;
	[tilespmem:v1+s16+$0x10 ss:$0x1] =	vst.idx.msk $0xffff, v3  }
0x2e: {  	p1 =	por p0, p0;
	v3 =	vld.idx.msk [tilespmem:v0+s17+$0x60 ss:$0x1], $0xffff;
	[tilespmem:v1+s16+$0x20 ss:$0x1] =	vst.idx.msk $0xffff, v4  }
.Ltmp3:
0x2f: {  	[tilespmem:v1+s16+$0x30 ss:$0x1] =	vst.idx.msk $0xffff, v5;
	(pc) =	sbr.rel @p1 .LBB1_4-.Ltmp3, $4  }
0x30: {  	[tilespmem:v1+s16+$0x40 ss:$0x1] =	vst.idx.msk $0xffff, v6  }
0x31: {  	[tilespmem:v1+s16+$0x70 ss:$0x1] =	vst.idx.msk $0xffff, v63  }
0x32: {  	[tilespmem:v1+s16+$0x50 ss:$0x1] =	vst.idx.msk $0xffff, v2  }
0x33: {  	p0 =	por $0x0, $0x0;
	[tilespmem:v1+s16+$0x60 ss:$0x1] =	vst.idx.msk $0xffff, v3;
	s16 =	simm.s32 $0x1  }
0x34: {  	s15 =	sadd.s32 $0x1, s15  }
0x35: {  	p0 =	sne.s32 s15, $0x40  }
.Ltmp4:
0x36: {  	_ = 	snop;
	(pc) =	sbr.rel @p0 .LBB1_3-.Ltmp4, $1  }
0x37: {  	_ =	sdelay $0x3  }
.Ltmp5:
0x38: {  	(pc) =	sbr.rel .LBB1_7-.Ltmp5, $4  }
0x39: {  	s12 =	sshll.u32 s12, $0x4  }
0x3a: {  	s12 =	sand.u32 $0x7FFF0, s12  }
0x3b: {  	s12 =	sadd.s32 s4, s12  }
0x3c: {  	[hbm4b:s12+s8] =	stream.strided.scatter [tilespmem:s13], [sflag:$0x2], $0x4000, s9, s8, $0x38;
	[tilespmem:$0x10000] =	vst v63  }
.LBB1_8:
0x3d: {  	_ =	sfence.sel $0x180000  }
0x3e: {  	s2 =	simm.s32 $0x1;
	[bflag:$0x0] =	sbarrier.arrive $0xFFFF  }
0x3f: {  	s31 =	simm.s32 $0x2;
	[sflag:s2] =	ssyncpa.u1 $0x1  }
0x40: {  	[sflag:s31] =	ssyncpa.u1 $0x1  }
0x41: {  	p0 =	sne.s32 s0, $0x0;
	_ =	strace $0x90000047  }
0x42: {  	s0 =	sadd.s32 @!p0 $0x100000, s1;
	[bflag:$0x2] =	sbarrier.arrive $0xFFFF  }
0x43: {  	[sflag:s0] =	ssyncadd.tile.s32 @!p0 $0x1;
	_ =	shalt  }
.Lfunc_end1:
_tile_overlayer_lowered:
.L_overlay_start_2:
0x44: {  	(tag) =	ssettag $0x2  }
0x45: {  	s0 =	rddreg [dreg:$0x0];
	s2 =	stileid.u32  }
0x46: {  	s1 =	rddreg [dreg:$0x1];
	p0 =	sne.s32 s2, $0x0  }
0x47: {  	s3 =	rddreg [dreg:$0x2];
	[bflag:$0x3] =	sbarrier.arrive $0xFFFF;
	s2 =	simm.s32 @!p0 $0x1C01  }
0x48: {  	[timem:s3], [sflag:s2] =	dma.local @!p0 [hbm:s0], s1  }
0x49: {  	s0 =	simm.s32 @!p0 $0x1  }
0x4a: {  	_ =	swait.ge @!p0 [sflag:s0], s1  }
0x4b: {  	s1 =	ssub.s32 @!p0 $0x0, s1;
	[sflag:s0] =	ssyncset.done @!p0 $0x0  }
0x4c: {  	[sflag:s0] =	ssyncadd.s32 @!p0 s1  }
0x4d: {  	[bflag:$0x3] =	sbarrier.arrive $0xFFFF  }
0x4e: {  	_ =	shalt  }

// kernel: sparse-core-data-format-call.cloned.1.call-start
scs
called_computation.1_lowered:
.L_overlay_start_0:
0x0: {  	s2 =	sld [smem:$0x3FD9]  }
0x1: {  	s3 =	sld [smem:$0x3FFE];
	_ =	sdelay $0x1  }
0x2: {  	s1 =	srdreg.scid  }
0x3: {  	s0 =	sand.u32 $0x1, s1  }
0x4: {  	s16 =	sshll.u32 s0, $0xA;
	s2 =	sadd.s32 s3, s2  }
0x5: {  	s2 =	sadd.s32 s2, s16  }
0x6: {  	[smem:$0x3FC0] =	sst s2  }
0x7: {  	_ = 	snop  }
0x8: {  	s2 =	sld [smem:$0x3FD0];
	_ =	sdelay $0x2  }
0x9: {  	s17 =	simm.s32 $0xB;
	s4 =	simm.s32 $0x10  }
0xa: {  	[smem:s4], [sflag:s17] =	dma.local [hbm:s2], $0x1  }
0xb: {  	_ =	swait.eq [sflag:s17], $0x1  }
0xc: {  	[sflag:s17] =	ssyncset.done $0x0  }
0xd: {  	[sflag:s17] =	ssyncadd.s32 $0xFFFFFFFF  }
0xe: {  	s18 =	sld [smem:$0x12];
	(tm) =	ssettm $0x1  }
0xf: {  	s19 =	sld [smem:$0x3FFB];
	_ =	sdelay $0x3  }
0x10: {  	_ =	strace s19  }
0x11: {  	s2 =	sld [smem:$0x3FFC];
	_ =	sdelay $0x3  }
0x12: {  	_ =	strace s2  }
0x13: {  	s2 =	sld [smem:$0x3FFD];
	_ =	sdelay $0x3  }
0x14: {  	_ =	strace s2  }
0x15: {  	_ =	strace $0x8FFFFFFF  }
0x16: {  	s20 =	sld [smem:$0x3FDB];
	_ =	sdelay $0x1  }
0x17: {  	s21 =	simm.s32 $_scs_section_size  }
0x18: {  	s5 =	simm.s32 $_size__tile_overlayer_lowered;
	s6 =	simm.s32 $_tile_overlayer_lowered  }
0x19: {  	s7 =	simm.s32 $0x1BFF;
	s22 =	sshll.u32 s6, $0x1;
	s4 =	sadd.s32 s21, s20  }
0x1a: {  	s23 =	simm.s32 $0x0;
	s5 =	sshll.u32 s5, $0x1;
	s6 =	sadd.s32 s22, s4  }
0x1b: {  	[timem:s23], [sflag:s7] =	dma.local [hbm:s6], s5  }
0x1c: {  	_ =	swait.ge [sflag:s7], s5  }
0x1d: {  	s5 =	ssub.s32 $0x0, s5;
	[sflag:s7] =	ssyncset.done $0x0  }
0x1e: {  	[sflag:s7] =	ssyncadd.s32 s5;
	_ =	sdelay $0x1  }
0x1f: {  	s24 =	simm.s32 $0x1B8B  }
0x20: {  	_ =	swait.ge [sflag:s24], $0x1  }
0x21: {  	[sflag:s24] =	ssyncset.done $0x0  }
0x22: {  	[sflag:s24] =	ssyncadd.s32 $0xFFFFFFFF  }
0x23: {  	s5 =	sld [smem:$0x0]  }
0x24: {  	s6 =	sand.u32 $0xFFFFFFFE, s1  }
0x25: {  	p0 =	sne.s32 s1, s6  }
0x26: {  	s6 =	sshll.u32 @p0 s6, $0xE  }
0x27: {  	s6 =	sadd.s32 @p0 $0x11B8D, s6;
	s7 =	sshll.u32 @p0 s5, $0x11  }
0x28: {  	s6 =	sor.u32 @p0 s7, s6  }
0x29: {  	[sflag:s6] =	ssyncadd.remote.s32 @p0 $0x1;
	_ =	sdelay $0x1  }
0x2a: {  	s6 =	simm.s32 @p0 $0x1B8D  }
0x2b: {  	_ =	swait.eq @p0 [sflag:s6], $0x1  }
0x2c: {  	[sflag:s6] =	ssyncadd.s32 @p0 $0xFFFFFFFF  }
0x2d: {  	s7 =	sshll.u32 @!p0 s1, $0xE  }
0x2e: {  	s7 =	sor.u32 @!p0 $0x4000, s7;
	s6 =	simm.s32 @!p0 $0x1B8D  }
0x2f: {  	s5 =	sshll.u32 @!p0 s5, $0x11;
	s7 =	sadd.s32 @!p0 $0x11B8D, s7;
	_ =	swait.eq @!p0 [sflag:s6], $0x1  }
0x30: {  	s5 =	sor.u32 @!p0 s5, s7;
	[sflag:s6] =	ssyncadd.s32 @!p0 $0xFFFFFFFF  }
0x31: {  	s26 =	simm.s32 $0x1B8E;
	s25 =	sld [smem:$0x3FFE];
	[sflag:s5] =	ssyncadd.remote.s32 @!p0 $0x1  }
0x32: {  	s27 =	simm.s32 $execute0_lowered;
	[smem:$0x3FD2] =	sst s26  }
0x33: {  	s6 =	sshll.u32 s27, $0x1;
	_ =	strace $0x80000052;
	[dreg:$0x1] =	wrdreg $0xFFFFFFFF  }
0x34: {  	s28 =	simm.s32 $_size_execute0_lowered;
	s4 =	sadd.s32 s4, s6;
	[dreg:$0x0] =	wrdreg $0x0  }
0x35: {  	s6 =	sshll.u32 s28, $0x1;
	[dreg:$0x2] =	wrdreg s4  }
0x36: {  	[dreg:$0x3] =	wrdreg s6  }
0x37: {  	[dreg:$0x4] =	wrdreg $0xC0  }
0x38: {  	_ =	task [dreg:s23], $0x5FFFF  }
0x39: {  	[dreg:$0x1] =	wrdreg $0xFFFFFFFF  }
0x3a: {  	[dreg:$0x0] =	wrdreg $0x60  }
0x3b: {  	[dreg:$0x2] =	wrdreg s18  }
0x3c: {  	[dreg:$0x3] =	wrdreg s25  }
0x3d: {  	[dreg:$0x4] =	wrdreg $0xA  }
0x3e: {  	_ =	task.clear_ibuf [dreg:s23], $0x5FFFF;
	_ =	strace $0x90000052  }
0x3f: {  	s29 =	simm.s32 $0xA;
	_ =	strace $0x80000054  }
0x40: {  	_ =	swait.ge [sflag:s29], $0x1  }
0x41: {  	[sflag:s29] =	ssyncadd.s32 $0xFFFFFFFF  }
0x42: {  	_ =	strace $0x90000054  }
0x43: {  	_ =	sfence  }
0x44: {  	s30 =	sld [smem:$0x0];
	_ =	sdelay $0x2  }
0x45: {  	s31 =	sshll.u32 s1, $0xD;
	s1 =	sshrl.u32 s1, $0x2  }
0x46: {  	s4 =	sand.u32 $0x4000, s31;
	s1 =	sadd.s32 s1, s30  }
0x47: {  	s0 =	sor.u32 s4, s0;
	s1 =	sshll.u32 s1, $0x11  }
0x48: {  	s0 =	sor.u32 s1, s0  }
0x49: {  	s0 =	sadd.s32 $0x8F2B, s0  }
0x4a: {  	[sflag:s0] =	ssyncadd.remote.s32 $0x1  }
0x4b: {  	_ =	sfence.sel $0xFFFF  }
0x4c: {  	[dreg:$0x0] =	wrdreg $0xFFFFFFFF;
	(pc) =	sbr.abs _section_cstart, $3  }
0x4d: {  	[dreg:$0x1] =	wrdreg $0xFFFFFFFF  }
0x4e: {  	_ =	task.clear_ibuf [dreg:s23], $0x2FFFF;
	_ =	strace $0x9FFFFFFF  }
0x4f: {  	(tm) =	ssettm $0x7FFFFFFF  }
tec
execute0_lowered:
.L_overlay_start_1:
0x0: {  	(tag) =	ssettag $0x1  }
0x1: {  	s0 =	srdreg.scid  }
0x2: {  	s1 =	sshll.u32 s0, $0x4  }
0x3: {  	s2 =	rddreg [dreg:$0x0];
	s0 =	stileid.u32;
	s1 =	sand.u32 $0x10, s1  }
0x4: {  	s6 =	rddreg [dreg:$0x1];
	s1 =	sor.u32 s0, s1  }
0x5: {  	s7 =	simm.s32 $0x1;
	s8 =	simm.s32 $0x2;
	s3 =	sshll.u32 s1, $0x3  }
0x6: {  	s11 =	simm.s32 $0x0;
	s10 =	simm.s32 $0x0;
	s5 =	ssub.s32 $0x1C20, s3  }
.Ltmp0:
0x7: {  	s6 =	sadd.s32 $0x3E00, s6;
	s4 =	sand.u32 $0xF8, s5;
	(pc) =	sbr.rel .LBB1_1-.Ltmp0, $4  }
0x8: {  	s1 =	rddreg [dreg:$0x2];
	_ =	strace $0x80000053;
	p0 =	sne.s32 s4, $0x0  }
0x9: {  	s5 =	sshrl.u32 s5, $0x8;
	s4 =	simm.s32 $0x1;
	s7 =	simm.s32 @!p0 $0x0  }
0xa: {  	s9 =	smov.u32 s3;
	[sflag:s4] =	ssyncpa.u1 $0x0;
	s5 =	sadd.s32 s7, s5  }
0xb: {  	[sflag:s8] =	ssyncpa.u1 $0x0;
	s8 =	simm.s32 $0x0;
	s7 =	sadd.s32 $0x1, s5  }
.LBB1_9:
0xc: {  	s13 =	sadd.s32 $0x100, s9  }
0xd: {  	p1 =	sgt.s32 s13, $0x1C1F  }
0xe: {  	s13 =	smov.u32 @p1 s3;
	p1 =	sne.s32 s10, s7  }
.Ltmp1:
0xf: {  	p0 =	slt.u32 s10, $0x2;
	(pc) =	sbr.rel @!p1 .LBB1_10-.Ltmp1, $4  }
0x10: {  	s12 =	simm.s32 @!p0 $0x2  }
0x11: {  	_ =	swait.ge @!p0 [sflag:s12], $0x4000  }
0x12: {  	s14 =	sadd.s32 $0x1, s10;
	s11 =	smov.u32 s9;
	[sflag:s12] =	ssyncset.done @!p0 $0x0  }
0x13: {  	s10 =	smov.u32 s14;
	s9 =	smov.u32 s13;
	[sflag:s12] =	ssyncadd.s32 @!p0 $0xFFFFC000  }
.LBB1_1:
0x14: {  	p0 =	sge.u32 s10, s5  }
0x15: {  	s12 =	sxor.u32 @!p0 $0xFFFFFFFF, s10  }
0x16: {  	s31 =	sadd.s32 $0xFFFFFFFF, s10;
	s13 =	sshll.u32 @!p0 s9, $0x8;
	s12 =	sshll.u32 @!p0 s12, $0xE  }
0x17: {  	s14 =	simm.s32 @!p0 $0x0;
	s13 =	sadd.s32 @!p0 s2, s13;
	s12 =	sand.u32 @!p0 $0x4000, s12  }
0x18: {  	[tilespmem:s12], [sflag:$0x1] =	stream.linear.gather @!p0 [hbm4b:s13+s14], $0x4000, $0x38;
	[tilespmem:$0x10000] =	vst v63  }
0x19: {  	p0 =	sge.u32 s31, s5  }
.Ltmp2:
0x1a: {  	_ = 	snop;
	(pc) =	sbr.rel @p0 .LBB1_9-.Ltmp2, $1  }
0x1b: {  	_ =	sdelay $0x3  }
0x1c: {  	_ =	swait.ge [sflag:s4], $0x4000;
	s12 =	sshll.u32 s10, $0xE  }
0x1d: {  	[sflag:s4] =	ssyncset.done $0x0;
	s13 =	sand.u32 $0x4000, s12  }
0x1e: {  	s14 =	simm.s32 $0x0;
	[sflag:s4] =	ssyncadd.s32 $0xFFFFC000;
	s12 =	sor.u32 $0x8000, s13  }
.LBB1_3:
0x1f: {  	s16 =	sshll.u32 s14, $0xB  }
0x20: {  	s17 =	simm.s32 $0x0;
	s15 =	sadd.s32 s16, s13;
	s16 =	sadd.s32 s16, s12  }
.LBB1_4:
0x21: {  	s18 =	sshll.u32 s17, $0x8  }
0x22: {  	s18 =	sand.u32 $0x3FFFFF00, s18  }
0x23: {  	s19 =	sshll.u32 s17, $0x7;
	s20 =	sadd.s32 s18, s15  }
0x24: {  	s19 =	sand.u32 $0x3FFFFF80, s19;
	v0 =	vmov s20  }
0x25: {  	s19 =	sadd.s32 s19, s16  }
0x26: {  	p0 =	por $0x1, $0x1;
	s18 =	simm.s32 $0x0;
	v1 =	vmov s19  }
.LBB1_5:
0x27: {  	s19 =	sshll.u32 s18, $0x7  }
0x28: {  	s19 =	sand.u32 $0x3FFFFF80, s19  }
0x29: {  	v2 =	vld.idx.msk [tilespmem:v0+s19+$0x0 ss:$0x1], $0xffff  }
0x2a: {  	v3 =	vld.idx.msk [tilespmem:v0+s19+$0x10 ss:$0x1], $0xffff  }
0x2b: {  	v4 =	vld.idx.msk [tilespmem:v0+s19+$0x20 ss:$0x1], $0xffff  }
0x2c: {  	s31 =	sshll.u32 s18, $0xA;
	v5 =	vld.idx.msk [tilespmem:v0+s19+$0x30 ss:$0x1], $0xffff  }
0x2d: {  	s18 =	sand.u32 $0x3FFFFC00, s31;
	v6 =	vld.idx.msk [tilespmem:v0+s19+$0x40 ss:$0x1], $0xffff  }
0x2e: {  	v63 =	vld.idx.msk [tilespmem:v0+s19+$0x70 ss:$0x1], $0xffff;
	[tilespmem:v1+s18+$0x0 ss:$0x1] =	vst.idx.msk $0xffff, v2  }
0x2f: {  	v2 =	vld.idx.msk [tilespmem:v0+s19+$0x50 ss:$0x1], $0xffff;
	[tilespmem:v1+s18+$0x10 ss:$0x1] =	vst.idx.msk $0xffff, v3  }
0x30: {  	p1 =	por p0, p0;
	v3 =	vld.idx.msk [tilespmem:v0+s19+$0x60 ss:$0x1], $0xffff;
	[tilespmem:v1+s18+$0x20 ss:$0x1] =	vst.idx.msk $0xffff, v4  }
.Ltmp3:
0x31: {  	[tilespmem:v1+s18+$0x30 ss:$0x1] =	vst.idx.msk $0xffff, v5;
	(pc) =	sbr.rel @p1 .LBB1_5-.Ltmp3, $4  }
0x32: {  	[tilespmem:v1+s18+$0x40 ss:$0x1] =	vst.idx.msk $0xffff, v6  }
0x33: {  	[tilespmem:v1+s18+$0x70 ss:$0x1] =	vst.idx.msk $0xffff, v63  }
0x34: {  	[tilespmem:v1+s18+$0x50 ss:$0x1] =	vst.idx.msk $0xffff, v2  }
0x35: {  	p0 =	por $0x0, $0x0;
	[tilespmem:v1+s18+$0x60 ss:$0x1] =	vst.idx.msk $0xffff, v3;
	s18 =	simm.s32 $0x1  }
0x36: {  	s17 =	sadd.s32 $0x1, s17  }
0x37: {  	p0 =	sne.s32 s17, $0x8  }
.Ltmp4:
0x38: {  	_ = 	snop;
	(pc) =	sbr.rel @p0 .LBB1_4-.Ltmp4, $1  }
0x39: {  	_ =	sdelay $0x3  }
0x3a: {  	s14 =	sadd.s32 $0x1, s14  }
0x3b: {  	p0 =	sne.s32 s14, $0x8  }
.Ltmp5:
0x3c: {  	_ = 	snop;
	(pc) =	sbr.rel @p0 .LBB1_3-.Ltmp5, $1  }
0x3d: {  	_ =	sdelay $0x3  }
.Ltmp6:
0x3e: {  	(pc) =	sbr.rel .LBB1_9-.Ltmp6, $4  }
0x3f: {  	_ = 	snop  }
0x40: {  	s11 =	sshll.u32 s11, $0x8  }
0x41: {  	s11 =	sadd.s32 s6, s11  }
0x42: {  	[hbm4b:s11+s8] =	stream.linear.scatter [tilespmem:s12], [sflag:$0x2], $0x4000, $0x38;
	[tilespmem:$0x10000] =	vst v63  }
.LBB1_10:
0x43: {  	_ =	sfence.sel $0x180000  }
0x44: {  	s2 =	simm.s32 $0x1;
	[bflag:$0x0] =	sbarrier.arrive $0xFFFF  }
0x45: {  	s31 =	simm.s32 $0x2;
	[sflag:s2] =	ssyncpa.u1 $0x1  }
0x46: {  	[sflag:s31] =	ssyncpa.u1 $0x1  }
0x47: {  	p0 =	sne.s32 s0, $0x0;
	_ =	strace $0x90000053  }
0x48: {  	s0 =	sadd.s32 @!p0 $0x100000, s1;
	[bflag:$0x2] =	sbarrier.arrive $0xFFFF  }
0x49: {  	[sflag:s0] =	ssyncadd.tile.s32 @!p0 $0x1;
	_ =	shalt  }
.Lfunc_end1:
_tile_overlayer_lowered:
.L_overlay_start_2:
0x4a: {  	(tag) =	ssettag $0x2  }
0x4b: {  	s0 =	rddreg [dreg:$0x0];
	s2 =	stileid.u32  }
0x4c: {  	s1 =	rddreg [dreg:$0x1];
	p0 =	sne.s32 s2, $0x0  }
0x4d: {  	s3 =	rddreg [dreg:$0x2];
	[bflag:$0x3] =	sbarrier.arrive $0xFFFF;
	s2 =	simm.s32 @!p0 $0x1C01  }
0x4e: {  	[timem:s3], [sflag:s2] =	dma.local @!p0 [hbm:s0], s1  }
0x4f: {  	s0 =	simm.s32 @!p0 $0x1  }
0x50: {  	_ =	swait.ge @!p0 [sflag:s0], s1  }
0x51: {  	s1 =	ssub.s32 @!p0 $0x0, s1;
	[sflag:s0] =	ssyncset.done @!p0 $0x0  }
0x52: {  	[sflag:s0] =	ssyncadd.s32 @!p0 s1  }
0x53: {  	[bflag:$0x3] =	sbarrier.arrive $0xFFFF  }
0x54: {  	_ =	shalt  }

</sc_bundles>
